<compile_context>
chip_gen: v7x
topology: tpu7x:2x2x1
jax: 0.10.2.dev20260603
libtpu: 0.0.44.dev20260713+nightly
codegen_flags: <defaults>
</compile_context>

<pallas_src>
import functools

import jax
import jax.numpy as jnp
from jax import lax
from jax.experimental import pallas as pl
from jax.experimental.pallas import tpu as pltpu
from jax.experimental.pallas import tpu_sc as plsc

N_NODES = 10000
HID = 16
N_CLS = 40

NCORE = 2
NSUB = 16
NW = NCORE * NSUB
CHUNK = 125
NPAD = 10112
RPT = NPAD // NSUB
FPT = N_NODES // NSUB


def _sc_spmm(feat, idx4, cpt, fuse_add_relu):
    mesh = plsc.VectorSubcoreMesh(core_axis_name="c", subcore_axis_name="s")
    NBUF = 8
    assert cpt % NBUF == 0, "pipeline assumes chunk count divisible by NBUF"

    @functools.partial(
        pl.kernel,
        out_type=jax.ShapeDtypeStruct((NCORE, NPAD, HID), jnp.float32),
        mesh=mesh,
        scratch_types=[
            pltpu.VMEM((cpt, CHUNK), jnp.int32),
            pltpu.VMEM((cpt, CHUNK), jnp.int32),
            [pltpu.VMEM((CHUNK, HID), jnp.float32)] * NBUF,
            pltpu.VMEM((RPT, HID), jnp.float32),
            pltpu.VMEM((RPT, HID), jnp.float32),
            pltpu.VMEM((RPT, HID), jnp.float32),
            pltpu.VMEM_SHARED((NPAD, HID), jnp.float32),
            pltpu.VMEM_SHARED((NPAD, HID), jnp.float32),
            [pltpu.SemaphoreType.DMA] * NBUF,
            [pltpu.SemaphoreType.DMA] * NBUF,
            pltpu.SemaphoreType.DMA,
        ],
        compiler_params=pltpu.CompilerParams(use_tc_tiling_on_sc=False),
    )
    def spmm(feat_hbm, idx_hbm, out_hbm, src_v, dst_v,
             rows, buf_v, buf2_v, buf3_v, acc_sh, feat_sh,
             gsem, ssem, stage_sem):
        c = lax.axis_index("c")
        s = lax.axis_index("s")
        w = c * NSUB + s

        pltpu.async_copy(idx_hbm.at[0, w], src_v, gsem[0])
        pltpu.async_copy(idx_hbm.at[1, w], dst_v, gsem[1])

        @pl.loop(0, RPT)
        def _(i):
            buf_v[i, :] = jnp.zeros((HID,), jnp.float32)

        pltpu.async_copy(buf_v, acc_sh.at[pl.ds(s * RPT, RPT)], ssem[0])

        if fuse_add_relu:
            pltpu.async_copy(feat_hbm.at[0, pl.ds(s * RPT, RPT)], buf2_v,
                             gsem[2])
            pltpu.async_copy(feat_hbm.at[1, pl.ds(s * RPT, RPT)], buf3_v,
                             gsem[3])
            pltpu.make_async_copy(feat_hbm.at[0, pl.ds(s * RPT, RPT)], buf2_v,
                                  gsem[2]).wait()
            pltpu.make_async_copy(feat_hbm.at[1, pl.ds(s * RPT, RPT)], buf3_v,
                                  gsem[3]).wait()

            @pl.loop(0, RPT)
            def _(i):
                buf2_v[i, :] = jnp.maximum(buf2_v[i, :] + buf3_v[i, :], 0.0)

            pltpu.sync_copy(buf2_v, feat_sh.at[pl.ds(s * RPT, RPT)])
        else:
            pltpu.async_copy(feat_hbm.at[pl.ds(s * FPT, FPT)],
                             feat_sh.at[pl.ds(s * FPT, FPT)], stage_sem)
            pltpu.make_async_copy(feat_hbm.at[pl.ds(s * FPT, FPT)],
                                  feat_sh.at[pl.ds(s * FPT, FPT)],
                                  stage_sem).wait()

        pltpu.make_async_copy(idx_hbm.at[0, w], src_v, gsem[0]).wait()
        pltpu.make_async_copy(idx_hbm.at[1, w], dst_v, gsem[1]).wait()
        pltpu.make_async_copy(buf_v, acc_sh.at[pl.ds(s * RPT, RPT)],
                              ssem[0]).wait()
        plsc.subcore_barrier()

        for b in range(NBUF - 1):
            pltpu.async_copy(feat_sh.at[src_v.at[b]], rows[b], gsem[b])

        @pl.loop(0, cpt, step=NBUF)
        def _(j):
            for b in range(NBUF):
                jj = j + b
                nxt = jj + NBUF - 1
                pb = (b + NBUF - 1) % NBUF
                pltpu.make_async_copy(
                    feat_sh.at[src_v.at[jj]], rows[b], gsem[b]).wait()

                @pl.when(nxt < cpt)
                def _():
                    @pl.when(jj >= 1)
                    def _():
                        pltpu.make_async_copy(
                            rows[pb], acc_sh.at[dst_v.at[jj - 1]],
                            ssem[pb]).wait()
                    pltpu.async_copy(
                        feat_sh.at[src_v.at[nxt]], rows[pb], gsem[pb])

                pltpu.async_copy(
                    rows[b], acc_sh.at[dst_v.at[jj]], ssem[b], add=True)

        for b in range(NBUF):
            pltpu.make_async_copy(
                rows[b], acc_sh.at[dst_v.at[cpt - NBUF + b]], ssem[b]).wait()
        plsc.subcore_barrier()
        pltpu.sync_copy(acc_sh.at[pl.ds(s * RPT, RPT)], buf_v)
        pltpu.sync_copy(buf_v, out_hbm.at[c, pl.ds(s * RPT, RPT)])

    return spmm(feat, idx4)


def _tc_in_proj(x, W1):
    def body(x_ref, w_ref, o_ref):
        o_ref[...] = jnp.dot(x_ref[...], w_ref[...],
                             preferred_element_type=jnp.float32)

    return pl.pallas_call(
        body,
        out_shape=jax.ShapeDtypeStruct((N_NODES, HID), jnp.float32),
    )(x, W1)


def _tc_out_proj(q, W2):
    def body(q_ref, w_ref, o_ref):
        z = q_ref[0, :N_NODES, :] + q_ref[1, :N_NODES, :]
        logits = jnp.dot(z, w_ref[...], preferred_element_type=jnp.float32)
        m = jnp.max(logits, axis=1, keepdims=True)
        e = jnp.exp(logits - m)
        lse = jnp.log(jnp.sum(e, axis=1, keepdims=True)) + m
        o_ref[...] = logits - lse

    return pl.pallas_call(
        body,
        out_shape=jax.ShapeDtypeStruct((N_NODES, N_CLS), jnp.float32),
    )(q, W2)


def kernel(x, edge_index, W1, W2):
    n_edges = edge_index.shape[1]
    per_worker = (n_edges + NW - 1) // NW
    cpt = (per_worker + CHUNK - 1) // CHUNK
    cpt = (cpt + 7) // 8 * 8
    epad = NW * cpt * CHUNK

    idx = edge_index.astype(jnp.int32)
    pad = epad - n_edges
    if pad:
        fill = jnp.stack([jnp.zeros((pad,), jnp.int32),
                          jnp.full((pad,), N_NODES, jnp.int32)])
        idx = jnp.concatenate([idx, fill], axis=1)
    idx4 = idx.reshape(2, NW, cpt, CHUNK)

    t1 = _sc_spmm(_tc_in_proj(x, W1), idx4, cpt, False)
    p2 = _sc_spmm(t1, idx4, cpt, True)
    return _tc_out_proj(p2, W2)

# --- scband reference (transcript-rebuilt; emitter-appended) ---
"""Pipeline reference for scband-gcn-63848983822675 (READ-ONLY COPY).

The authoritative reference and input builder live on the scoring server;
editing this copy changes nothing except your own understanding.
"""

import jax, jax.numpy as jnp
import numpy as np

N_NODES = 10000
N_EDGES = 320000
IN_DIM = 128
HIDDEN_DIM = 16
NUM_CLASSES = 40


def setup_inputs(seed: int = 0) -> dict:
    key = jax.random.key(seed)
    k1, k2, k3, k4 = jax.random.split(key, 4)
    x = jax.random.normal(k1, (N_NODES, IN_DIM), dtype=jnp.float32)
    edge_index = jax.random.randint(k2, (2, N_EDGES), 0, N_NODES, dtype=jnp.int64)
    # original uses torch.rand (uniform [0,1)) for both weights
    W1 = jax.random.uniform(k3, (IN_DIM, HIDDEN_DIM), dtype=jnp.float32)
    W2 = jax.random.uniform(k4, (HIDDEN_DIM, NUM_CLASSES), dtype=jnp.float32)
    return {"x": x, "edge_index": edge_index, "W1": W1, "W2": W2}


def _spmm(edge_index, feat, n_nodes):
    # A @ feat with unweighted adjacency given as edge list.
    # Equivalent to the dense addmm over row-partitioned adj parts in the
    # original (world_size collapsed to 1): gather source features, scatter-add to dst.
    src = edge_index[0]
    dst = edge_index[1]
    gathered = jnp.take(feat, src, axis=0)
    return jax.ops.segment_sum(gathered, dst, num_segments=n_nodes)


def reference(x, edge_index, W1, W2):
    n = x.shape[0]
    # Layer 1: z = A @ x, then z @ W1, then relu
    h = jax.nn.relu(_spmm(edge_index, x, n) @ W1)
    # Layer 2: z = A @ h, then z @ W2
    out = _spmm(edge_index, h, n) @ W2
    return jax.nn.log_softmax(out, axis=1)

if __name__ == "__main__":
    import jax
    _d = setup_inputs()
    print(jax.jit(kernel)(*tuple(_d.values())))

</pallas_src>

<mosaic_0001>
#map = affine_map<(d0, d1) -> (0, 0)>
#map1 = affine_map<(d0, d1) -> (0, 0, 0, 0)>
#map2 = affine_map<(d0, d1) -> (0, 0, 0)>
module attributes {stable_mosaic.version = 14 : i64} {
  func.func @spmm(%arg0: i32, %arg1: i32, %arg2: memref<10000x16xf32, #tpu.memory_space<hbm>>, %arg3: memref<2x32x80x125xi32, #tpu.memory_space<hbm>>, %arg4: memref<2x10112x16xf32, #tpu.memory_space<hbm>>, %arg5: memref<80x125xi32, #tpu.memory_space<vmem>>, %arg6: memref<80x125xi32, #tpu.memory_space<vmem>>, %arg7: memref<125x16xf32, #tpu.memory_space<vmem>>, %arg8: memref<125x16xf32, #tpu.memory_space<vmem>>, %arg9: memref<125x16xf32, #tpu.memory_space<vmem>>, %arg10: memref<125x16xf32, #tpu.memory_space<vmem>>, %arg11: memref<125x16xf32, #tpu.memory_space<vmem>>, %arg12: memref<125x16xf32, #tpu.memory_space<vmem>>, %arg13: memref<125x16xf32, #tpu.memory_space<vmem>>, %arg14: memref<125x16xf32, #tpu.memory_space<vmem>>, %arg15: memref<632x16xf32, #tpu.memory_space<vmem>>, %arg16: memref<632x16xf32, #tpu.memory_space<vmem>>, %arg17: memref<632x16xf32, #tpu.memory_space<vmem>>, %arg18: memref<10112x16xf32, #tpu.memory_space<vmem_shared>>, %arg19: memref<10112x16xf32, #tpu.memory_space<vmem_shared>>, %arg20: memref<!tpu.dma_semaphore, #tpu.memory_space<semaphore_mem>>, %arg21: memref<!tpu.dma_semaphore, #tpu.memory_space<semaphore_mem>>, %arg22: memref<!tpu.dma_semaphore, #tpu.memory_space<semaphore_mem>>, %arg23: memref<!tpu.dma_semaphore, #tpu.memory_space<semaphore_mem>>, %arg24: memref<!tpu.dma_semaphore, #tpu.memory_space<semaphore_mem>>, %arg25: memref<!tpu.dma_semaphore, #tpu.memory_space<semaphore_mem>>, %arg26: memref<!tpu.dma_semaphore, #tpu.memory_space<semaphore_mem>>, %arg27: memref<!tpu.dma_semaphore, #tpu.memory_space<semaphore_mem>>, %arg28: memref<!tpu.dma_semaphore, #tpu.memory_space<semaphore_mem>>, %arg29: memref<!tpu.dma_semaphore, #tpu.memory_space<semaphore_mem>>, %arg30: memref<!tpu.dma_semaphore, #tpu.memory_space<semaphore_mem>>, %arg31: memref<!tpu.dma_semaphore, #tpu.memory_space<semaphore_mem>>, %arg32: memref<!tpu.dma_semaphore, #tpu.memory_space<semaphore_mem>>, %arg33: memref<!tpu.dma_semaphore, #tpu.memory_space<semaphore_mem>>, %arg34: memref<!tpu.dma_semaphore, #tpu.memory_space<semaphore_mem>>, %arg35: memref<!tpu.dma_semaphore, #tpu.memory_space<semaphore_mem>>, %arg36: memref<!tpu.dma_semaphore, #tpu.memory_space<semaphore_mem>>) attributes {dimension_semantics = [#tpu.dimension_semantics<core_parallel>, #tpu.dimension_semantics<subcore_parallel>], iteration_bounds = array<i64: 2, 16>, scalar_prefetch = 0 : i64, scratch_operands = 32 : i64, tpu.core_type = #tpu.core_type<sc_vector_subcore>, window_params = [{transform_indices = #map}, {transform_indices = #map1}, {transform_indices = #map2}]} {
    %mul3A = arith.constant 16 : i32
    %mul3A_0 = arith.muli %arg0, %mul3A : i32
    %add3A = arith.addi %mul3A_0, %arg1 : i32
    %dma_start3A = arith.constant 0 : i32
    %dma_start3A_1 = arith.constant 0 : i32
    %dma_start3A_2 = arith.constant 0 : i32
    %dma_start3A_3 = tpu.memref_slice %arg3[%dma_start3A, %add3A, %dma_start3A_1, %dma_start3A_2] : memref<2x32x80x125xi32, #tpu.memory_space<hbm>> -> memref<1x1x80x125xi32, #tpu.memory_space<hbm>>
    %dma_start3A_4 = tpu.memref_squeeze %dma_start3A_3 : memref<1x1x80x125xi32, #tpu.memory_space<hbm>> -> memref<80x125xi32, #tpu.memory_space<hbm>>
    %dma_start3A_5 = arith.constant 0 : i32
    %dma_start3A_6 = arith.constant 0 : i32
    %dma_start3A_7 = tpu.memref_slice %arg3[%dma_start3A, %add3A, %dma_start3A_5, %dma_start3A_6] : memref<2x32x80x125xi32, #tpu.memory_space<hbm>> -> memref<1x1x80x125xi32, #tpu.memory_space<hbm>>
    %dma_start3A_8 = tpu.memref_squeeze %dma_start3A_7 : memref<1x1x80x125xi32, #tpu.memory_space<hbm>> -> memref<80x125xi32, #tpu.memory_space<hbm>>
    tpu.enqueue_dma source(%dma_start3A_8 : memref<80x125xi32, #tpu.memory_space<hbm>>) target(%arg5 : memref<80x125xi32, #tpu.memory_space<vmem>>) target_semaphore(%arg20 : memref<!tpu.dma_semaphore, #tpu.memory_space<semaphore_mem>>)
    %dma_start3A_9 = arith.constant 1 : i32
    %dma_start3A_10 = arith.constant 0 : i32
    %dma_start3A_11 = arith.constant 0 : i32
    %dma_start3A_12 = tpu.memref_slice %arg3[%dma_start3A_9, %add3A, %dma_start3A_10, %dma_start3A_11] : memref<2x32x80x125xi32, #tpu.memory_space<hbm>> -> memref<1x1x80x125xi32, #tpu.memory_space<hbm>>
    %dma_start3A_13 = tpu.memref_squeeze %dma_start3A_12 : memref<1x1x80x125xi32, #tpu.memory_space<hbm>> -> memref<80x125xi32, #tpu.memory_space<hbm>>
    %dma_start3A_14 = arith.constant 0 : i32
    %dma_start3A_15 = arith.constant 0 : i32
    %dma_start3A_16 = tpu.memref_slice %arg3[%dma_start3A_9, %add3A, %dma_start3A_14, %dma_start3A_15] : memref<2x32x80x125xi32, #tpu.memory_space<hbm>> -> memref<1x1x80x125xi32, #tpu.memory_space<hbm>>
    %dma_start3A_17 = tpu.memref_squeeze %dma_start3A_16 : memref<1x1x80x125xi32, #tpu.memory_space<hbm>> -> memref<80x125xi32, #tpu.memory_space<hbm>>
    tpu.enqueue_dma source(%dma_start3A_17 : memref<80x125xi32, #tpu.memory_space<hbm>>) target(%arg6 : memref<80x125xi32, #tpu.memory_space<vmem>>) target_semaphore(%arg21 : memref<!tpu.dma_semaphore, #tpu.memory_space<semaphore_mem>>)
    %scan3A = arith.constant 0 : i32
    %scan3A_18 = arith.constant 632 : i32
    %scan3A_19 = arith.addi %scan3A, %scan3A_18 : i32
    %scan3A_20 = arith.constant 1 : i32
    scf.for %scan3A_182 = %scan3A to %scan3A_19 step %scan3A_20  : i32 {
      %mul3A_183 = arith.constant 1 : i32
      %mul3A_184 = arith.muli %scan3A_182, %mul3A_183 : i32
      %add3A_185 = arith.constant 0 : i32
      %add3A_186 = arith.addi %add3A_185, %mul3A_184 : i32
      %broadcast_in_dim3A = arith.constant 0.000000e+00 : f32
      %broadcast_in_dim3A_187 = vector.broadcast %broadcast_in_dim3A : f32 to vector<16xf32>
      %swap3A = arith.index_cast %add3A_186 : i32 to index
      %swap3A_188 = arith.constant 0 : index
      %swap3A_189 = tpu.vector_load %arg15[%swap3A, %swap3A_188] {strides = array<i32>} : memref<632x16xf32, #tpu.memory_space<vmem>>, vector<1x16xf32>,
      %swap3A_190 = vector.shape_cast %swap3A_189 : vector<1x16xf32> to vector<16xf32>
      %swap3A_191 = vector.shape_cast %broadcast_in_dim3A_187 : vector<16xf32> to vector<1x16xf32>
      tpu.vector_store %arg15[%swap3A, %swap3A_188], %swap3A_191 {strides = array<i32>} : memref<632x16xf32, #tpu.memory_space<vmem>>, vector<1x16xf32>,
    }
    %scan3A_21 = arith.constant 632 : i32
    %mul3A_22 = arith.constant 632 : i32
    %mul3A_23 = arith.muli %arg1, %mul3A_22 : i32
    %dma_start3A_24 = arith.constant 0 : i32
    %dma_start3A_25 = tpu.memref_slice %arg18[%mul3A_23, %dma_start3A_24] : memref<10112x16xf32, #tpu.memory_space<vmem_shared>> -> memref<632x16xf32, #tpu.memory_space<vmem_shared>>
    %dma_start3A_26 = arith.constant 0 : i32
    %dma_start3A_27 = tpu.memref_slice %arg18[%mul3A_23, %dma_start3A_26] : memref<10112x16xf32, #tpu.memory_space<vmem_shared>> -> memref<632x16xf32, #tpu.memory_space<vmem_shared>>
    tpu.enqueue_dma source(%arg15 : memref<632x16xf32, #tpu.memory_space<vmem>>) target(%dma_start3A_27 : memref<632x16xf32, #tpu.memory_space<vmem_shared>>) target_semaphore(%arg28 : memref<!tpu.dma_semaphore, #tpu.memory_space<semaphore_mem>>)
    %mul3A_28 = arith.constant 625 : i32
    %mul3A_29 = arith.muli %arg1, %mul3A_28 : i32
    %mul3A_30 = arith.constant 625 : i32
    %mul3A_31 = arith.muli %arg1, %mul3A_30 : i32
    %dma_start3A_32 = arith.constant 0 : i32
    %dma_start3A_33 = tpu.memref_slice %arg19[%mul3A_31, %dma_start3A_32] : memref<10112x16xf32, #tpu.memory_space<vmem_shared>> -> memref<625x16xf32, #tpu.memory_space<vmem_shared>>
    %dma_start3A_34 = arith.constant 0 : i32
    %dma_start3A_35 = tpu.memref_slice %arg2[%mul3A_29, %dma_start3A_34] : memref<10000x16xf32, #tpu.memory_space<hbm>> -> memref<625x16xf32, #tpu.memory_space<hbm>>
    tpu.enqueue_dma source(%dma_start3A_35 : memref<625x16xf32, #tpu.memory_space<hbm>>) target(%dma_start3A_33 : memref<625x16xf32, #tpu.memory_space<vmem_shared>>) target_semaphore(%arg36 : memref<!tpu.dma_semaphore, #tpu.memory_space<semaphore_mem>>)
    %mul3A_36 = arith.constant 625 : i32
    %mul3A_37 = arith.muli %arg1, %mul3A_36 : i32
    %mul3A_38 = arith.constant 625 : i32
    %mul3A_39 = arith.muli %arg1, %mul3A_38 : i32
    %dma_wait3A = arith.constant 0 : i32
    %dma_wait3A_40 = tpu.memref_slice %arg19[%mul3A_39, %dma_wait3A] : memref<10112x16xf32, #tpu.memory_space<vmem_shared>> -> memref<625x16xf32, #tpu.memory_space<vmem_shared>>
    %dma_wait3A_41 = arith.constant 0 : i32
    %dma_wait3A_42 = tpu.memref_slice %arg2[%mul3A_37, %dma_wait3A_41] : memref<10000x16xf32, #tpu.memory_space<hbm>> -> memref<625x16xf32, #tpu.memory_space<hbm>>
    tpu.wait_dma2 semaphore(%arg36 : memref<!tpu.dma_semaphore, #tpu.memory_space<semaphore_mem>>) src(%dma_wait3A_42 : memref<625x16xf32, #tpu.memory_space<hbm>>) dst(%dma_wait3A_40 : memref<625x16xf32, #tpu.memory_space<vmem_shared>>)
    %dma_wait3A_43 = arith.constant 0 : i32
    %dma_wait3A_44 = arith.constant 0 : i32
    %dma_wait3A_45 = arith.constant 0 : i32
    %dma_wait3A_46 = tpu.memref_slice %arg3[%dma_wait3A_43, %add3A, %dma_wait3A_44, %dma_wait3A_45] : memref<2x32x80x125xi32, #tpu.memory_space<hbm>> -> memref<1x1x80x125xi32, #tpu.memory_space<hbm>>
    %dma_wait3A_47 = tpu.memref_squeeze %dma_wait3A_46 : memref<1x1x80x125xi32, #tpu.memory_space<hbm>> -> memref<80x125xi32, #tpu.memory_space<hbm>>
    %dma_wait3A_48 = arith.constant 0 : i32
    %dma_wait3A_49 = arith.constant 0 : i32
    %dma_wait3A_50 = tpu.memref_slice %arg3[%dma_wait3A_43, %add3A, %dma_wait3A_48, %dma_wait3A_49] : memref<2x32x80x125xi32, #tpu.memory_space<hbm>> -> memref<1x1x80x125xi32, #tpu.memory_space<hbm>>
    %dma_wait3A_51 = tpu.memref_squeeze %dma_wait3A_50 : memref<1x1x80x125xi32, #tpu.memory_space<hbm>> -> memref<80x125xi32, #tpu.memory_space<hbm>>
    tpu.wait_dma2 semaphore(%arg20 : memref<!tpu.dma_semaphore, #tpu.memory_space<semaphore_mem>>) src(%dma_wait3A_51 : memref<80x125xi32, #tpu.memory_space<hbm>>) dst(%arg5 : memref<80x125xi32, #tpu.memory_space<vmem>>)
    %dma_wait3A_52 = arith.constant 1 : i32
    %dma_wait3A_53 = arith.constant 0 : i32
    %dma_wait3A_54 = arith.constant 0 : i32
    %dma_wait3A_55 = tpu.memref_slice %arg3[%dma_wait3A_52, %add3A, %dma_wait3A_53, %dma_wait3A_54] : memref<2x32x80x125xi32, #tpu.memory_space<hbm>> -> memref<1x1x80x125xi32, #tpu.memory_space<hbm>>
    %dma_wait3A_56 = tpu.memref_squeeze %dma_wait3A_55 : memref<1x1x80x125xi32, #tpu.memory_space<hbm>> -> memref<80x125xi32, #tpu.memory_space<hbm>>
    %dma_wait3A_57 = arith.constant 0 : i32
    %dma_wait3A_58 = arith.constant 0 : i32
    %dma_wait3A_59 = tpu.memref_slice %arg3[%dma_wait3A_52, %add3A, %dma_wait3A_57, %dma_wait3A_58] : memref<2x32x80x125xi32, #tpu.memory_space<hbm>> -> memref<1x1x80x125xi32, #tpu.memory_space<hbm>>
    %dma_wait3A_60 = tpu.memref_squeeze %dma_wait3A_59 : memref<1x1x80x125xi32, #tpu.memory_space<hbm>> -> memref<80x125xi32, #tpu.memory_space<hbm>>
    tpu.wait_dma2 semaphore(%arg21 : memref<!tpu.dma_semaphore, #tpu.memory_space<semaphore_mem>>) src(%dma_wait3A_60 : memref<80x125xi32, #tpu.memory_space<hbm>>) dst(%arg6 : memref<80x125xi32, #tpu.memory_space<vmem>>)
    %mul3A_61 = arith.constant 632 : i32
    %mul3A_62 = arith.muli %arg1, %mul3A_61 : i32
    %dma_wait3A_63 = arith.constant 0 : i32
    %dma_wait3A_64 = tpu.memref_slice %arg18[%mul3A_62, %dma_wait3A_63] : memref<10112x16xf32, #tpu.memory_space<vmem_shared>> -> memref<632x16xf32, #tpu.memory_space<vmem_shared>>
    %dma_wait3A_65 = arith.constant 0 : i32
    %dma_wait3A_66 = tpu.memref_slice %arg18[%mul3A_62, %dma_wait3A_65] : memref<10112x16xf32, #tpu.memory_space<vmem_shared>> -> memref<632x16xf32, #tpu.memory_space<vmem_shared>>
    tpu.wait_dma2 semaphore(%arg28 : memref<!tpu.dma_semaphore, #tpu.memory_space<semaphore_mem>>) src(%arg15 : memref<632x16xf32, #tpu.memory_space<vmem>>) dst(%dma_wait3A_66 : memref<632x16xf32, #tpu.memory_space<vmem_shared>>)
    %barrier3A = arith.constant 0 : index
    tpu.barrier barrier_id(%barrier3A)
    %dma_start3A_67 = arith.constant 0 : i32
    %dma_start3A_68 = arith.constant 0 : i32
    %dma_start3A_69 = tpu.memref_slice %arg5[%dma_start3A_67, %dma_start3A_68] : memref<80x125xi32, #tpu.memory_space<vmem>> -> memref<1x125xi32, #tpu.memory_space<vmem>>
    %dma_start3A_70 = tpu.memref_squeeze %dma_start3A_69 : memref<1x125xi32, #tpu.memory_space<vmem>> -> memref<125xi32, #tpu.memory_space<vmem>>
    %dma_start3A_71 = arith.constant 0 : i32
    %dma_start3A_72 = arith.constant 0 : i32
    %dma_start3A_73 = tpu.memref_slice %arg19[%dma_start3A_71, %dma_start3A_72] : memref<10112x16xf32, #tpu.memory_space<vmem_shared>> -> memref<10112x16xf32, #tpu.memory_space<vmem_shared>>
    tpu.enqueue_indirect_dma source(%dma_start3A_73 : memref<10112x16xf32, #tpu.memory_space<vmem_shared>>) target(%arg7 : memref<125x16xf32, #tpu.memory_space<vmem>>) offsets(%dma_start3A_70 : memref<125xi32, #tpu.memory_space<vmem>>) semaphore(%arg20 : memref<!tpu.dma_semaphore, #tpu.memory_space<semaphore_mem>>)
    %dma_start3A_74 = arith.constant 1 : i32
    %dma_start3A_75 = arith.constant 0 : i32
    %dma_start3A_76 = tpu.memref_slice %arg5[%dma_start3A_74, %dma_start3A_75] : memref<80x125xi32, #tpu.memory_space<vmem>> -> memref<1x125xi32, #tpu.memory_space<vmem>>
    %dma_start3A_77 = tpu.memref_squeeze %dma_start3A_76 : memref<1x125xi32, #tpu.memory_space<vmem>> -> memref<125xi32, #tpu.memory_space<vmem>>
    %dma_start3A_78 = arith.constant 0 : i32
    %dma_start3A_79 = arith.constant 0 : i32
    %dma_start3A_80 = tpu.memref_slice %arg19[%dma_start3A_78, %dma_start3A_79] : memref<10112x16xf32, #tpu.memory_space<vmem_shared>> -> memref<10112x16xf32, #tpu.memory_space<vmem_shared>>
    tpu.enqueue_indirect_dma source(%dma_start3A_80 : memref<10112x16xf32, #tpu.memory_space<vmem_shared>>) target(%arg8 : memref<125x16xf32, #tpu.memory_space<vmem>>) offsets(%dma_start3A_77 : memref<125xi32, #tpu.memory_space<vmem>>) semaphore(%arg21 : memref<!tpu.dma_semaphore, #tpu.memory_space<semaphore_mem>>)
    %dma_start3A_81 = arith.constant 2 : i32
    %dma_start3A_82 = arith.constant 0 : i32
    %dma_start3A_83 = tpu.memref_slice %arg5[%dma_start3A_81, %dma_start3A_82] : memref<80x125xi32, #tpu.memory_space<vmem>> -> memref<1x125xi32, #tpu.memory_space<vmem>>
    %dma_start3A_84 = tpu.memref_squeeze %dma_start3A_83 : memref<1x125xi32, #tpu.memory_space<vmem>> -> memref<125xi32, #tpu.memory_space<vmem>>
    %dma_start3A_85 = arith.constant 0 : i32
    %dma_start3A_86 = arith.constant 0 : i32
    %dma_start3A_87 = tpu.memref_slice %arg19[%dma_start3A_85, %dma_start3A_86] : memref<10112x16xf32, #tpu.memory_space<vmem_shared>> -> memref<10112x16xf32, #tpu.memory_space<vmem_shared>>
    tpu.enqueue_indirect_dma source(%dma_start3A_87 : memref<10112x16xf32, #tpu.memory_space<vmem_shared>>) target(%arg9 : memref<125x16xf32, #tpu.memory_space<vmem>>) offsets(%dma_start3A_84 : memref<125xi32, #tpu.memory_space<vmem>>) semaphore(%arg22 : memref<!tpu.dma_semaphore, #tpu.memory_space<semaphore_mem>>)
    %dma_start3A_88 = arith.constant 3 : i32
    %dma_start3A_89 = arith.constant 0 : i32
    %dma_start3A_90 = tpu.memref_slice %arg5[%dma_start3A_88, %dma_start3A_89] : memref<80x125xi32, #tpu.memory_space<vmem>> -> memref<1x125xi32, #tpu.memory_space<vmem>>
    %dma_start3A_91 = tpu.memref_squeeze %dma_start3A_90 : memref<1x125xi32, #tpu.memory_space<vmem>> -> memref<125xi32, #tpu.memory_space<vmem>>
    %dma_start3A_92 = arith.constant 0 : i32
    %dma_start3A_93 = arith.constant 0 : i32
    %dma_start3A_94 = tpu.memref_slice %arg19[%dma_start3A_92, %dma_start3A_93] : memref<10112x16xf32, #tpu.memory_space<vmem_shared>> -> memref<10112x16xf32, #tpu.memory_space<vmem_shared>>
    tpu.enqueue_indirect_dma source(%dma_start3A_94 : memref<10112x16xf32, #tpu.memory_space<vmem_shared>>) target(%arg10 : memref<125x16xf32, #tpu.memory_space<vmem>>) offsets(%dma_start3A_91 : memref<125xi32, #tpu.memory_space<vmem>>) semaphore(%arg23 : memref<!tpu.dma_semaphore, #tpu.memory_space<semaphore_mem>>)
    %dma_start3A_95 = arith.constant 4 : i32
    %dma_start3A_96 = arith.constant 0 : i32
    %dma_start3A_97 = tpu.memref_slice %arg5[%dma_start3A_95, %dma_start3A_96] : memref<80x125xi32, #tpu.memory_space<vmem>> -> memref<1x125xi32, #tpu.memory_space<vmem>>
    %dma_start3A_98 = tpu.memref_squeeze %dma_start3A_97 : memref<1x125xi32, #tpu.memory_space<vmem>> -> memref<125xi32, #tpu.memory_space<vmem>>
    %dma_start3A_99 = arith.constant 0 : i32
    %dma_start3A_100 = arith.constant 0 : i32
    %dma_start3A_101 = tpu.memref_slice %arg19[%dma_start3A_99, %dma_start3A_100] : memref<10112x16xf32, #tpu.memory_space<vmem_shared>> -> memref<10112x16xf32, #tpu.memory_space<vmem_shared>>
    tpu.enqueue_indirect_dma source(%dma_start3A_101 : memref<10112x16xf32, #tpu.memory_space<vmem_shared>>) target(%arg11 : memref<125x16xf32, #tpu.memory_space<vmem>>) offsets(%dma_start3A_98 : memref<125xi32, #tpu.memory_space<vmem>>) semaphore(%arg24 : memref<!tpu.dma_semaphore, #tpu.memory_space<semaphore_mem>>)
    %dma_start3A_102 = arith.constant 5 : i32
    %dma_start3A_103 = arith.constant 0 : i32
    %dma_start3A_104 = tpu.memref_slice %arg5[%dma_start3A_102, %dma_start3A_103] : memref<80x125xi32, #tpu.memory_space<vmem>> -> memref<1x125xi32, #tpu.memory_space<vmem>>
    %dma_start3A_105 = tpu.memref_squeeze %dma_start3A_104 : memref<1x125xi32, #tpu.memory_space<vmem>> -> memref<125xi32, #tpu.memory_space<vmem>>
    %dma_start3A_106 = arith.constant 0 : i32
    %dma_start3A_107 = arith.constant 0 : i32
    %dma_start3A_108 = tpu.memref_slice %arg19[%dma_start3A_106, %dma_start3A_107] : memref<10112x16xf32, #tpu.memory_space<vmem_shared>> -> memref<10112x16xf32, #tpu.memory_space<vmem_shared>>
    tpu.enqueue_indirect_dma source(%dma_start3A_108 : memref<10112x16xf32, #tpu.memory_space<vmem_shared>>) target(%arg12 : memref<125x16xf32, #tpu.memory_space<vmem>>) offsets(%dma_start3A_105 : memref<125xi32, #tpu.memory_space<vmem>>) semaphore(%arg25 : memref<!tpu.dma_semaphore, #tpu.memory_space<semaphore_mem>>)
    %dma_start3A_109 = arith.constant 6 : i32
    %dma_start3A_110 = arith.constant 0 : i32
    %dma_start3A_111 = tpu.memref_slice %arg5[%dma_start3A_109, %dma_start3A_110] : memref<80x125xi32, #tpu.memory_space<vmem>> -> memref<1x125xi32, #tpu.memory_space<vmem>>
    %dma_start3A_112 = tpu.memref_squeeze %dma_start3A_111 : memref<1x125xi32, #tpu.memory_space<vmem>> -> memref<125xi32, #tpu.memory_space<vmem>>
    %dma_start3A_113 = arith.constant 0 : i32
    %dma_start3A_114 = arith.constant 0 : i32
    %dma_start3A_115 = tpu.memref_slice %arg19[%dma_start3A_113, %dma_start3A_114] : memref<10112x16xf32, #tpu.memory_space<vmem_shared>> -> memref<10112x16xf32, #tpu.memory_space<vmem_shared>>
    tpu.enqueue_indirect_dma source(%dma_start3A_115 : memref<10112x16xf32, #tpu.memory_space<vmem_shared>>) target(%arg13 : memref<125x16xf32, #tpu.memory_space<vmem>>) offsets(%dma_start3A_112 : memref<125xi32, #tpu.memory_space<vmem>>) semaphore(%arg26 : memref<!tpu.dma_semaphore, #tpu.memory_space<semaphore_mem>>)
    %scan3A_116 = arith.constant 0 : i32
    %scan3A_117 = arith.constant 10 : i32
    %scan3A_118 = arith.addi %scan3A_116, %scan3A_117 : i32
    %scan3A_119 = arith.constant 1 : i32
    scf.for %scan3A_182 = %scan3A_116 to %scan3A_118 step %scan3A_119  : i32 {
      %mul3A_183 = arith.constant 8 : i32
      %mul3A_184 = arith.muli %scan3A_182, %mul3A_183 : i32
      %add3A_185 = arith.constant 0 : i32
      %add3A_186 = arith.addi %add3A_185, %mul3A_184 : i32
      %add3A_187 = arith.constant 0 : i32
      %add3A_188 = arith.addi %add3A_186, %add3A_187 : i32
      %add3A_189 = arith.constant 8 : i32
      %add3A_190 = arith.addi %add3A_188, %add3A_189 : i32
      %sub3A = arith.constant 1 : i32
      %sub3A_191 = arith.subi %add3A_190, %sub3A : i32
      %dma_wait3A_192 = arith.constant 0 : i32
      %dma_wait3A_193 = tpu.memref_slice %arg5[%add3A_188, %dma_wait3A_192] : memref<80x125xi32, #tpu.memory_space<vmem>> -> memref<1x125xi32, #tpu.memory_space<vmem>>
      %dma_wait3A_194 = tpu.memref_squeeze %dma_wait3A_193 : memref<1x125xi32, #tpu.memory_space<vmem>> -> memref<125xi32, #tpu.memory_space<vmem>>
      %dma_wait3A_195 = arith.constant 0 : i32
      %dma_wait3A_196 = arith.constant 0 : i32
      %dma_wait3A_197 = tpu.memref_slice %arg19[%dma_wait3A_195, %dma_wait3A_196] : memref<10112x16xf32, #tpu.memory_space<vmem_shared>> -> memref<10112x16xf32, #tpu.memory_space<vmem_shared>>
      tpu.wait_indirect_dma semaphore(%arg20 : memref<!tpu.dma_semaphore, #tpu.memory_space<semaphore_mem>>) src(%dma_wait3A_197 : memref<10112x16xf32, #tpu.memory_space<vmem_shared>>) dst(%arg7 : memref<125x16xf32, #tpu.memory_space<vmem>>)
      %lt3A = arith.constant 80 : i32
      %lt3A_198 = arith.cmpi slt, %sub3A_191, %lt3A : i32
      %convert_element_type3A = arith.extui %lt3A_198 : i1 to i32
      %cond3A = arith.constant 0 : i32
      %cond3A_199 = arith.cmpi ne, %convert_element_type3A, %cond3A : i32
      scf.if %cond3A_199 {
        %ge3A = arith.constant 1 : i32
        %ge3A_367 = arith.cmpi sge, %add3A_188, %ge3A : i32
        %convert_element_type3A_368 = arith.extui %ge3A_367 : i1 to i32
        %cond3A_369 = arith.constant 0 : i32
        %cond3A_370 = arith.cmpi ne, %convert_element_type3A_368, %cond3A_369 : i32
        scf.if %cond3A_370 {
          %sub3A_377 = arith.constant 1 : i32
          %sub3A_378 = arith.subi %add3A_188, %sub3A_377 : i32
          %dma_wait3A_379 = arith.constant 0 : i32
          %dma_wait3A_380 = tpu.memref_slice %arg6[%sub3A_378, %dma_wait3A_379] : memref<80x125xi32, #tpu.memory_space<vmem>> -> memref<1x125xi32, #tpu.memory_space<vmem>>
          %dma_wait3A_381 = tpu.memref_squeeze %dma_wait3A_380 : memref<1x125xi32, #tpu.memory_space<vmem>> -> memref<125xi32, #tpu.memory_space<vmem>>
          %dma_wait3A_382 = arith.constant 0 : i32
          %dma_wait3A_383 = arith.constant 0 : i32
          %dma_wait3A_384 = tpu.memref_slice %arg18[%dma_wait3A_382, %dma_wait3A_383] : memref<10112x16xf32, #tpu.memory_space<vmem_shared>> -> memref<10112x16xf32, #tpu.memory_space<vmem_shared>>
          tpu.wait_indirect_dma semaphore(%arg35 : memref<!tpu.dma_semaphore, #tpu.memory_space<semaphore_mem>>) src(%arg14 : memref<125x16xf32, #tpu.memory_space<vmem>>) dst(%dma_wait3A_384 : memref<10112x16xf32, #tpu.memory_space<vmem_shared>>)
        } else {
        }
        %dma_start3A_371 = arith.constant 0 : i32
        %dma_start3A_372 = tpu.memref_slice %arg5[%sub3A_191, %dma_start3A_371] : memref<80x125xi32, #tpu.memory_space<vmem>> -> memref<1x125xi32, #tpu.memory_space<vmem>>
        %dma_start3A_373 = tpu.memref_squeeze %dma_start3A_372 : memref<1x125xi32, #tpu.memory_space<vmem>> -> memref<125xi32, #tpu.memory_space<vmem>>
        %dma_start3A_374 = arith.constant 0 : i32
        %dma_start3A_375 = arith.constant 0 : i32
        %dma_start3A_376 = tpu.memref_slice %arg19[%dma_start3A_374, %dma_start3A_375] : memref<10112x16xf32, #tpu.memory_space<vmem_shared>> -> memref<10112x16xf32, #tpu.memory_space<vmem_shared>>
        tpu.enqueue_indirect_dma source(%dma_start3A_376 : memref<10112x16xf32, #tpu.memory_space<vmem_shared>>) target(%arg14 : memref<125x16xf32, #tpu.memory_space<vmem>>) offsets(%dma_start3A_373 : memref<125xi32, #tpu.memory_space<vmem>>) semaphore(%arg27 : memref<!tpu.dma_semaphore, #tpu.memory_space<semaphore_mem>>)
      } else {
      }
      %dma_start3A_200 = arith.constant 0 : i32
      %dma_start3A_201 = tpu.memref_slice %arg6[%add3A_188, %dma_start3A_200] : memref<80x125xi32, #tpu.memory_space<vmem>> -> memref<1x125xi32, #tpu.memory_space<vmem>>
      %dma_start3A_202 = tpu.memref_squeeze %dma_start3A_201 : memref<1x125xi32, #tpu.memory_space<vmem>> -> memref<125xi32, #tpu.memory_space<vmem>>
      %dma_start3A_203 = arith.constant 0 : i32
      %dma_start3A_204 = arith.constant 0 : i32
      %dma_start3A_205 = tpu.memref_slice %arg18[%dma_start3A_203, %dma_start3A_204] : memref<10112x16xf32, #tpu.memory_space<vmem_shared>> -> memref<10112x16xf32, #tpu.memory_space<vmem_shared>>
      tpu.enqueue_indirect_dma source(%arg7 : memref<125x16xf32, #tpu.memory_space<vmem>>) target(%dma_start3A_205 : memref<10112x16xf32, #tpu.memory_space<vmem_shared>>) offsets(%dma_start3A_202 : memref<125xi32, #tpu.memory_space<vmem>>) semaphore(%arg28 : memref<!tpu.dma_semaphore, #tpu.memory_space<semaphore_mem>>) {add = true}
      %add3A_206 = arith.constant 1 : i32
      %add3A_207 = arith.addi %add3A_186, %add3A_206 : i32
      %add3A_208 = arith.constant 8 : i32
      %add3A_209 = arith.addi %add3A_207, %add3A_208 : i32
      %sub3A_210 = arith.constant 1 : i32
      %sub3A_211 = arith.subi %add3A_209, %sub3A_210 : i32
      %dma_wait3A_212 = arith.constant 0 : i32
      %dma_wait3A_213 = tpu.memref_slice %arg5[%add3A_207, %dma_wait3A_212] : memref<80x125xi32, #tpu.memory_space<vmem>> -> memref<1x125xi32, #tpu.memory_space<vmem>>
      %dma_wait3A_214 = tpu.memref_squeeze %dma_wait3A_213 : memref<1x125xi32, #tpu.memory_space<vmem>> -> memref<125xi32, #tpu.memory_space<vmem>>
      %dma_wait3A_215 = arith.constant 0 : i32
      %dma_wait3A_216 = arith.constant 0 : i32
      %dma_wait3A_217 = tpu.memref_slice %arg19[%dma_wait3A_215, %dma_wait3A_216] : memref<10112x16xf32, #tpu.memory_space<vmem_shared>> -> memref<10112x16xf32, #tpu.memory_space<vmem_shared>>
      tpu.wait_indirect_dma semaphore(%arg21 : memref<!tpu.dma_semaphore, #tpu.memory_space<semaphore_mem>>) src(%dma_wait3A_217 : memref<10112x16xf32, #tpu.memory_space<vmem_shared>>) dst(%arg8 : memref<125x16xf32, #tpu.memory_space<vmem>>)
      %lt3A_218 = arith.constant 80 : i32
      %lt3A_219 = arith.cmpi slt, %sub3A_211, %lt3A_218 : i32
      %convert_element_type3A_220 = arith.extui %lt3A_219 : i1 to i32
      %cond3A_221 = arith.constant 0 : i32
      %cond3A_222 = arith.cmpi ne, %convert_element_type3A_220, %cond3A_221 : i32
      scf.if %cond3A_222 {
        %ge3A = arith.constant 1 : i32
        %ge3A_367 = arith.cmpi sge, %add3A_207, %ge3A : i32
        %convert_element_type3A_368 = arith.extui %ge3A_367 : i1 to i32
        %cond3A_369 = arith.constant 0 : i32
        %cond3A_370 = arith.cmpi ne, %convert_element_type3A_368, %cond3A_369 : i32
        scf.if %cond3A_370 {
          %sub3A_377 = arith.constant 1 : i32
          %sub3A_378 = arith.subi %add3A_207, %sub3A_377 : i32
          %dma_wait3A_379 = arith.constant 0 : i32
          %dma_wait3A_380 = tpu.memref_slice %arg6[%sub3A_378, %dma_wait3A_379] : memref<80x125xi32, #tpu.memory_space<vmem>> -> memref<1x125xi32, #tpu.memory_space<vmem>>
          %dma_wait3A_381 = tpu.memref_squeeze %dma_wait3A_380 : memref<1x125xi32, #tpu.memory_space<vmem>> -> memref<125xi32, #tpu.memory_space<vmem>>
          %dma_wait3A_382 = arith.constant 0 : i32
          %dma_wait3A_383 = arith.constant 0 : i32
          %dma_wait3A_384 = tpu.memref_slice %arg18[%dma_wait3A_382, %dma_wait3A_383] : memref<10112x16xf32, #tpu.memory_space<vmem_shared>> -> memref<10112x16xf32, #tpu.memory_space<vmem_shared>>
          tpu.wait_indirect_dma semaphore(%arg28 : memref<!tpu.dma_semaphore, #tpu.memory_space<semaphore_mem>>) src(%arg7 : memref<125x16xf32, #tpu.memory_space<vmem>>) dst(%dma_wait3A_384 : memref<10112x16xf32, #tpu.memory_space<vmem_shared>>)
        } else {
        }
        %dma_start3A_371 = arith.constant 0 : i32
        %dma_start3A_372 = tpu.memref_slice %arg5[%sub3A_211, %dma_start3A_371] : memref<80x125xi32, #tpu.memory_space<vmem>> -> memref<1x125xi32, #tpu.memory_space<vmem>>
        %dma_start3A_373 = tpu.memref_squeeze %dma_start3A_372 : memref<1x125xi32, #tpu.memory_space<vmem>> -> memref<125xi32, #tpu.memory_space<vmem>>
        %dma_start3A_374 = arith.constant 0 : i32
        %dma_start3A_375 = arith.constant 0 : i32
        %dma_start3A_376 = tpu.memref_slice %arg19[%dma_start3A_374, %dma_start3A_375] : memref<10112x16xf32, #tpu.memory_space<vmem_shared>> -> memref<10112x16xf32, #tpu.memory_space<vmem_shared>>
        tpu.enqueue_indirect_dma source(%dma_start3A_376 : memref<10112x16xf32, #tpu.memory_space<vmem_shared>>) target(%arg7 : memref<125x16xf32, #tpu.memory_space<vmem>>) offsets(%dma_start3A_373 : memref<125xi32, #tpu.memory_space<vmem>>) semaphore(%arg20 : memref<!tpu.dma_semaphore, #tpu.memory_space<semaphore_mem>>)
      } else {
      }
      %dma_start3A_223 = arith.constant 0 : i32
      %dma_start3A_224 = tpu.memref_slice %arg6[%add3A_207, %dma_start3A_223] : memref<80x125xi32, #tpu.memory_space<vmem>> -> memref<1x125xi32, #tpu.memory_space<vmem>>
      %dma_start3A_225 = tpu.memref_squeeze %dma_start3A_224 : memref<1x125xi32, #tpu.memory_space<vmem>> -> memref<125xi32, #tpu.memory_space<vmem>>
      %dma_start3A_226 = arith.constant 0 : i32
      %dma_start3A_227 = arith.constant 0 : i32
      %dma_start3A_228 = tpu.memref_slice %arg18[%dma_start3A_226, %dma_start3A_227] : memref<10112x16xf32, #tpu.memory_space<vmem_shared>> -> memref<10112x16xf32, #tpu.memory_space<vmem_shared>>
      tpu.enqueue_indirect_dma source(%arg8 : memref<125x16xf32, #tpu.memory_space<vmem>>) target(%dma_start3A_228 : memref<10112x16xf32, #tpu.memory_space<vmem_shared>>) offsets(%dma_start3A_225 : memref<125xi32, #tpu.memory_space<vmem>>) semaphore(%arg29 : memref<!tpu.dma_semaphore, #tpu.memory_space<semaphore_mem>>) {add = true}
      %add3A_229 = arith.constant 2 : i32
      %add3A_230 = arith.addi %add3A_186, %add3A_229 : i32
      %add3A_231 = arith.constant 8 : i32
      %add3A_232 = arith.addi %add3A_230, %add3A_231 : i32
      %sub3A_233 = arith.constant 1 : i32
      %sub3A_234 = arith.subi %add3A_232, %sub3A_233 : i32
      %dma_wait3A_235 = arith.constant 0 : i32
      %dma_wait3A_236 = tpu.memref_slice %arg5[%add3A_230, %dma_wait3A_235] : memref<80x125xi32, #tpu.memory_space<vmem>> -> memref<1x125xi32, #tpu.memory_space<vmem>>
      %dma_wait3A_237 = tpu.memref_squeeze %dma_wait3A_236 : memref<1x125xi32, #tpu.memory_space<vmem>> -> memref<125xi32, #tpu.memory_space<vmem>>
      %dma_wait3A_238 = arith.constant 0 : i32
      %dma_wait3A_239 = arith.constant 0 : i32
      %dma_wait3A_240 = tpu.memref_slice %arg19[%dma_wait3A_238, %dma_wait3A_239] : memref<10112x16xf32, #tpu.memory_space<vmem_shared>> -> memref<10112x16xf32, #tpu.memory_space<vmem_shared>>
      tpu.wait_indirect_dma semaphore(%arg22 : memref<!tpu.dma_semaphore, #tpu.memory_space<semaphore_mem>>) src(%dma_wait3A_240 : memref<10112x16xf32, #tpu.memory_space<vmem_shared>>) dst(%arg9 : memref<125x16xf32, #tpu.memory_space<vmem>>)
      %lt3A_241 = arith.constant 80 : i32
      %lt3A_242 = arith.cmpi slt, %sub3A_234, %lt3A_241 : i32
      %convert_element_type3A_243 = arith.extui %lt3A_242 : i1 to i32
      %cond3A_244 = arith.constant 0 : i32
      %cond3A_245 = arith.cmpi ne, %convert_element_type3A_243, %cond3A_244 : i32
      scf.if %cond3A_245 {
        %ge3A = arith.constant 1 : i32
        %ge3A_367 = arith.cmpi sge, %add3A_230, %ge3A : i32
        %convert_element_type3A_368 = arith.extui %ge3A_367 : i1 to i32
        %cond3A_369 = arith.constant 0 : i32
        %cond3A_370 = arith.cmpi ne, %convert_element_type3A_368, %cond3A_369 : i32
        scf.if %cond3A_370 {
          %sub3A_377 = arith.constant 1 : i32
          %sub3A_378 = arith.subi %add3A_230, %sub3A_377 : i32
          %dma_wait3A_379 = arith.constant 0 : i32
          %dma_wait3A_380 = tpu.memref_slice %arg6[%sub3A_378, %dma_wait3A_379] : memref<80x125xi32, #tpu.memory_space<vmem>> -> memref<1x125xi32, #tpu.memory_space<vmem>>
          %dma_wait3A_381 = tpu.memref_squeeze %dma_wait3A_380 : memref<1x125xi32, #tpu.memory_space<vmem>> -> memref<125xi32, #tpu.memory_space<vmem>>
          %dma_wait3A_382 = arith.constant 0 : i32
          %dma_wait3A_383 = arith.constant 0 : i32
          %dma_wait3A_384 = tpu.memref_slice %arg18[%dma_wait3A_382, %dma_wait3A_383] : memref<10112x16xf32, #tpu.memory_space<vmem_shared>> -> memref<10112x16xf32, #tpu.memory_space<vmem_shared>>
          tpu.wait_indirect_dma semaphore(%arg29 : memref<!tpu.dma_semaphore, #tpu.memory_space<semaphore_mem>>) src(%arg8 : memref<125x16xf32, #tpu.memory_space<vmem>>) dst(%dma_wait3A_384 : memref<10112x16xf32, #tpu.memory_space<vmem_shared>>)
        } else {
        }
        %dma_start3A_371 = arith.constant 0 : i32
        %dma_start3A_372 = tpu.memref_slice %arg5[%sub3A_234, %dma_start3A_371] : memref<80x125xi32, #tpu.memory_space<vmem>> -> memref<1x125xi32, #tpu.memory_space<vmem>>
        %dma_start3A_373 = tpu.memref_squeeze %dma_start3A_372 : memref<1x125xi32, #tpu.memory_space<vmem>> -> memref<125xi32, #tpu.memory_space<vmem>>
        %dma_start3A_374 = arith.constant 0 : i32
        %dma_start3A_375 = arith.constant 0 : i32
        %dma_start3A_376 = tpu.memref_slice %arg19[%dma_start3A_374, %dma_start3A_375] : memref<10112x16xf32, #tpu.memory_space<vmem_shared>> -> memref<10112x16xf32, #tpu.memory_space<vmem_shared>>
        tpu.enqueue_indirect_dma source(%dma_start3A_376 : memref<10112x16xf32, #tpu.memory_space<vmem_shared>>) target(%arg8 : memref<125x16xf32, #tpu.memory_space<vmem>>) offsets(%dma_start3A_373 : memref<125xi32, #tpu.memory_space<vmem>>) semaphore(%arg21 : memref<!tpu.dma_semaphore, #tpu.memory_space<semaphore_mem>>)
      } else {
      }
      %dma_start3A_246 = arith.constant 0 : i32
      %dma_start3A_247 = tpu.memref_slice %arg6[%add3A_230, %dma_start3A_246] : memref<80x125xi32, #tpu.memory_space<vmem>> -> memref<1x125xi32, #tpu.memory_space<vmem>>
      %dma_start3A_248 = tpu.memref_squeeze %dma_start3A_247 : memref<1x125xi32, #tpu.memory_space<vmem>> -> memref<125xi32, #tpu.memory_space<vmem>>
      %dma_start3A_249 = arith.constant 0 : i32
      %dma_start3A_250 = arith.constant 0 : i32
      %dma_start3A_251 = tpu.memref_slice %arg18[%dma_start3A_249, %dma_start3A_250] : memref<10112x16xf32, #tpu.memory_space<vmem_shared>> -> memref<10112x16xf32, #tpu.memory_space<vmem_shared>>
      tpu.enqueue_indirect_dma source(%arg9 : memref<125x16xf32, #tpu.memory_space<vmem>>) target(%dma_start3A_251 : memref<10112x16xf32, #tpu.memory_space<vmem_shared>>) offsets(%dma_start3A_248 : memref<125xi32, #tpu.memory_space<vmem>>) semaphore(%arg30 : memref<!tpu.dma_semaphore, #tpu.memory_space<semaphore_mem>>) {add = true}
      %add3A_252 = arith.constant 3 : i32
      %add3A_253 = arith.addi %add3A_186, %add3A_252 : i32
      %add3A_254 = arith.constant 8 : i32
      %add3A_255 = arith.addi %add3A_253, %add3A_254 : i32
      %sub3A_256 = arith.constant 1 : i32
      %sub3A_257 = arith.subi %add3A_255, %sub3A_256 : i32
      %dma_wait3A_258 = arith.constant 0 : i32
      %dma_wait3A_259 = tpu.memref_slice %arg5[%add3A_253, %dma_wait3A_258] : memref<80x125xi32, #tpu.memory_space<vmem>> -> memref<1x125xi32, #tpu.memory_space<vmem>>
      %dma_wait3A_260 = tpu.memref_squeeze %dma_wait3A_259 : memref<1x125xi32, #tpu.memory_space<vmem>> -> memref<125xi32, #tpu.memory_space<vmem>>
      %dma_wait3A_261 = arith.constant 0 : i32
      %dma_wait3A_262 = arith.constant 0 : i32
      %dma_wait3A_263 = tpu.memref_slice %arg19[%dma_wait3A_261, %dma_wait3A_262] : memref<10112x16xf32, #tpu.memory_space<vmem_shared>> -> memref<10112x16xf32, #tpu.memory_space<vmem_shared>>
      tpu.wait_indirect_dma semaphore(%arg23 : memref<!tpu.dma_semaphore, #tpu.memory_space<semaphore_mem>>) src(%dma_wait3A_263 : memref<10112x16xf32, #tpu.memory_space<vmem_shared>>) dst(%arg10 : memref<125x16xf32, #tpu.memory_space<vmem>>)
      %lt3A_264 = arith.constant 80 : i32
      %lt3A_265 = arith.cmpi slt, %sub3A_257, %lt3A_264 : i32
      %convert_element_type3A_266 = arith.extui %lt3A_265 : i1 to i32
      %cond3A_267 = arith.constant 0 : i32
      %cond3A_268 = arith.cmpi ne, %convert_element_type3A_266, %cond3A_267 : i32
      scf.if %cond3A_268 {
        %ge3A = arith.constant 1 : i32
        %ge3A_367 = arith.cmpi sge, %add3A_253, %ge3A : i32
        %convert_element_type3A_368 = arith.extui %ge3A_367 : i1 to i32
        %cond3A_369 = arith.constant 0 : i32
        %cond3A_370 = arith.cmpi ne, %convert_element_type3A_368, %cond3A_369 : i32
        scf.if %cond3A_370 {
          %sub3A_377 = arith.constant 1 : i32
          %sub3A_378 = arith.subi %add3A_253, %sub3A_377 : i32
          %dma_wait3A_379 = arith.constant 0 : i32
          %dma_wait3A_380 = tpu.memref_slice %arg6[%sub3A_378, %dma_wait3A_379] : memref<80x125xi32, #tpu.memory_space<vmem>> -> memref<1x125xi32, #tpu.memory_space<vmem>>
          %dma_wait3A_381 = tpu.memref_squeeze %dma_wait3A_380 : memref<1x125xi32, #tpu.memory_space<vmem>> -> memref<125xi32, #tpu.memory_space<vmem>>
          %dma_wait3A_382 = arith.constant 0 : i32
          %dma_wait3A_383 = arith.constant 0 : i32
          %dma_wait3A_384 = tpu.memref_slice %arg18[%dma_wait3A_382, %dma_wait3A_383] : memref<10112x16xf32, #tpu.memory_space<vmem_shared>> -> memref<10112x16xf32, #tpu.memory_space<vmem_shared>>
          tpu.wait_indirect_dma semaphore(%arg30 : memref<!tpu.dma_semaphore, #tpu.memory_space<semaphore_mem>>) src(%arg9 : memref<125x16xf32, #tpu.memory_space<vmem>>) dst(%dma_wait3A_384 : memref<10112x16xf32, #tpu.memory_space<vmem_shared>>)
        } else {
        }
        %dma_start3A_371 = arith.constant 0 : i32
        %dma_start3A_372 = tpu.memref_slice %arg5[%sub3A_257, %dma_start3A_371] : memref<80x125xi32, #tpu.memory_space<vmem>> -> memref<1x125xi32, #tpu.memory_space<vmem>>
        %dma_start3A_373 = tpu.memref_squeeze %dma_start3A_372 : memref<1x125xi32, #tpu.memory_space<vmem>> -> memref<125xi32, #tpu.memory_space<vmem>>
        %dma_start3A_374 = arith.constant 0 : i32
        %dma_start3A_375 = arith.constant 0 : i32
        %dma_start3A_376 = tpu.memref_slice %arg19[%dma_start3A_374, %dma_start3A_375] : memref<10112x16xf32, #tpu.memory_space<vmem_shared>> -> memref<10112x16xf32, #tpu.memory_space<vmem_shared>>
        tpu.enqueue_indirect_dma source(%dma_start3A_376 : memref<10112x16xf32, #tpu.memory_space<vmem_shared>>) target(%arg9 : memref<125x16xf32, #tpu.memory_space<vmem>>) offsets(%dma_start3A_373 : memref<125xi32, #tpu.memory_space<vmem>>) semaphore(%arg22 : memref<!tpu.dma_semaphore, #tpu.memory_space<semaphore_mem>>)
      } else {
      }
      %dma_start3A_269 = arith.constant 0 : i32
      %dma_start3A_270 = tpu.memref_slice %arg6[%add3A_253, %dma_start3A_269] : memref<80x125xi32, #tpu.memory_space<vmem>> -> memref<1x125xi32, #tpu.memory_space<vmem>>
      %dma_start3A_271 = tpu.memref_squeeze %dma_start3A_270 : memref<1x125xi32, #tpu.memory_space<vmem>> -> memref<125xi32, #tpu.memory_space<vmem>>
      %dma_start3A_272 = arith.constant 0 : i32
      %dma_start3A_273 = arith.constant 0 : i32
      %dma_start3A_274 = tpu.memref_slice %arg18[%dma_start3A_272, %dma_start3A_273] : memref<10112x16xf32, #tpu.memory_space<vmem_shared>> -> memref<10112x16xf32, #tpu.memory_space<vmem_shared>>
      tpu.enqueue_indirect_dma source(%arg10 : memref<125x16xf32, #tpu.memory_space<vmem>>) target(%dma_start3A_274 : memref<10112x16xf32, #tpu.memory_space<vmem_shared>>) offsets(%dma_start3A_271 : memref<125xi32, #tpu.memory_space<vmem>>) semaphore(%arg31 : memref<!tpu.dma_semaphore, #tpu.memory_space<semaphore_mem>>) {add = true}
      %add3A_275 = arith.constant 4 : i32
      %add3A_276 = arith.addi %add3A_186, %add3A_275 : i32
      %add3A_277 = arith.constant 8 : i32
      %add3A_278 = arith.addi %add3A_276, %add3A_277 : i32
      %sub3A_279 = arith.constant 1 : i32
      %sub3A_280 = arith.subi %add3A_278, %sub3A_279 : i32
      %dma_wait3A_281 = arith.constant 0 : i32
      %dma_wait3A_282 = tpu.memref_slice %arg5[%add3A_276, %dma_wait3A_281] : memref<80x125xi32, #tpu.memory_space<vmem>> -> memref<1x125xi32, #tpu.memory_space<vmem>>
      %dma_wait3A_283 = tpu.memref_squeeze %dma_wait3A_282 : memref<1x125xi32, #tpu.memory_space<vmem>> -> memref<125xi32, #tpu.memory_space<vmem>>
      %dma_wait3A_284 = arith.constant 0 : i32
      %dma_wait3A_285 = arith.constant 0 : i32
      %dma_wait3A_286 = tpu.memref_slice %arg19[%dma_wait3A_284, %dma_wait3A_285] : memref<10112x16xf32, #tpu.memory_space<vmem_shared>> -> memref<10112x16xf32, #tpu.memory_space<vmem_shared>>
      tpu.wait_indirect_dma semaphore(%arg24 : memref<!tpu.dma_semaphore, #tpu.memory_space<semaphore_mem>>) src(%dma_wait3A_286 : memref<10112x16xf32, #tpu.memory_space<vmem_shared>>) dst(%arg11 : memref<125x16xf32, #tpu.memory_space<vmem>>)
      %lt3A_287 = arith.constant 80 : i32
      %lt3A_288 = arith.cmpi slt, %sub3A_280, %lt3A_287 : i32
      %convert_element_type3A_289 = arith.extui %lt3A_288 : i1 to i32
      %cond3A_290 = arith.constant 0 : i32
      %cond3A_291 = arith.cmpi ne, %convert_element_type3A_289, %cond3A_290 : i32
      scf.if %cond3A_291 {
        %ge3A = arith.constant 1 : i32
        %ge3A_367 = arith.cmpi sge, %add3A_276, %ge3A : i32
        %convert_element_type3A_368 = arith.extui %ge3A_367 : i1 to i32
        %cond3A_369 = arith.constant 0 : i32
        %cond3A_370 = arith.cmpi ne, %convert_element_type3A_368, %cond3A_369 : i32
        scf.if %cond3A_370 {
          %sub3A_377 = arith.constant 1 : i32
          %sub3A_378 = arith.subi %add3A_276, %sub3A_377 : i32
          %dma_wait3A_379 = arith.constant 0 : i32
          %dma_wait3A_380 = tpu.memref_slice %arg6[%sub3A_378, %dma_wait3A_379] : memref<80x125xi32, #tpu.memory_space<vmem>> -> memref<1x125xi32, #tpu.memory_space<vmem>>
          %dma_wait3A_381 = tpu.memref_squeeze %dma_wait3A_380 : memref<1x125xi32, #tpu.memory_space<vmem>> -> memref<125xi32, #tpu.memory_space<vmem>>
          %dma_wait3A_382 = arith.constant 0 : i32
          %dma_wait3A_383 = arith.constant 0 : i32
          %dma_wait3A_384 = tpu.memref_slice %arg18[%dma_wait3A_382, %dma_wait3A_383] : memref<10112x16xf32, #tpu.memory_space<vmem_shared>> -> memref<10112x16xf32, #tpu.memory_space<vmem_shared>>
          tpu.wait_indirect_dma semaphore(%arg31 : memref<!tpu.dma_semaphore, #tpu.memory_space<semaphore_mem>>) src(%arg10 : memref<125x16xf32, #tpu.memory_space<vmem>>) dst(%dma_wait3A_384 : memref<10112x16xf32, #tpu.memory_space<vmem_shared>>)
        } else {
        }
        %dma_start3A_371 = arith.constant 0 : i32
        %dma_start3A_372 = tpu.memref_slice %arg5[%sub3A_280, %dma_start3A_371] : memref<80x125xi32, #tpu.memory_space<vmem>> -> memref<1x125xi32, #tpu.memory_space<vmem>>
        %dma_start3A_373 = tpu.memref_squeeze %dma_start3A_372 : memref<1x125xi32, #tpu.memory_space<vmem>> -> memref<125xi32, #tpu.memory_space<vmem>>
        %dma_start3A_374 = arith.constant 0 : i32
        %dma_start3A_375 = arith.constant 0 : i32
        %dma_start3A_376 = tpu.memref_slice %arg19[%dma_start3A_374, %dma_start3A_375] : memref<10112x16xf32, #tpu.memory_space<vmem_shared>> -> memref<10112x16xf32, #tpu.memory_space<vmem_shared>>
        tpu.enqueue_indirect_dma source(%dma_start3A_376 : memref<10112x16xf32, #tpu.memory_space<vmem_shared>>) target(%arg10 : memref<125x16xf32, #tpu.memory_space<vmem>>) offsets(%dma_start3A_373 : memref<125xi32, #tpu.memory_space<vmem>>) semaphore(%arg23 : memref<!tpu.dma_semaphore, #tpu.memory_space<semaphore_mem>>)
      } else {
      }
      %dma_start3A_292 = arith.constant 0 : i32
      %dma_start3A_293 = tpu.memref_slice %arg6[%add3A_276, %dma_start3A_292] : memref<80x125xi32, #tpu.memory_space<vmem>> -> memref<1x125xi32, #tpu.memory_space<vmem>>
      %dma_start3A_294 = tpu.memref_squeeze %dma_start3A_293 : memref<1x125xi32, #tpu.memory_space<vmem>> -> memref<125xi32, #tpu.memory_space<vmem>>
      %dma_start3A_295 = arith.constant 0 : i32
      %dma_start3A_296 = arith.constant 0 : i32
      %dma_start3A_297 = tpu.memref_slice %arg18[%dma_start3A_295, %dma_start3A_296] : memref<10112x16xf32, #tpu.memory_space<vmem_shared>> -> memref<10112x16xf32, #tpu.memory_space<vmem_shared>>
      tpu.enqueue_indirect_dma source(%arg11 : memref<125x16xf32, #tpu.memory_space<vmem>>) target(%dma_start3A_297 : memref<10112x16xf32, #tpu.memory_space<vmem_shared>>) offsets(%dma_start3A_294 : memref<125xi32, #tpu.memory_space<vmem>>) semaphore(%arg32 : memref<!tpu.dma_semaphore, #tpu.memory_space<semaphore_mem>>) {add = true}
      %add3A_298 = arith.constant 5 : i32
      %add3A_299 = arith.addi %add3A_186, %add3A_298 : i32
      %add3A_300 = arith.constant 8 : i32
      %add3A_301 = arith.addi %add3A_299, %add3A_300 : i32
      %sub3A_302 = arith.constant 1 : i32
      %sub3A_303 = arith.subi %add3A_301, %sub3A_302 : i32
      %dma_wait3A_304 = arith.constant 0 : i32
      %dma_wait3A_305 = tpu.memref_slice %arg5[%add3A_299, %dma_wait3A_304] : memref<80x125xi32, #tpu.memory_space<vmem>> -> memref<1x125xi32, #tpu.memory_space<vmem>>
      %dma_wait3A_306 = tpu.memref_squeeze %dma_wait3A_305 : memref<1x125xi32, #tpu.memory_space<vmem>> -> memref<125xi32, #tpu.memory_space<vmem>>
      %dma_wait3A_307 = arith.constant 0 : i32
      %dma_wait3A_308 = arith.constant 0 : i32
      %dma_wait3A_309 = tpu.memref_slice %arg19[%dma_wait3A_307, %dma_wait3A_308] : memref<10112x16xf32, #tpu.memory_space<vmem_shared>> -> memref<10112x16xf32, #tpu.memory_space<vmem_shared>>
      tpu.wait_indirect_dma semaphore(%arg25 : memref<!tpu.dma_semaphore, #tpu.memory_space<semaphore_mem>>) src(%dma_wait3A_309 : memref<10112x16xf32, #tpu.memory_space<vmem_shared>>) dst(%arg12 : memref<125x16xf32, #tpu.memory_space<vmem>>)
      %lt3A_310 = arith.constant 80 : i32
      %lt3A_311 = arith.cmpi slt, %sub3A_303, %lt3A_310 : i32
      %convert_element_type3A_312 = arith.extui %lt3A_311 : i1 to i32
      %cond3A_313 = arith.constant 0 : i32
      %cond3A_314 = arith.cmpi ne, %convert_element_type3A_312, %cond3A_313 : i32
      scf.if %cond3A_314 {
        %ge3A = arith.constant 1 : i32
        %ge3A_367 = arith.cmpi sge, %add3A_299, %ge3A : i32
        %convert_element_type3A_368 = arith.extui %ge3A_367 : i1 to i32
        %cond3A_369 = arith.constant 0 : i32
        %cond3A_370 = arith.cmpi ne, %convert_element_type3A_368, %cond3A_369 : i32
        scf.if %cond3A_370 {
          %sub3A_377 = arith.constant 1 : i32
          %sub3A_378 = arith.subi %add3A_299, %sub3A_377 : i32
          %dma_wait3A_379 = arith.constant 0 : i32
          %dma_wait3A_380 = tpu.memref_slice %arg6[%sub3A_378, %dma_wait3A_379] : memref<80x125xi32, #tpu.memory_space<vmem>> -> memref<1x125xi32, #tpu.memory_space<vmem>>
          %dma_wait3A_381 = tpu.memref_squeeze %dma_wait3A_380 : memref<1x125xi32, #tpu.memory_space<vmem>> -> memref<125xi32, #tpu.memory_space<vmem>>
          %dma_wait3A_382 = arith.constant 0 : i32
          %dma_wait3A_383 = arith.constant 0 : i32
          %dma_wait3A_384 = tpu.memref_slice %arg18[%dma_wait3A_382, %dma_wait3A_383] : memref<10112x16xf32, #tpu.memory_space<vmem_shared>> -> memref<10112x16xf32, #tpu.memory_space<vmem_shared>>
          tpu.wait_indirect_dma semaphore(%arg32 : memref<!tpu.dma_semaphore, #tpu.memory_space<semaphore_mem>>) src(%arg11 : memref<125x16xf32, #tpu.memory_space<vmem>>) dst(%dma_wait3A_384 : memref<10112x16xf32, #tpu.memory_space<vmem_shared>>)
        } else {
        }
        %dma_start3A_371 = arith.constant 0 : i32
        %dma_start3A_372 = tpu.memref_slice %arg5[%sub3A_303, %dma_start3A_371] : memref<80x125xi32, #tpu.memory_space<vmem>> -> memref<1x125xi32, #tpu.memory_space<vmem>>
        %dma_start3A_373 = tpu.memref_squeeze %dma_start3A_372 : memref<1x125xi32, #tpu.memory_space<vmem>> -> memref<125xi32, #tpu.memory_space<vmem>>
        %dma_start3A_374 = arith.constant 0 : i32
        %dma_start3A_375 = arith.constant 0 : i32
        %dma_start3A_376 = tpu.memref_slice %arg19[%dma_start3A_374, %dma_start3A_375] : memref<10112x16xf32, #tpu.memory_space<vmem_shared>> -> memref<10112x16xf32, #tpu.memory_space<vmem_shared>>
        tpu.enqueue_indirect_dma source(%dma_start3A_376 : memref<10112x16xf32, #tpu.memory_space<vmem_shared>>) target(%arg11 : memref<125x16xf32, #tpu.memory_space<vmem>>) offsets(%dma_start3A_373 : memref<125xi32, #tpu.memory_space<vmem>>) semaphore(%arg24 : memref<!tpu.dma_semaphore, #tpu.memory_space<semaphore_mem>>)
      } else {
      }
      %dma_start3A_315 = arith.constant 0 : i32
      %dma_start3A_316 = tpu.memref_slice %arg6[%add3A_299, %dma_start3A_315] : memref<80x125xi32, #tpu.memory_space<vmem>> -> memref<1x125xi32, #tpu.memory_space<vmem>>
      %dma_start3A_317 = tpu.memref_squeeze %dma_start3A_316 : memref<1x125xi32, #tpu.memory_space<vmem>> -> memref<125xi32, #tpu.memory_space<vmem>>
      %dma_start3A_318 = arith.constant 0 : i32
      %dma_start3A_319 = arith.constant 0 : i32
      %dma_start3A_320 = tpu.memref_slice %arg18[%dma_start3A_318, %dma_start3A_319] : memref<10112x16xf32, #tpu.memory_space<vmem_shared>> -> memref<10112x16xf32, #tpu.memory_space<vmem_shared>>
      tpu.enqueue_indirect_dma source(%arg12 : memref<125x16xf32, #tpu.memory_space<vmem>>) target(%dma_start3A_320 : memref<10112x16xf32, #tpu.memory_space<vmem_shared>>) offsets(%dma_start3A_317 : memref<125xi32, #tpu.memory_space<vmem>>) semaphore(%arg33 : memref<!tpu.dma_semaphore, #tpu.memory_space<semaphore_mem>>) {add = true}
      %add3A_321 = arith.constant 6 : i32
      %add3A_322 = arith.addi %add3A_186, %add3A_321 : i32
      %add3A_323 = arith.constant 8 : i32
      %add3A_324 = arith.addi %add3A_322, %add3A_323 : i32
      %sub3A_325 = arith.constant 1 : i32
      %sub3A_326 = arith.subi %add3A_324, %sub3A_325 : i32
      %dma_wait3A_327 = arith.constant 0 : i32
      %dma_wait3A_328 = tpu.memref_slice %arg5[%add3A_322, %dma_wait3A_327] : memref<80x125xi32, #tpu.memory_space<vmem>> -> memref<1x125xi32, #tpu.memory_space<vmem>>
      %dma_wait3A_329 = tpu.memref_squeeze %dma_wait3A_328 : memref<1x125xi32, #tpu.memory_space<vmem>> -> memref<125xi32, #tpu.memory_space<vmem>>
      %dma_wait3A_330 = arith.constant 0 : i32
      %dma_wait3A_331 = arith.constant 0 : i32
      %dma_wait3A_332 = tpu.memref_slice %arg19[%dma_wait3A_330, %dma_wait3A_331] : memref<10112x16xf32, #tpu.memory_space<vmem_shared>> -> memref<10112x16xf32, #tpu.memory_space<vmem_shared>>
      tpu.wait_indirect_dma semaphore(%arg26 : memref<!tpu.dma_semaphore, #tpu.memory_space<semaphore_mem>>) src(%dma_wait3A_332 : memref<10112x16xf32, #tpu.memory_space<vmem_shared>>) dst(%arg13 : memref<125x16xf32, #tpu.memory_space<vmem>>)
      %lt3A_333 = arith.constant 80 : i32
      %lt3A_334 = arith.cmpi slt, %sub3A_326, %lt3A_333 : i32
      %convert_element_type3A_335 = arith.extui %lt3A_334 : i1 to i32
      %cond3A_336 = arith.constant 0 : i32
      %cond3A_337 = arith.cmpi ne, %convert_element_type3A_335, %cond3A_336 : i32
      scf.if %cond3A_337 {
        %ge3A = arith.constant 1 : i32
        %ge3A_367 = arith.cmpi sge, %add3A_322, %ge3A : i32
        %convert_element_type3A_368 = arith.extui %ge3A_367 : i1 to i32
        %cond3A_369 = arith.constant 0 : i32
        %cond3A_370 = arith.cmpi ne, %convert_element_type3A_368, %cond3A_369 : i32
        scf.if %cond3A_370 {
          %sub3A_377 = arith.constant 1 : i32
          %sub3A_378 = arith.subi %add3A_322, %sub3A_377 : i32
          %dma_wait3A_379 = arith.constant 0 : i32
          %dma_wait3A_380 = tpu.memref_slice %arg6[%sub3A_378, %dma_wait3A_379] : memref<80x125xi32, #tpu.memory_space<vmem>> -> memref<1x125xi32, #tpu.memory_space<vmem>>
          %dma_wait3A_381 = tpu.memref_squeeze %dma_wait3A_380 : memref<1x125xi32, #tpu.memory_space<vmem>> -> memref<125xi32, #tpu.memory_space<vmem>>
          %dma_wait3A_382 = arith.constant 0 : i32
          %dma_wait3A_383 = arith.constant 0 : i32
          %dma_wait3A_384 = tpu.memref_slice %arg18[%dma_wait3A_382, %dma_wait3A_383] : memref<10112x16xf32, #tpu.memory_space<vmem_shared>> -> memref<10112x16xf32, #tpu.memory_space<vmem_shared>>
          tpu.wait_indirect_dma semaphore(%arg33 : memref<!tpu.dma_semaphore, #tpu.memory_space<semaphore_mem>>) src(%arg12 : memref<125x16xf32, #tpu.memory_space<vmem>>) dst(%dma_wait3A_384 : memref<10112x16xf32, #tpu.memory_space<vmem_shared>>)
        } else {
        }
        %dma_start3A_371 = arith.constant 0 : i32
        %dma_start3A_372 = tpu.memref_slice %arg5[%sub3A_326, %dma_start3A_371] : memref<80x125xi32, #tpu.memory_space<vmem>> -> memref<1x125xi32, #tpu.memory_space<vmem>>
        %dma_start3A_373 = tpu.memref_squeeze %dma_start3A_372 : memref<1x125xi32, #tpu.memory_space<vmem>> -> memref<125xi32, #tpu.memory_space<vmem>>
        %dma_start3A_374 = arith.constant 0 : i32
        %dma_start3A_375 = arith.constant 0 : i32
        %dma_start3A_376 = tpu.memref_slice %arg19[%dma_start3A_374, %dma_start3A_375] : memref<10112x16xf32, #tpu.memory_space<vmem_shared>> -> memref<10112x16xf32, #tpu.memory_space<vmem_shared>>
        tpu.enqueue_indirect_dma source(%dma_start3A_376 : memref<10112x16xf32, #tpu.memory_space<vmem_shared>>) target(%arg12 : memref<125x16xf32, #tpu.memory_space<vmem>>) offsets(%dma_start3A_373 : memref<125xi32, #tpu.memory_space<vmem>>) semaphore(%arg25 : memref<!tpu.dma_semaphore, #tpu.memory_space<semaphore_mem>>)
      } else {
      }
      %dma_start3A_338 = arith.constant 0 : i32
      %dma_start3A_339 = tpu.memref_slice %arg6[%add3A_322, %dma_start3A_338] : memref<80x125xi32, #tpu.memory_space<vmem>> -> memref<1x125xi32, #tpu.memory_space<vmem>>
      %dma_start3A_340 = tpu.memref_squeeze %dma_start3A_339 : memref<1x125xi32, #tpu.memory_space<vmem>> -> memref<125xi32, #tpu.memory_space<vmem>>
      %dma_start3A_341 = arith.constant 0 : i32
      %dma_start3A_342 = arith.constant 0 : i32
      %dma_start3A_343 = tpu.memref_slice %arg18[%dma_start3A_341, %dma_start3A_342] : memref<10112x16xf32, #tpu.memory_space<vmem_shared>> -> memref<10112x16xf32, #tpu.memory_space<vmem_shared>>
      tpu.enqueue_indirect_dma source(%arg13 : memref<125x16xf32, #tpu.memory_space<vmem>>) target(%dma_start3A_343 : memref<10112x16xf32, #tpu.memory_space<vmem_shared>>) offsets(%dma_start3A_340 : memref<125xi32, #tpu.memory_space<vmem>>) semaphore(%arg34 : memref<!tpu.dma_semaphore, #tpu.memory_space<semaphore_mem>>) {add = true}
      %add3A_344 = arith.constant 7 : i32
      %add3A_345 = arith.addi %add3A_186, %add3A_344 : i32
      %add3A_346 = arith.constant 8 : i32
      %add3A_347 = arith.addi %add3A_345, %add3A_346 : i32
      %sub3A_348 = arith.constant 1 : i32
      %sub3A_349 = arith.subi %add3A_347, %sub3A_348 : i32
      %dma_wait3A_350 = arith.constant 0 : i32
      %dma_wait3A_351 = tpu.memref_slice %arg5[%add3A_345, %dma_wait3A_350] : memref<80x125xi32, #tpu.memory_space<vmem>> -> memref<1x125xi32, #tpu.memory_space<vmem>>
      %dma_wait3A_352 = tpu.memref_squeeze %dma_wait3A_351 : memref<1x125xi32, #tpu.memory_space<vmem>> -> memref<125xi32, #tpu.memory_space<vmem>>
      %dma_wait3A_353 = arith.constant 0 : i32
      %dma_wait3A_354 = arith.constant 0 : i32
      %dma_wait3A_355 = tpu.memref_slice %arg19[%dma_wait3A_353, %dma_wait3A_354] : memref<10112x16xf32, #tpu.memory_space<vmem_shared>> -> memref<10112x16xf32, #tpu.memory_space<vmem_shared>>
      tpu.wait_indirect_dma semaphore(%arg27 : memref<!tpu.dma_semaphore, #tpu.memory_space<semaphore_mem>>) src(%dma_wait3A_355 : memref<10112x16xf32, #tpu.memory_space<vmem_shared>>) dst(%arg14 : memref<125x16xf32, #tpu.memory_space<vmem>>)
      %lt3A_356 = arith.constant 80 : i32
      %lt3A_357 = arith.cmpi slt, %sub3A_349, %lt3A_356 : i32
      %convert_element_type3A_358 = arith.extui %lt3A_357 : i1 to i32
      %cond3A_359 = arith.constant 0 : i32
      %cond3A_360 = arith.cmpi ne, %convert_element_type3A_358, %cond3A_359 : i32
      scf.if %cond3A_360 {
        %ge3A = arith.constant 1 : i32
        %ge3A_367 = arith.cmpi sge, %add3A_345, %ge3A : i32
        %convert_element_type3A_368 = arith.extui %ge3A_367 : i1 to i32
        %cond3A_369 = arith.constant 0 : i32
        %cond3A_370 = arith.cmpi ne, %convert_element_type3A_368, %cond3A_369 : i32
        scf.if %cond3A_370 {
          %sub3A_377 = arith.constant 1 : i32
          %sub3A_378 = arith.subi %add3A_345, %sub3A_377 : i32
          %dma_wait3A_379 = arith.constant 0 : i32
          %dma_wait3A_380 = tpu.memref_slice %arg6[%sub3A_378, %dma_wait3A_379] : memref<80x125xi32, #tpu.memory_space<vmem>> -> memref<1x125xi32, #tpu.memory_space<vmem>>
          %dma_wait3A_381 = tpu.memref_squeeze %dma_wait3A_380 : memref<1x125xi32, #tpu.memory_space<vmem>> -> memref<125xi32, #tpu.memory_space<vmem>>
          %dma_wait3A_382 = arith.constant 0 : i32
          %dma_wait3A_383 = arith.constant 0 : i32
          %dma_wait3A_384 = tpu.memref_slice %arg18[%dma_wait3A_382, %dma_wait3A_383] : memref<10112x16xf32, #tpu.memory_space<vmem_shared>> -> memref<10112x16xf32, #tpu.memory_space<vmem_shared>>
          tpu.wait_indirect_dma semaphore(%arg34 : memref<!tpu.dma_semaphore, #tpu.memory_space<semaphore_mem>>) src(%arg13 : memref<125x16xf32, #tpu.memory_space<vmem>>) dst(%dma_wait3A_384 : memref<10112x16xf32, #tpu.memory_space<vmem_shared>>)
        } else {
        }
        %dma_start3A_371 = arith.constant 0 : i32
        %dma_start3A_372 = tpu.memref_slice %arg5[%sub3A_349, %dma_start3A_371] : memref<80x125xi32, #tpu.memory_space<vmem>> -> memref<1x125xi32, #tpu.memory_space<vmem>>
        %dma_start3A_373 = tpu.memref_squeeze %dma_start3A_372 : memref<1x125xi32, #tpu.memory_space<vmem>> -> memref<125xi32, #tpu.memory_space<vmem>>
        %dma_start3A_374 = arith.constant 0 : i32
        %dma_start3A_375 = arith.constant 0 : i32
        %dma_start3A_376 = tpu.memref_slice %arg19[%dma_start3A_374, %dma_start3A_375] : memref<10112x16xf32, #tpu.memory_space<vmem_shared>> -> memref<10112x16xf32, #tpu.memory_space<vmem_shared>>
        tpu.enqueue_indirect_dma source(%dma_start3A_376 : memref<10112x16xf32, #tpu.memory_space<vmem_shared>>) target(%arg13 : memref<125x16xf32, #tpu.memory_space<vmem>>) offsets(%dma_start3A_373 : memref<125xi32, #tpu.memory_space<vmem>>) semaphore(%arg26 : memref<!tpu.dma_semaphore, #tpu.memory_space<semaphore_mem>>)
      } else {
      }
      %dma_start3A_361 = arith.constant 0 : i32
      %dma_start3A_362 = tpu.memref_slice %arg6[%add3A_345, %dma_start3A_361] : memref<80x125xi32, #tpu.memory_space<vmem>> -> memref<1x125xi32, #tpu.memory_space<vmem>>
      %dma_start3A_363 = tpu.memref_squeeze %dma_start3A_362 : memref<1x125xi32, #tpu.memory_space<vmem>> -> memref<125xi32, #tpu.memory_space<vmem>>
      %dma_start3A_364 = arith.constant 0 : i32
      %dma_start3A_365 = arith.constant 0 : i32
      %dma_start3A_366 = tpu.memref_slice %arg18[%dma_start3A_364, %dma_start3A_365] : memref<10112x16xf32, #tpu.memory_space<vmem_shared>> -> memref<10112x16xf32, #tpu.memory_space<vmem_shared>>
      tpu.enqueue_indirect_dma source(%arg14 : memref<125x16xf32, #tpu.memory_space<vmem>>) target(%dma_start3A_366 : memref<10112x16xf32, #tpu.memory_space<vmem_shared>>) offsets(%dma_start3A_363 : memref<125xi32, #tpu.memory_space<vmem>>) semaphore(%arg35 : memref<!tpu.dma_semaphore, #tpu.memory_space<semaphore_mem>>) {add = true}
    }
    %scan3A_120 = arith.constant 10 : i32
    %dma_wait3A_121 = arith.constant 72 : i32
    %dma_wait3A_122 = arith.constant 0 : i32
    %dma_wait3A_123 = tpu.memref_slice %arg6[%dma_wait3A_121, %dma_wait3A_122] : memref<80x125xi32, #tpu.memory_space<vmem>> -> memref<1x125xi32, #tpu.memory_space<vmem>>
    %dma_wait3A_124 = tpu.memref_squeeze %dma_wait3A_123 : memref<1x125xi32, #tpu.memory_space<vmem>> -> memref<125xi32, #tpu.memory_space<vmem>>
    %dma_wait3A_125 = arith.constant 0 : i32
    %dma_wait3A_126 = arith.constant 0 : i32
    %dma_wait3A_127 = tpu.memref_slice %arg18[%dma_wait3A_125, %dma_wait3A_126] : memref<10112x16xf32, #tpu.memory_space<vmem_shared>> -> memref<10112x16xf32, #tpu.memory_space<vmem_shared>>
    tpu.wait_indirect_dma semaphore(%arg28 : memref<!tpu.dma_semaphore, #tpu.memory_space<semaphore_mem>>) src(%arg7 : memref<125x16xf32, #tpu.memory_space<vmem>>) dst(%dma_wait3A_127 : memref<10112x16xf32, #tpu.memory_space<vmem_shared>>)
    %dma_wait3A_128 = arith.constant 73 : i32
    %dma_wait3A_129 = arith.constant 0 : i32
    %dma_wait3A_130 = tpu.memref_slice %arg6[%dma_wait3A_128, %dma_wait3A_129] : memref<80x125xi32, #tpu.memory_space<vmem>> -> memref<1x125xi32, #tpu.memory_space<vmem>>
    %dma_wait3A_131 = tpu.memref_squeeze %dma_wait3A_130 : memref<1x125xi32, #tpu.memory_space<vmem>> -> memref<125xi32, #tpu.memory_space<vmem>>
    %dma_wait3A_132 = arith.constant 0 : i32
    %dma_wait3A_133 = arith.constant 0 : i32
    %dma_wait3A_134 = tpu.memref_slice %arg18[%dma_wait3A_132, %dma_wait3A_133] : memref<10112x16xf32, #tpu.memory_space<vmem_shared>> -> memref<10112x16xf32, #tpu.memory_space<vmem_shared>>
    tpu.wait_indirect_dma semaphore(%arg29 : memref<!tpu.dma_semaphore, #tpu.memory_space<semaphore_mem>>) src(%arg8 : memref<125x16xf32, #tpu.memory_space<vmem>>) dst(%dma_wait3A_134 : memref<10112x16xf32, #tpu.memory_space<vmem_shared>>)
    %dma_wait3A_135 = arith.constant 74 : i32
    %dma_wait3A_136 = arith.constant 0 : i32
    %dma_wait3A_137 = tpu.memref_slice %arg6[%dma_wait3A_135, %dma_wait3A_136] : memref<80x125xi32, #tpu.memory_space<vmem>> -> memref<1x125xi32, #tpu.memory_space<vmem>>
    %dma_wait3A_138 = tpu.memref_squeeze %dma_wait3A_137 : memref<1x125xi32, #tpu.memory_space<vmem>> -> memref<125xi32, #tpu.memory_space<vmem>>
    %dma_wait3A_139 = arith.constant 0 : i32
    %dma_wait3A_140 = arith.constant 0 : i32
    %dma_wait3A_141 = tpu.memref_slice %arg18[%dma_wait3A_139, %dma_wait3A_140] : memref<10112x16xf32, #tpu.memory_space<vmem_shared>> -> memref<10112x16xf32, #tpu.memory_space<vmem_shared>>
    tpu.wait_indirect_dma semaphore(%arg30 : memref<!tpu.dma_semaphore, #tpu.memory_space<semaphore_mem>>) src(%arg9 : memref<125x16xf32, #tpu.memory_space<vmem>>) dst(%dma_wait3A_141 : memref<10112x16xf32, #tpu.memory_space<vmem_shared>>)
    %dma_wait3A_142 = arith.constant 75 : i32
    %dma_wait3A_143 = arith.constant 0 : i32
    %dma_wait3A_144 = tpu.memref_slice %arg6[%dma_wait3A_142, %dma_wait3A_143] : memref<80x125xi32, #tpu.memory_space<vmem>> -> memref<1x125xi32, #tpu.memory_space<vmem>>
    %dma_wait3A_145 = tpu.memref_squeeze %dma_wait3A_144 : memref<1x125xi32, #tpu.memory_space<vmem>> -> memref<125xi32, #tpu.memory_space<vmem>>
    %dma_wait3A_146 = arith.constant 0 : i32
    %dma_wait3A_147 = arith.constant 0 : i32
    %dma_wait3A_148 = tpu.memref_slice %arg18[%dma_wait3A_146, %dma_wait3A_147] : memref<10112x16xf32, #tpu.memory_space<vmem_shared>> -> memref<10112x16xf32, #tpu.memory_space<vmem_shared>>
    tpu.wait_indirect_dma semaphore(%arg31 : memref<!tpu.dma_semaphore, #tpu.memory_space<semaphore_mem>>) src(%arg10 : memref<125x16xf32, #tpu.memory_space<vmem>>) dst(%dma_wait3A_148 : memref<10112x16xf32, #tpu.memory_space<vmem_shared>>)
    %dma_wait3A_149 = arith.constant 76 : i32
    %dma_wait3A_150 = arith.constant 0 : i32
    %dma_wait3A_151 = tpu.memref_slice %arg6[%dma_wait3A_149, %dma_wait3A_150] : memref<80x125xi32, #tpu.memory_space<vmem>> -> memref<1x125xi32, #tpu.memory_space<vmem>>
    %dma_wait3A_152 = tpu.memref_squeeze %dma_wait3A_151 : memref<1x125xi32, #tpu.memory_space<vmem>> -> memref<125xi32, #tpu.memory_space<vmem>>
    %dma_wait3A_153 = arith.constant 0 : i32
    %dma_wait3A_154 = arith.constant 0 : i32
    %dma_wait3A_155 = tpu.memref_slice %arg18[%dma_wait3A_153, %dma_wait3A_154] : memref<10112x16xf32, #tpu.memory_space<vmem_shared>> -> memref<10112x16xf32, #tpu.memory_space<vmem_shared>>
    tpu.wait_indirect_dma semaphore(%arg32 : memref<!tpu.dma_semaphore, #tpu.memory_space<semaphore_mem>>) src(%arg11 : memref<125x16xf32, #tpu.memory_space<vmem>>) dst(%dma_wait3A_155 : memref<10112x16xf32, #tpu.memory_space<vmem_shared>>)
    %dma_wait3A_156 = arith.constant 77 : i32
    %dma_wait3A_157 = arith.constant 0 : i32
    %dma_wait3A_158 = tpu.memref_slice %arg6[%dma_wait3A_156, %dma_wait3A_157] : memref<80x125xi32, #tpu.memory_space<vmem>> -> memref<1x125xi32, #tpu.memory_space<vmem>>
    %dma_wait3A_159 = tpu.memref_squeeze %dma_wait3A_158 : memref<1x125xi32, #tpu.memory_space<vmem>> -> memref<125xi32, #tpu.memory_space<vmem>>
    %dma_wait3A_160 = arith.constant 0 : i32
    %dma_wait3A_161 = arith.constant 0 : i32
    %dma_wait3A_162 = tpu.memref_slice %arg18[%dma_wait3A_160, %dma_wait3A_161] : memref<10112x16xf32, #tpu.memory_space<vmem_shared>> -> memref<10112x16xf32, #tpu.memory_space<vmem_shared>>
    tpu.wait_indirect_dma semaphore(%arg33 : memref<!tpu.dma_semaphore, #tpu.memory_space<semaphore_mem>>) src(%arg12 : memref<125x16xf32, #tpu.memory_space<vmem>>) dst(%dma_wait3A_162 : memref<10112x16xf32, #tpu.memory_space<vmem_shared>>)
    %dma_wait3A_163 = arith.constant 78 : i32
    %dma_wait3A_164 = arith.constant 0 : i32
    %dma_wait3A_165 = tpu.memref_slice %arg6[%dma_wait3A_163, %dma_wait3A_164] : memref<80x125xi32, #tpu.memory_space<vmem>> -> memref<1x125xi32, #tpu.memory_space<vmem>>
    %dma_wait3A_166 = tpu.memref_squeeze %dma_wait3A_165 : memref<1x125xi32, #tpu.memory_space<vmem>> -> memref<125xi32, #tpu.memory_space<vmem>>
    %dma_wait3A_167 = arith.constant 0 : i32
    %dma_wait3A_168 = arith.constant 0 : i32
    %dma_wait3A_169 = tpu.memref_slice %arg18[%dma_wait3A_167, %dma_wait3A_168] : memref<10112x16xf32, #tpu.memory_space<vmem_shared>> -> memref<10112x16xf32, #tpu.memory_space<vmem_shared>>
    tpu.wait_indirect_dma semaphore(%arg34 : memref<!tpu.dma_semaphore, #tpu.memory_space<semaphore_mem>>) src(%arg13 : memref<125x16xf32, #tpu.memory_space<vmem>>) dst(%dma_wait3A_169 : memref<10112x16xf32, #tpu.memory_space<vmem_shared>>)
    %dma_wait3A_170 = arith.constant 79 : i32
    %dma_wait3A_171 = arith.constant 0 : i32
    %dma_wait3A_172 = tpu.memref_slice %arg6[%dma_wait3A_170, %dma_wait3A_171] : memref<80x125xi32, #tpu.memory_space<vmem>> -> memref<1x125xi32, #tpu.memory_space<vmem>>
    %dma_wait3A_173 = tpu.memref_squeeze %dma_wait3A_172 : memref<1x125xi32, #tpu.memory_space<vmem>> -> memref<125xi32, #tpu.memory_space<vmem>>
    %dma_wait3A_174 = arith.constant 0 : i32
    %dma_wait3A_175 = arith.constant 0 : i32
    %dma_wait3A_176 = tpu.memref_slice %arg18[%dma_wait3A_174, %dma_wait3A_175] : memref<10112x16xf32, #tpu.memory_space<vmem_shared>> -> memref<10112x16xf32, #tpu.memory_space<vmem_shared>>
    tpu.wait_indirect_dma semaphore(%arg35 : memref<!tpu.dma_semaphore, #tpu.memory_space<semaphore_mem>>) src(%arg14 : memref<125x16xf32, #tpu.memory_space<vmem>>) dst(%dma_wait3A_176 : memref<10112x16xf32, #tpu.memory_space<vmem_shared>>)
    %barrier3A_177 = arith.constant 0 : index
    tpu.barrier barrier_id(%barrier3A_177)
    %mul3A_178 = arith.constant 632 : i32
    %mul3A_179 = arith.muli %arg1, %mul3A_178 : i32
    "tpu.region"() ({
      %run_scoped3A = tpu.sem_alloc : memref<!tpu.dma_semaphore, #tpu.memory_space<semaphore_mem>>
      %dma_start3A_182 = arith.constant 0 : i32
      %dma_start3A_183 = tpu.memref_slice %arg18[%mul3A_179, %dma_start3A_182] : memref<10112x16xf32, #tpu.memory_space<vmem_shared>> -> memref<632x16xf32, #tpu.memory_space<vmem_shared>>
      %dma_start3A_184 = arith.constant 0 : i32
      %dma_start3A_185 = tpu.memref_slice %arg18[%mul3A_179, %dma_start3A_184] : memref<10112x16xf32, #tpu.memory_space<vmem_shared>> -> memref<632x16xf32, #tpu.memory_space<vmem_shared>>
      tpu.enqueue_dma source(%dma_start3A_185 : memref<632x16xf32, #tpu.memory_space<vmem_shared>>) target(%arg15 : memref<632x16xf32, #tpu.memory_space<vmem>>) target_semaphore(%run_scoped3A : memref<!tpu.dma_semaphore, #tpu.memory_space<semaphore_mem>>)
      %dma_wait3A_186 = arith.constant 0 : i32
      %dma_wait3A_187 = tpu.memref_slice %arg18[%mul3A_179, %dma_wait3A_186] : memref<10112x16xf32, #tpu.memory_space<vmem_shared>> -> memref<632x16xf32, #tpu.memory_space<vmem_shared>>
      %dma_wait3A_188 = arith.constant 0 : i32
      %dma_wait3A_189 = tpu.memref_slice %arg18[%mul3A_179, %dma_wait3A_188] : memref<10112x16xf32, #tpu.memory_space<vmem_shared>> -> memref<632x16xf32, #tpu.memory_space<vmem_shared>>
      tpu.wait_dma2 semaphore(%run_scoped3A : memref<!tpu.dma_semaphore, #tpu.memory_space<semaphore_mem>>) src(%dma_wait3A_189 : memref<632x16xf32, #tpu.memory_space<vmem_shared>>) dst(%arg15 : memref<632x16xf32, #tpu.memory_space<vmem>>)
      tpu.yield
    }) : () -> ()
    %mul3A_180 = arith.constant 632 : i32
    %mul3A_181 = arith.muli %arg1, %mul3A_180 : i32
    "tpu.region"() ({
      %run_scoped3A = tpu.sem_alloc : memref<!tpu.dma_semaphore, #tpu.memory_space<semaphore_mem>>
      %dma_start3A_182 = arith.constant 0 : i32
      %dma_start3A_183 = tpu.memref_slice %arg4[%arg0, %mul3A_181, %dma_start3A_182] : memref<2x10112x16xf32, #tpu.memory_space<hbm>> -> memref<1x632x16xf32, #tpu.memory_space<hbm>>
      %dma_start3A_184 = tpu.memref_squeeze %dma_start3A_183 : memref<1x632x16xf32, #tpu.memory_space<hbm>> -> memref<632x16xf32, #tpu.memory_space<hbm>>
      %dma_start3A_185 = arith.constant 0 : i32
      %dma_start3A_186 = tpu.memref_slice %arg4[%arg0, %mul3A_181, %dma_start3A_185] : memref<2x10112x16xf32, #tpu.memory_space<hbm>> -> memref<1x632x16xf32, #tpu.memory_space<hbm>>
      %dma_start3A_187 = tpu.memref_squeeze %dma_start3A_186 : memref<1x632x16xf32, #tpu.memory_space<hbm>> -> memref<632x16xf32, #tpu.memory_space<hbm>>
      tpu.enqueue_dma source(%arg15 : memref<632x16xf32, #tpu.memory_space<vmem>>) target(%dma_start3A_187 : memref<632x16xf32, #tpu.memory_space<hbm>>) target_semaphore(%run_scoped3A : memref<!tpu.dma_semaphore, #tpu.memory_space<semaphore_mem>>)
      %dma_wait3A_188 = arith.constant 0 : i32
      %dma_wait3A_189 = tpu.memref_slice %arg4[%arg0, %mul3A_181, %dma_wait3A_188] : memref<2x10112x16xf32, #tpu.memory_space<hbm>> -> memref<1x632x16xf32, #tpu.memory_space<hbm>>
      %dma_wait3A_190 = tpu.memref_squeeze %dma_wait3A_189 : memref<1x632x16xf32, #tpu.memory_space<hbm>> -> memref<632x16xf32, #tpu.memory_space<hbm>>
      %dma_wait3A_191 = arith.constant 0 : i32
      %dma_wait3A_192 = tpu.memref_slice %arg4[%arg0, %mul3A_181, %dma_wait3A_191] : memref<2x10112x16xf32, #tpu.memory_space<hbm>> -> memref<1x632x16xf32, #tpu.memory_space<hbm>>
      %dma_wait3A_193 = tpu.memref_squeeze %dma_wait3A_192 : memref<1x632x16xf32, #tpu.memory_space<hbm>> -> memref<632x16xf32, #tpu.memory_space<hbm>>
      tpu.wait_dma2 semaphore(%run_scoped3A : memref<!tpu.dma_semaphore, #tpu.memory_space<semaphore_mem>>) src(%arg15 : memref<632x16xf32, #tpu.memory_space<vmem>>) dst(%dma_wait3A_193 : memref<632x16xf32, #tpu.memory_space<hbm>>)
      tpu.yield
    }) : () -> ()
    return
  }
}

#map = affine_map<(d0, d1) -> (0, 0, 0)>
#map1 = affine_map<(d0, d1) -> (0, 0, 0, 0)>
module attributes {stable_mosaic.version = 14 : i64} {
  func.func @spmm(%arg0: i32, %arg1: i32, %arg2: memref<2x10112x16xf32, #tpu.memory_space<hbm>>, %arg3: memref<2x32x80x125xi32, #tpu.memory_space<hbm>>, %arg4: memref<2x10112x16xf32, #tpu.memory_space<hbm>>, %arg5: memref<80x125xi32, #tpu.memory_space<vmem>>, %arg6: memref<80x125xi32, #tpu.memory_space<vmem>>, %arg7: memref<125x16xf32, #tpu.memory_space<vmem>>, %arg8: memref<125x16xf32, #tpu.memory_space<vmem>>, %arg9: memref<125x16xf32, #tpu.memory_space<vmem>>, %arg10: memref<125x16xf32, #tpu.memory_space<vmem>>, %arg11: memref<125x16xf32, #tpu.memory_space<vmem>>, %arg12: memref<125x16xf32, #tpu.memory_space<vmem>>, %arg13: memref<125x16xf32, #tpu.memory_space<vmem>>, %arg14: memref<125x16xf32, #tpu.memory_space<vmem>>, %arg15: memref<632x16xf32, #tpu.memory_space<vmem>>, %arg16: memref<632x16xf32, #tpu.memory_space<vmem>>, %arg17: memref<632x16xf32, #tpu.memory_space<vmem>>, %arg18: memref<10112x16xf32, #tpu.memory_space<vmem_shared>>, %arg19: memref<10112x16xf32, #tpu.memory_space<vmem_shared>>, %arg20: memref<!tpu.dma_semaphore, #tpu.memory_space<semaphore_mem>>, %arg21: memref<!tpu.dma_semaphore, #tpu.memory_space<semaphore_mem>>, %arg22: memref<!tpu.dma_semaphore, #tpu.memory_space<semaphore_mem>>, %arg23: memref<!tpu.dma_semaphore, #tpu.memory_space<semaphore_mem>>, %arg24: memref<!tpu.dma_semaphore, #tpu.memory_space<semaphore_mem>>, %arg25: memref<!tpu.dma_semaphore, #tpu.memory_space<semaphore_mem>>, %arg26: memref<!tpu.dma_semaphore, #tpu.memory_space<semaphore_mem>>, %arg27: memref<!tpu.dma_semaphore, #tpu.memory_space<semaphore_mem>>, %arg28: memref<!tpu.dma_semaphore, #tpu.memory_space<semaphore_mem>>, %arg29: memref<!tpu.dma_semaphore, #tpu.memory_space<semaphore_mem>>, %arg30: memref<!tpu.dma_semaphore, #tpu.memory_space<semaphore_mem>>, %arg31: memref<!tpu.dma_semaphore, #tpu.memory_space<semaphore_mem>>, %arg32: memref<!tpu.dma_semaphore, #tpu.memory_space<semaphore_mem>>, %arg33: memref<!tpu.dma_semaphore, #tpu.memory_space<semaphore_mem>>, %arg34: memref<!tpu.dma_semaphore, #tpu.memory_space<semaphore_mem>>, %arg35: memref<!tpu.dma_semaphore, #tpu.memory_space<semaphore_mem>>, %arg36: memref<!tpu.dma_semaphore, #tpu.memory_space<semaphore_mem>>) attributes {dimension_semantics = [#tpu.dimension_semantics<core_parallel>, #tpu.dimension_semantics<subcore_parallel>], iteration_bounds = array<i64: 2, 16>, scalar_prefetch = 0 : i64, scratch_operands = 32 : i64, tpu.core_type = #tpu.core_type<sc_vector_subcore>, window_params = [{transform_indices = #map}, {transform_indices = #map1}, {transform_indices = #map}]} {
    %mul3A = arith.constant 16 : i32
    %mul3A_0 = arith.muli %arg0, %mul3A : i32
    %add3A = arith.addi %mul3A_0, %arg1 : i32
    %dma_start3A = arith.constant 0 : i32
    %dma_start3A_1 = arith.constant 0 : i32
    %dma_start3A_2 = arith.constant 0 : i32
    %dma_start3A_3 = tpu.memref_slice %arg3[%dma_start3A, %add3A, %dma_start3A_1, %dma_start3A_2] : memref<2x32x80x125xi32, #tpu.memory_space<hbm>> -> memref<1x1x80x125xi32, #tpu.memory_space<hbm>>
    %dma_start3A_4 = tpu.memref_squeeze %dma_start3A_3 : memref<1x1x80x125xi32, #tpu.memory_space<hbm>> -> memref<80x125xi32, #tpu.memory_space<hbm>>
    %dma_start3A_5 = arith.constant 0 : i32
    %dma_start3A_6 = arith.constant 0 : i32
    %dma_start3A_7 = tpu.memref_slice %arg3[%dma_start3A, %add3A, %dma_start3A_5, %dma_start3A_6] : memref<2x32x80x125xi32, #tpu.memory_space<hbm>> -> memref<1x1x80x125xi32, #tpu.memory_space<hbm>>
    %dma_start3A_8 = tpu.memref_squeeze %dma_start3A_7 : memref<1x1x80x125xi32, #tpu.memory_space<hbm>> -> memref<80x125xi32, #tpu.memory_space<hbm>>
    tpu.enqueue_dma source(%dma_start3A_8 : memref<80x125xi32, #tpu.memory_space<hbm>>) target(%arg5 : memref<80x125xi32, #tpu.memory_space<vmem>>) target_semaphore(%arg20 : memref<!tpu.dma_semaphore, #tpu.memory_space<semaphore_mem>>)
    %dma_start3A_9 = arith.constant 1 : i32
    %dma_start3A_10 = arith.constant 0 : i32
    %dma_start3A_11 = arith.constant 0 : i32
    %dma_start3A_12 = tpu.memref_slice %arg3[%dma_start3A_9, %add3A, %dma_start3A_10, %dma_start3A_11] : memref<2x32x80x125xi32, #tpu.memory_space<hbm>> -> memref<1x1x80x125xi32, #tpu.memory_space<hbm>>
    %dma_start3A_13 = tpu.memref_squeeze %dma_start3A_12 : memref<1x1x80x125xi32, #tpu.memory_space<hbm>> -> memref<80x125xi32, #tpu.memory_space<hbm>>
    %dma_start3A_14 = arith.constant 0 : i32
    %dma_start3A_15 = arith.constant 0 : i32
    %dma_start3A_16 = tpu.memref_slice %arg3[%dma_start3A_9, %add3A, %dma_start3A_14, %dma_start3A_15] : memref<2x32x80x125xi32, #tpu.memory_space<hbm>> -> memref<1x1x80x125xi32, #tpu.memory_space<hbm>>
    %dma_start3A_17 = tpu.memref_squeeze %dma_start3A_16 : memref<1x1x80x125xi32, #tpu.memory_space<hbm>> -> memref<80x125xi32, #tpu.memory_space<hbm>>
    tpu.enqueue_dma source(%dma_start3A_17 : memref<80x125xi32, #tpu.memory_space<hbm>>) target(%arg6 : memref<80x125xi32, #tpu.memory_space<vmem>>) target_semaphore(%arg21 : memref<!tpu.dma_semaphore, #tpu.memory_space<semaphore_mem>>)
    %scan3A = arith.constant 0 : i32
    %scan3A_18 = arith.constant 632 : i32
    %scan3A_19 = arith.addi %scan3A, %scan3A_18 : i32
    %scan3A_20 = arith.constant 1 : i32
    scf.for %scan3A_209 = %scan3A to %scan3A_19 step %scan3A_20  : i32 {
      %mul3A_210 = arith.constant 1 : i32
      %mul3A_211 = arith.muli %scan3A_209, %mul3A_210 : i32
      %add3A_212 = arith.constant 0 : i32
      %add3A_213 = arith.addi %add3A_212, %mul3A_211 : i32
      %broadcast_in_dim3A = arith.constant 0.000000e+00 : f32
      %broadcast_in_dim3A_214 = vector.broadcast %broadcast_in_dim3A : f32 to vector<16xf32>
      %swap3A = arith.index_cast %add3A_213 : i32 to index
      %swap3A_215 = arith.constant 0 : index
      %swap3A_216 = tpu.vector_load %arg15[%swap3A, %swap3A_215] {strides = array<i32>} : memref<632x16xf32, #tpu.memory_space<vmem>>, vector<1x16xf32>,
      %swap3A_217 = vector.shape_cast %swap3A_216 : vector<1x16xf32> to vector<16xf32>
      %swap3A_218 = vector.shape_cast %broadcast_in_dim3A_214 : vector<16xf32> to vector<1x16xf32>
      tpu.vector_store %arg15[%swap3A, %swap3A_215], %swap3A_218 {strides = array<i32>} : memref<632x16xf32, #tpu.memory_space<vmem>>, vector<1x16xf32>,
    }
    %scan3A_21 = arith.constant 632 : i32
    %mul3A_22 = arith.constant 632 : i32
    %mul3A_23 = arith.muli %arg1, %mul3A_22 : i32
    %dma_start3A_24 = arith.constant 0 : i32
    %dma_start3A_25 = tpu.memref_slice %arg18[%mul3A_23, %dma_start3A_24] : memref<10112x16xf32, #tpu.memory_space<vmem_shared>> -> memref<632x16xf32, #tpu.memory_space<vmem_shared>>
    %dma_start3A_26 = arith.constant 0 : i32
    %dma_start3A_27 = tpu.memref_slice %arg18[%mul3A_23, %dma_start3A_26] : memref<10112x16xf32, #tpu.memory_space<vmem_shared>> -> memref<632x16xf32, #tpu.memory_space<vmem_shared>>
    tpu.enqueue_dma source(%arg15 : memref<632x16xf32, #tpu.memory_space<vmem>>) target(%dma_start3A_27 : memref<632x16xf32, #tpu.memory_space<vmem_shared>>) target_semaphore(%arg28 : memref<!tpu.dma_semaphore, #tpu.memory_space<semaphore_mem>>)
    %mul3A_28 = arith.constant 632 : i32
    %mul3A_29 = arith.muli %arg1, %mul3A_28 : i32
    %dma_start3A_30 = arith.constant 0 : i32
    %dma_start3A_31 = arith.constant 0 : i32
    %dma_start3A_32 = tpu.memref_slice %arg2[%dma_start3A_30, %mul3A_29, %dma_start3A_31] : memref<2x10112x16xf32, #tpu.memory_space<hbm>> -> memref<1x632x16xf32, #tpu.memory_space<hbm>>
    %dma_start3A_33 = tpu.memref_squeeze %dma_start3A_32 : memref<1x632x16xf32, #tpu.memory_space<hbm>> -> memref<632x16xf32, #tpu.memory_space<hbm>>
    %dma_start3A_34 = arith.constant 0 : i32
    %dma_start3A_35 = tpu.memref_slice %arg2[%dma_start3A_30, %mul3A_29, %dma_start3A_34] : memref<2x10112x16xf32, #tpu.memory_space<hbm>> -> memref<1x632x16xf32, #tpu.memory_space<hbm>>
    %dma_start3A_36 = tpu.memref_squeeze %dma_start3A_35 : memref<1x632x16xf32, #tpu.memory_space<hbm>> -> memref<632x16xf32, #tpu.memory_space<hbm>>
    tpu.enqueue_dma source(%dma_start3A_36 : memref<632x16xf32, #tpu.memory_space<hbm>>) target(%arg16 : memref<632x16xf32, #tpu.memory_space<vmem>>) target_semaphore(%arg22 : memref<!tpu.dma_semaphore, #tpu.memory_space<semaphore_mem>>)
    %mul3A_37 = arith.constant 632 : i32
    %mul3A_38 = arith.muli %arg1, %mul3A_37 : i32
    %dma_start3A_39 = arith.constant 1 : i32
    %dma_start3A_40 = arith.constant 0 : i32
    %dma_start3A_41 = tpu.memref_slice %arg2[%dma_start3A_39, %mul3A_38, %dma_start3A_40] : memref<2x10112x16xf32, #tpu.memory_space<hbm>> -> memref<1x632x16xf32, #tpu.memory_space<hbm>>
    %dma_start3A_42 = tpu.memref_squeeze %dma_start3A_41 : memref<1x632x16xf32, #tpu.memory_space<hbm>> -> memref<632x16xf32, #tpu.memory_space<hbm>>
    %dma_start3A_43 = arith.constant 0 : i32
    %dma_start3A_44 = tpu.memref_slice %arg2[%dma_start3A_39, %mul3A_38, %dma_start3A_43] : memref<2x10112x16xf32, #tpu.memory_space<hbm>> -> memref<1x632x16xf32, #tpu.memory_space<hbm>>
    %dma_start3A_45 = tpu.memref_squeeze %dma_start3A_44 : memref<1x632x16xf32, #tpu.memory_space<hbm>> -> memref<632x16xf32, #tpu.memory_space<hbm>>
    tpu.enqueue_dma source(%dma_start3A_45 : memref<632x16xf32, #tpu.memory_space<hbm>>) target(%arg17 : memref<632x16xf32, #tpu.memory_space<vmem>>) target_semaphore(%arg23 : memref<!tpu.dma_semaphore, #tpu.memory_space<semaphore_mem>>)
    %mul3A_46 = arith.constant 632 : i32
    %mul3A_47 = arith.muli %arg1, %mul3A_46 : i32
    %dma_wait3A = arith.constant 0 : i32
    %dma_wait3A_48 = arith.constant 0 : i32
    %dma_wait3A_49 = tpu.memref_slice %arg2[%dma_wait3A, %mul3A_47, %dma_wait3A_48] : memref<2x10112x16xf32, #tpu.memory_space<hbm>> -> memref<1x632x16xf32, #tpu.memory_space<hbm>>
    %dma_wait3A_50 = tpu.memref_squeeze %dma_wait3A_49 : memref<1x632x16xf32, #tpu.memory_space<hbm>> -> memref<632x16xf32, #tpu.memory_space<hbm>>
    %dma_wait3A_51 = arith.constant 0 : i32
    %dma_wait3A_52 = tpu.memref_slice %arg2[%dma_wait3A, %mul3A_47, %dma_wait3A_51] : memref<2x10112x16xf32, #tpu.memory_space<hbm>> -> memref<1x632x16xf32, #tpu.memory_space<hbm>>
    %dma_wait3A_53 = tpu.memref_squeeze %dma_wait3A_52 : memref<1x632x16xf32, #tpu.memory_space<hbm>> -> memref<632x16xf32, #tpu.memory_space<hbm>>
    tpu.wait_dma2 semaphore(%arg22 : memref<!tpu.dma_semaphore, #tpu.memory_space<semaphore_mem>>) src(%dma_wait3A_53 : memref<632x16xf32, #tpu.memory_space<hbm>>) dst(%arg16 : memref<632x16xf32, #tpu.memory_space<vmem>>)
    %mul3A_54 = arith.constant 632 : i32
    %mul3A_55 = arith.muli %arg1, %mul3A_54 : i32
    %dma_wait3A_56 = arith.constant 1 : i32
    %dma_wait3A_57 = arith.constant 0 : i32
    %dma_wait3A_58 = tpu.memref_slice %arg2[%dma_wait3A_56, %mul3A_55, %dma_wait3A_57] : memref<2x10112x16xf32, #tpu.memory_space<hbm>> -> memref<1x632x16xf32, #tpu.memory_space<hbm>>
    %dma_wait3A_59 = tpu.memref_squeeze %dma_wait3A_58 : memref<1x632x16xf32, #tpu.memory_space<hbm>> -> memref<632x16xf32, #tpu.memory_space<hbm>>
    %dma_wait3A_60 = arith.constant 0 : i32
    %dma_wait3A_61 = tpu.memref_slice %arg2[%dma_wait3A_56, %mul3A_55, %dma_wait3A_60] : memref<2x10112x16xf32, #tpu.memory_space<hbm>> -> memref<1x632x16xf32, #tpu.memory_space<hbm>>
    %dma_wait3A_62 = tpu.memref_squeeze %dma_wait3A_61 : memref<1x632x16xf32, #tpu.memory_space<hbm>> -> memref<632x16xf32, #tpu.memory_space<hbm>>
    tpu.wait_dma2 semaphore(%arg23 : memref<!tpu.dma_semaphore, #tpu.memory_space<semaphore_mem>>) src(%dma_wait3A_62 : memref<632x16xf32, #tpu.memory_space<hbm>>) dst(%arg17 : memref<632x16xf32, #tpu.memory_space<vmem>>)
    %scan3A_63 = arith.constant 0 : i32
    %scan3A_64 = arith.constant 632 : i32
    %scan3A_65 = arith.addi %scan3A_63, %scan3A_64 : i32
    %scan3A_66 = arith.constant 1 : i32
    scf.for %scan3A_209 = %scan3A_63 to %scan3A_65 step %scan3A_66  : i32 {
      %mul3A_210 = arith.constant 1 : i32
      %mul3A_211 = arith.muli %scan3A_209, %mul3A_210 : i32
      %add3A_212 = arith.constant 0 : i32
      %add3A_213 = arith.addi %add3A_212, %mul3A_211 : i32
      %get3A = arith.index_cast %add3A_213 : i32 to index
      %get3A_214 = arith.constant 0 : index
      %get3A_215 = tpu.vector_load %arg16[%get3A, %get3A_214] {strides = array<i32>} : memref<632x16xf32, #tpu.memory_space<vmem>>, vector<1x16xf32>,
      %get3A_216 = vector.shape_cast %get3A_215 : vector<1x16xf32> to vector<16xf32>
      %get3A_217 = arith.index_cast %add3A_213 : i32 to index
      %get3A_218 = arith.constant 0 : index
      %get3A_219 = tpu.vector_load %arg17[%get3A_217, %get3A_218] {strides = array<i32>} : memref<632x16xf32, #tpu.memory_space<vmem>>, vector<1x16xf32>,
      %get3A_220 = vector.shape_cast %get3A_219 : vector<1x16xf32> to vector<16xf32>
      %add3A_221 = arith.addf %get3A_216, %get3A_220 : vector<16xf32>
      %max3A = arith.constant 0.000000e+00 : f32
      %max3A_222 = vector.broadcast %max3A : f32 to vector<16xf32>
      %max3A_223 = arith.maximumf %add3A_221, %max3A_222 : vector<16xf32>
      %swap3A = arith.index_cast %add3A_213 : i32 to index
      %swap3A_224 = arith.constant 0 : index
      %swap3A_225 = tpu.vector_load %arg16[%swap3A, %swap3A_224] {strides = array<i32>} : memref<632x16xf32, #tpu.memory_space<vmem>>, vector<1x16xf32>,
      %swap3A_226 = vector.shape_cast %swap3A_225 : vector<1x16xf32> to vector<16xf32>
      %swap3A_227 = vector.shape_cast %max3A_223 : vector<16xf32> to vector<1x16xf32>
      tpu.vector_store %arg16[%swap3A, %swap3A_224], %swap3A_227 {strides = array<i32>} : memref<632x16xf32, #tpu.memory_space<vmem>>, vector<1x16xf32>,
    }
    %scan3A_67 = arith.constant 632 : i32
    %mul3A_68 = arith.constant 632 : i32
    %mul3A_69 = arith.muli %arg1, %mul3A_68 : i32
    "tpu.region"() ({
      %run_scoped3A = tpu.sem_alloc : memref<!tpu.dma_semaphore, #tpu.memory_space<semaphore_mem>>
      %dma_start3A_209 = arith.constant 0 : i32
      %dma_start3A_210 = tpu.memref_slice %arg19[%mul3A_69, %dma_start3A_209] : memref<10112x16xf32, #tpu.memory_space<vmem_shared>> -> memref<632x16xf32, #tpu.memory_space<vmem_shared>>
      %dma_start3A_211 = arith.constant 0 : i32
      %dma_start3A_212 = tpu.memref_slice %arg19[%mul3A_69, %dma_start3A_211] : memref<10112x16xf32, #tpu.memory_space<vmem_shared>> -> memref<632x16xf32, #tpu.memory_space<vmem_shared>>
      tpu.enqueue_dma source(%arg16 : memref<632x16xf32, #tpu.memory_space<vmem>>) target(%dma_start3A_212 : memref<632x16xf32, #tpu.memory_space<vmem_shared>>) target_semaphore(%run_scoped3A : memref<!tpu.dma_semaphore, #tpu.memory_space<semaphore_mem>>)
      %dma_wait3A_213 = arith.constant 0 : i32
      %dma_wait3A_214 = tpu.memref_slice %arg19[%mul3A_69, %dma_wait3A_213] : memref<10112x16xf32, #tpu.memory_space<vmem_shared>> -> memref<632x16xf32, #tpu.memory_space<vmem_shared>>
      %dma_wait3A_215 = arith.constant 0 : i32
      %dma_wait3A_216 = tpu.memref_slice %arg19[%mul3A_69, %dma_wait3A_215] : memref<10112x16xf32, #tpu.memory_space<vmem_shared>> -> memref<632x16xf32, #tpu.memory_space<vmem_shared>>
      tpu.wait_dma2 semaphore(%run_scoped3A : memref<!tpu.dma_semaphore, #tpu.memory_space<semaphore_mem>>) src(%arg16 : memref<632x16xf32, #tpu.memory_space<vmem>>) dst(%dma_wait3A_216 : memref<632x16xf32, #tpu.memory_space<vmem_shared>>)
      tpu.yield
    }) : () -> ()
    %dma_wait3A_70 = arith.constant 0 : i32
    %dma_wait3A_71 = arith.constant 0 : i32
    %dma_wait3A_72 = arith.constant 0 : i32
    %dma_wait3A_73 = tpu.memref_slice %arg3[%dma_wait3A_70, %add3A, %dma_wait3A_71, %dma_wait3A_72] : memref<2x32x80x125xi32, #tpu.memory_space<hbm>> -> memref<1x1x80x125xi32, #tpu.memory_space<hbm>>
    %dma_wait3A_74 = tpu.memref_squeeze %dma_wait3A_73 : memref<1x1x80x125xi32, #tpu.memory_space<hbm>> -> memref<80x125xi32, #tpu.memory_space<hbm>>
    %dma_wait3A_75 = arith.constant 0 : i32
    %dma_wait3A_76 = arith.constant 0 : i32
    %dma_wait3A_77 = tpu.memref_slice %arg3[%dma_wait3A_70, %add3A, %dma_wait3A_75, %dma_wait3A_76] : memref<2x32x80x125xi32, #tpu.memory_space<hbm>> -> memref<1x1x80x125xi32, #tpu.memory_space<hbm>>
    %dma_wait3A_78 = tpu.memref_squeeze %dma_wait3A_77 : memref<1x1x80x125xi32, #tpu.memory_space<hbm>> -> memref<80x125xi32, #tpu.memory_space<hbm>>
    tpu.wait_dma2 semaphore(%arg20 : memref<!tpu.dma_semaphore, #tpu.memory_space<semaphore_mem>>) src(%dma_wait3A_78 : memref<80x125xi32, #tpu.memory_space<hbm>>) dst(%arg5 : memref<80x125xi32, #tpu.memory_space<vmem>>)
    %dma_wait3A_79 = arith.constant 1 : i32
    %dma_wait3A_80 = arith.constant 0 : i32
    %dma_wait3A_81 = arith.constant 0 : i32
    %dma_wait3A_82 = tpu.memref_slice %arg3[%dma_wait3A_79, %add3A, %dma_wait3A_80, %dma_wait3A_81] : memref<2x32x80x125xi32, #tpu.memory_space<hbm>> -> memref<1x1x80x125xi32, #tpu.memory_space<hbm>>
    %dma_wait3A_83 = tpu.memref_squeeze %dma_wait3A_82 : memref<1x1x80x125xi32, #tpu.memory_space<hbm>> -> memref<80x125xi32, #tpu.memory_space<hbm>>
    %dma_wait3A_84 = arith.constant 0 : i32
    %dma_wait3A_85 = arith.constant 0 : i32
    %dma_wait3A_86 = tpu.memref_slice %arg3[%dma_wait3A_79, %add3A, %dma_wait3A_84, %dma_wait3A_85] : memref<2x32x80x125xi32, #tpu.memory_space<hbm>> -> memref<1x1x80x125xi32, #tpu.memory_space<hbm>>
    %dma_wait3A_87 = tpu.memref_squeeze %dma_wait3A_86 : memref<1x1x80x125xi32, #tpu.memory_space<hbm>> -> memref<80x125xi32, #tpu.memory_space<hbm>>
    tpu.wait_dma2 semaphore(%arg21 : memref<!tpu.dma_semaphore, #tpu.memory_space<semaphore_mem>>) src(%dma_wait3A_87 : memref<80x125xi32, #tpu.memory_space<hbm>>) dst(%arg6 : memref<80x125xi32, #tpu.memory_space<vmem>>)
    %mul3A_88 = arith.constant 632 : i32
    %mul3A_89 = arith.muli %arg1, %mul3A_88 : i32
    %dma_wait3A_90 = arith.constant 0 : i32
    %dma_wait3A_91 = tpu.memref_slice %arg18[%mul3A_89, %dma_wait3A_90] : memref<10112x16xf32, #tpu.memory_space<vmem_shared>> -> memref<632x16xf32, #tpu.memory_space<vmem_shared>>
    %dma_wait3A_92 = arith.constant 0 : i32
    %dma_wait3A_93 = tpu.memref_slice %arg18[%mul3A_89, %dma_wait3A_92] : memref<10112x16xf32, #tpu.memory_space<vmem_shared>> -> memref<632x16xf32, #tpu.memory_space<vmem_shared>>
    tpu.wait_dma2 semaphore(%arg28 : memref<!tpu.dma_semaphore, #tpu.memory_space<semaphore_mem>>) src(%arg15 : memref<632x16xf32, #tpu.memory_space<vmem>>) dst(%dma_wait3A_93 : memref<632x16xf32, #tpu.memory_space<vmem_shared>>)
    %barrier3A = arith.constant 0 : index
    tpu.barrier barrier_id(%barrier3A)
    %dma_start3A_94 = arith.constant 0 : i32
    %dma_start3A_95 = arith.constant 0 : i32
    %dma_start3A_96 = tpu.memref_slice %arg5[%dma_start3A_94, %dma_start3A_95] : memref<80x125xi32, #tpu.memory_space<vmem>> -> memref<1x125xi32, #tpu.memory_space<vmem>>
    %dma_start3A_97 = tpu.memref_squeeze %dma_start3A_96 : memref<1x125xi32, #tpu.memory_space<vmem>> -> memref<125xi32, #tpu.memory_space<vmem>>
    %dma_start3A_98 = arith.constant 0 : i32
    %dma_start3A_99 = arith.constant 0 : i32
    %dma_start3A_100 = tpu.memref_slice %arg19[%dma_start3A_98, %dma_start3A_99] : memref<10112x16xf32, #tpu.memory_space<vmem_shared>> -> memref<10112x16xf32, #tpu.memory_space<vmem_shared>>
    tpu.enqueue_indirect_dma source(%dma_start3A_100 : memref<10112x16xf32, #tpu.memory_space<vmem_shared>>) target(%arg7 : memref<125x16xf32, #tpu.memory_space<vmem>>) offsets(%dma_start3A_97 : memref<125xi32, #tpu.memory_space<vmem>>) semaphore(%arg20 : memref<!tpu.dma_semaphore, #tpu.memory_space<semaphore_mem>>)
    %dma_start3A_101 = arith.constant 1 : i32
    %dma_start3A_102 = arith.constant 0 : i32
    %dma_start3A_103 = tpu.memref_slice %arg5[%dma_start3A_101, %dma_start3A_102] : memref<80x125xi32, #tpu.memory_space<vmem>> -> memref<1x125xi32, #tpu.memory_space<vmem>>
    %dma_start3A_104 = tpu.memref_squeeze %dma_start3A_103 : memref<1x125xi32, #tpu.memory_space<vmem>> -> memref<125xi32, #tpu.memory_space<vmem>>
    %dma_start3A_105 = arith.constant 0 : i32
    %dma_start3A_106 = arith.constant 0 : i32
    %dma_start3A_107 = tpu.memref_slice %arg19[%dma_start3A_105, %dma_start3A_106] : memref<10112x16xf32, #tpu.memory_space<vmem_shared>> -> memref<10112x16xf32, #tpu.memory_space<vmem_shared>>
    tpu.enqueue_indirect_dma source(%dma_start3A_107 : memref<10112x16xf32, #tpu.memory_space<vmem_shared>>) target(%arg8 : memref<125x16xf32, #tpu.memory_space<vmem>>) offsets(%dma_start3A_104 : memref<125xi32, #tpu.memory_space<vmem>>) semaphore(%arg21 : memref<!tpu.dma_semaphore, #tpu.memory_space<semaphore_mem>>)
    %dma_start3A_108 = arith.constant 2 : i32
    %dma_start3A_109 = arith.constant 0 : i32
    %dma_start3A_110 = tpu.memref_slice %arg5[%dma_start3A_108, %dma_start3A_109] : memref<80x125xi32, #tpu.memory_space<vmem>> -> memref<1x125xi32, #tpu.memory_space<vmem>>
    %dma_start3A_111 = tpu.memref_squeeze %dma_start3A_110 : memref<1x125xi32, #tpu.memory_space<vmem>> -> memref<125xi32, #tpu.memory_space<vmem>>
    %dma_start3A_112 = arith.constant 0 : i32
    %dma_start3A_113 = arith.constant 0 : i32
    %dma_start3A_114 = tpu.memref_slice %arg19[%dma_start3A_112, %dma_start3A_113] : memref<10112x16xf32, #tpu.memory_space<vmem_shared>> -> memref<10112x16xf32, #tpu.memory_space<vmem_shared>>
    tpu.enqueue_indirect_dma source(%dma_start3A_114 : memref<10112x16xf32, #tpu.memory_space<vmem_shared>>) target(%arg9 : memref<125x16xf32, #tpu.memory_space<vmem>>) offsets(%dma_start3A_111 : memref<125xi32, #tpu.memory_space<vmem>>) semaphore(%arg22 : memref<!tpu.dma_semaphore, #tpu.memory_space<semaphore_mem>>)
    %dma_start3A_115 = arith.constant 3 : i32
    %dma_start3A_116 = arith.constant 0 : i32
    %dma_start3A_117 = tpu.memref_slice %arg5[%dma_start3A_115, %dma_start3A_116] : memref<80x125xi32, #tpu.memory_space<vmem>> -> memref<1x125xi32, #tpu.memory_space<vmem>>
    %dma_start3A_118 = tpu.memref_squeeze %dma_start3A_117 : memref<1x125xi32, #tpu.memory_space<vmem>> -> memref<125xi32, #tpu.memory_space<vmem>>
    %dma_start3A_119 = arith.constant 0 : i32
    %dma_start3A_120 = arith.constant 0 : i32
    %dma_start3A_121 = tpu.memref_slice %arg19[%dma_start3A_119, %dma_start3A_120] : memref<10112x16xf32, #tpu.memory_space<vmem_shared>> -> memref<10112x16xf32, #tpu.memory_space<vmem_shared>>
    tpu.enqueue_indirect_dma source(%dma_start3A_121 : memref<10112x16xf32, #tpu.memory_space<vmem_shared>>) target(%arg10 : memref<125x16xf32, #tpu.memory_space<vmem>>) offsets(%dma_start3A_118 : memref<125xi32, #tpu.memory_space<vmem>>) semaphore(%arg23 : memref<!tpu.dma_semaphore, #tpu.memory_space<semaphore_mem>>)
    %dma_start3A_122 = arith.constant 4 : i32
    %dma_start3A_123 = arith.constant 0 : i32
    %dma_start3A_124 = tpu.memref_slice %arg5[%dma_start3A_122, %dma_start3A_123] : memref<80x125xi32, #tpu.memory_space<vmem>> -> memref<1x125xi32, #tpu.memory_space<vmem>>
    %dma_start3A_125 = tpu.memref_squeeze %dma_start3A_124 : memref<1x125xi32, #tpu.memory_space<vmem>> -> memref<125xi32, #tpu.memory_space<vmem>>
    %dma_start3A_126 = arith.constant 0 : i32
    %dma_start3A_127 = arith.constant 0 : i32
    %dma_start3A_128 = tpu.memref_slice %arg19[%dma_start3A_126, %dma_start3A_127] : memref<10112x16xf32, #tpu.memory_space<vmem_shared>> -> memref<10112x16xf32, #tpu.memory_space<vmem_shared>>
    tpu.enqueue_indirect_dma source(%dma_start3A_128 : memref<10112x16xf32, #tpu.memory_space<vmem_shared>>) target(%arg11 : memref<125x16xf32, #tpu.memory_space<vmem>>) offsets(%dma_start3A_125 : memref<125xi32, #tpu.memory_space<vmem>>) semaphore(%arg24 : memref<!tpu.dma_semaphore, #tpu.memory_space<semaphore_mem>>)
    %dma_start3A_129 = arith.constant 5 : i32
    %dma_start3A_130 = arith.constant 0 : i32
    %dma_start3A_131 = tpu.memref_slice %arg5[%dma_start3A_129, %dma_start3A_130] : memref<80x125xi32, #tpu.memory_space<vmem>> -> memref<1x125xi32, #tpu.memory_space<vmem>>
    %dma_start3A_132 = tpu.memref_squeeze %dma_start3A_131 : memref<1x125xi32, #tpu.memory_space<vmem>> -> memref<125xi32, #tpu.memory_space<vmem>>
    %dma_start3A_133 = arith.constant 0 : i32
    %dma_start3A_134 = arith.constant 0 : i32
    %dma_start3A_135 = tpu.memref_slice %arg19[%dma_start3A_133, %dma_start3A_134] : memref<10112x16xf32, #tpu.memory_space<vmem_shared>> -> memref<10112x16xf32, #tpu.memory_space<vmem_shared>>
    tpu.enqueue_indirect_dma source(%dma_start3A_135 : memref<10112x16xf32, #tpu.memory_space<vmem_shared>>) target(%arg12 : memref<125x16xf32, #tpu.memory_space<vmem>>) offsets(%dma_start3A_132 : memref<125xi32, #tpu.memory_space<vmem>>) semaphore(%arg25 : memref<!tpu.dma_semaphore, #tpu.memory_space<semaphore_mem>>)
    %dma_start3A_136 = arith.constant 6 : i32
    %dma_start3A_137 = arith.constant 0 : i32
    %dma_start3A_138 = tpu.memref_slice %arg5[%dma_start3A_136, %dma_start3A_137] : memref<80x125xi32, #tpu.memory_space<vmem>> -> memref<1x125xi32, #tpu.memory_space<vmem>>
    %dma_start3A_139 = tpu.memref_squeeze %dma_start3A_138 : memref<1x125xi32, #tpu.memory_space<vmem>> -> memref<125xi32, #tpu.memory_space<vmem>>
    %dma_start3A_140 = arith.constant 0 : i32
    %dma_start3A_141 = arith.constant 0 : i32
    %dma_start3A_142 = tpu.memref_slice %arg19[%dma_start3A_140, %dma_start3A_141] : memref<10112x16xf32, #tpu.memory_space<vmem_shared>> -> memref<10112x16xf32, #tpu.memory_space<vmem_shared>>
    tpu.enqueue_indirect_dma source(%dma_start3A_142 : memref<10112x16xf32, #tpu.memory_space<vmem_shared>>) target(%arg13 : memref<125x16xf32, #tpu.memory_space<vmem>>) offsets(%dma_start3A_139 : memref<125xi32, #tpu.memory_space<vmem>>) semaphore(%arg26 : memref<!tpu.dma_semaphore, #tpu.memory_space<semaphore_mem>>)
    %scan3A_143 = arith.constant 0 : i32
    %scan3A_144 = arith.constant 10 : i32
    %scan3A_145 = arith.addi %scan3A_143, %scan3A_144 : i32
    %scan3A_146 = arith.constant 1 : i32
    scf.for %scan3A_209 = %scan3A_143 to %scan3A_145 step %scan3A_146  : i32 {
      %mul3A_210 = arith.constant 8 : i32
      %mul3A_211 = arith.muli %scan3A_209, %mul3A_210 : i32
      %add3A_212 = arith.constant 0 : i32
      %add3A_213 = arith.addi %add3A_212, %mul3A_211 : i32
      %add3A_214 = arith.constant 0 : i32
      %add3A_215 = arith.addi %add3A_213, %add3A_214 : i32
      %add3A_216 = arith.constant 8 : i32
      %add3A_217 = arith.addi %add3A_215, %add3A_216 : i32
      %sub3A = arith.constant 1 : i32
      %sub3A_218 = arith.subi %add3A_217, %sub3A : i32
      %dma_wait3A_219 = arith.constant 0 : i32
      %dma_wait3A_220 = tpu.memref_slice %arg5[%add3A_215, %dma_wait3A_219] : memref<80x125xi32, #tpu.memory_space<vmem>> -> memref<1x125xi32, #tpu.memory_space<vmem>>
      %dma_wait3A_221 = tpu.memref_squeeze %dma_wait3A_220 : memref<1x125xi32, #tpu.memory_space<vmem>> -> memref<125xi32, #tpu.memory_space<vmem>>
      %dma_wait3A_222 = arith.constant 0 : i32
      %dma_wait3A_223 = arith.constant 0 : i32
      %dma_wait3A_224 = tpu.memref_slice %arg19[%dma_wait3A_222, %dma_wait3A_223] : memref<10112x16xf32, #tpu.memory_space<vmem_shared>> -> memref<10112x16xf32, #tpu.memory_space<vmem_shared>>
      tpu.wait_indirect_dma semaphore(%arg20 : memref<!tpu.dma_semaphore, #tpu.memory_space<semaphore_mem>>) src(%dma_wait3A_224 : memref<10112x16xf32, #tpu.memory_space<vmem_shared>>) dst(%arg7 : memref<125x16xf32, #tpu.memory_space<vmem>>)
      %lt3A = arith.constant 80 : i32
      %lt3A_225 = arith.cmpi slt, %sub3A_218, %lt3A : i32
      %convert_element_type3A = arith.extui %lt3A_225 : i1 to i32
      %cond3A = arith.constant 0 : i32
      %cond3A_226 = arith.cmpi ne, %convert_element_type3A, %cond3A : i32
      scf.if %cond3A_226 {
        %ge3A = arith.constant 1 : i32
        %ge3A_394 = arith.cmpi sge, %add3A_215, %ge3A : i32
        %convert_element_type3A_395 = arith.extui %ge3A_394 : i1 to i32
        %cond3A_396 = arith.constant 0 : i32
        %cond3A_397 = arith.cmpi ne, %convert_element_type3A_395, %cond3A_396 : i32
        scf.if %cond3A_397 {
          %sub3A_404 = arith.constant 1 : i32
          %sub3A_405 = arith.subi %add3A_215, %sub3A_404 : i32
          %dma_wait3A_406 = arith.constant 0 : i32
          %dma_wait3A_407 = tpu.memref_slice %arg6[%sub3A_405, %dma_wait3A_406] : memref<80x125xi32, #tpu.memory_space<vmem>> -> memref<1x125xi32, #tpu.memory_space<vmem>>
          %dma_wait3A_408 = tpu.memref_squeeze %dma_wait3A_407 : memref<1x125xi32, #tpu.memory_space<vmem>> -> memref<125xi32, #tpu.memory_space<vmem>>
          %dma_wait3A_409 = arith.constant 0 : i32
          %dma_wait3A_410 = arith.constant 0 : i32
          %dma_wait3A_411 = tpu.memref_slice %arg18[%dma_wait3A_409, %dma_wait3A_410] : memref<10112x16xf32, #tpu.memory_space<vmem_shared>> -> memref<10112x16xf32, #tpu.memory_space<vmem_shared>>
          tpu.wait_indirect_dma semaphore(%arg35 : memref<!tpu.dma_semaphore, #tpu.memory_space<semaphore_mem>>) src(%arg14 : memref<125x16xf32, #tpu.memory_space<vmem>>) dst(%dma_wait3A_411 : memref<10112x16xf32, #tpu.memory_space<vmem_shared>>)
        } else {
        }
        %dma_start3A_398 = arith.constant 0 : i32
        %dma_start3A_399 = tpu.memref_slice %arg5[%sub3A_218, %dma_start3A_398] : memref<80x125xi32, #tpu.memory_space<vmem>> -> memref<1x125xi32, #tpu.memory_space<vmem>>
        %dma_start3A_400 = tpu.memref_squeeze %dma_start3A_399 : memref<1x125xi32, #tpu.memory_space<vmem>> -> memref<125xi32, #tpu.memory_space<vmem>>
        %dma_start3A_401 = arith.constant 0 : i32
        %dma_start3A_402 = arith.constant 0 : i32
        %dma_start3A_403 = tpu.memref_slice %arg19[%dma_start3A_401, %dma_start3A_402] : memref<10112x16xf32, #tpu.memory_space<vmem_shared>> -> memref<10112x16xf32, #tpu.memory_space<vmem_shared>>
        tpu.enqueue_indirect_dma source(%dma_start3A_403 : memref<10112x16xf32, #tpu.memory_space<vmem_shared>>) target(%arg14 : memref<125x16xf32, #tpu.memory_space<vmem>>) offsets(%dma_start3A_400 : memref<125xi32, #tpu.memory_space<vmem>>) semaphore(%arg27 : memref<!tpu.dma_semaphore, #tpu.memory_space<semaphore_mem>>)
      } else {
      }
      %dma_start3A_227 = arith.constant 0 : i32
      %dma_start3A_228 = tpu.memref_slice %arg6[%add3A_215, %dma_start3A_227] : memref<80x125xi32, #tpu.memory_space<vmem>> -> memref<1x125xi32, #tpu.memory_space<vmem>>
      %dma_start3A_229 = tpu.memref_squeeze %dma_start3A_228 : memref<1x125xi32, #tpu.memory_space<vmem>> -> memref<125xi32, #tpu.memory_space<vmem>>
      %dma_start3A_230 = arith.constant 0 : i32
      %dma_start3A_231 = arith.constant 0 : i32
      %dma_start3A_232 = tpu.memref_slice %arg18[%dma_start3A_230, %dma_start3A_231] : memref<10112x16xf32, #tpu.memory_space<vmem_shared>> -> memref<10112x16xf32, #tpu.memory_space<vmem_shared>>
      tpu.enqueue_indirect_dma source(%arg7 : memref<125x16xf32, #tpu.memory_space<vmem>>) target(%dma_start3A_232 : memref<10112x16xf32, #tpu.memory_space<vmem_shared>>) offsets(%dma_start3A_229 : memref<125xi32, #tpu.memory_space<vmem>>) semaphore(%arg28 : memref<!tpu.dma_semaphore, #tpu.memory_space<semaphore_mem>>) {add = true}
      %add3A_233 = arith.constant 1 : i32
      %add3A_234 = arith.addi %add3A_213, %add3A_233 : i32
      %add3A_235 = arith.constant 8 : i32
      %add3A_236 = arith.addi %add3A_234, %add3A_235 : i32
      %sub3A_237 = arith.constant 1 : i32
      %sub3A_238 = arith.subi %add3A_236, %sub3A_237 : i32
      %dma_wait3A_239 = arith.constant 0 : i32
      %dma_wait3A_240 = tpu.memref_slice %arg5[%add3A_234, %dma_wait3A_239] : memref<80x125xi32, #tpu.memory_space<vmem>> -> memref<1x125xi32, #tpu.memory_space<vmem>>
      %dma_wait3A_241 = tpu.memref_squeeze %dma_wait3A_240 : memref<1x125xi32, #tpu.memory_space<vmem>> -> memref<125xi32, #tpu.memory_space<vmem>>
      %dma_wait3A_242 = arith.constant 0 : i32
      %dma_wait3A_243 = arith.constant 0 : i32
      %dma_wait3A_244 = tpu.memref_slice %arg19[%dma_wait3A_242, %dma_wait3A_243] : memref<10112x16xf32, #tpu.memory_space<vmem_shared>> -> memref<10112x16xf32, #tpu.memory_space<vmem_shared>>
      tpu.wait_indirect_dma semaphore(%arg21 : memref<!tpu.dma_semaphore, #tpu.memory_space<semaphore_mem>>) src(%dma_wait3A_244 : memref<10112x16xf32, #tpu.memory_space<vmem_shared>>) dst(%arg8 : memref<125x16xf32, #tpu.memory_space<vmem>>)
      %lt3A_245 = arith.constant 80 : i32
      %lt3A_246 = arith.cmpi slt, %sub3A_238, %lt3A_245 : i32
      %convert_element_type3A_247 = arith.extui %lt3A_246 : i1 to i32
      %cond3A_248 = arith.constant 0 : i32
      %cond3A_249 = arith.cmpi ne, %convert_element_type3A_247, %cond3A_248 : i32
      scf.if %cond3A_249 {
        %ge3A = arith.constant 1 : i32
        %ge3A_394 = arith.cmpi sge, %add3A_234, %ge3A : i32
        %convert_element_type3A_395 = arith.extui %ge3A_394 : i1 to i32
        %cond3A_396 = arith.constant 0 : i32
        %cond3A_397 = arith.cmpi ne, %convert_element_type3A_395, %cond3A_396 : i32
        scf.if %cond3A_397 {
          %sub3A_404 = arith.constant 1 : i32
          %sub3A_405 = arith.subi %add3A_234, %sub3A_404 : i32
          %dma_wait3A_406 = arith.constant 0 : i32
          %dma_wait3A_407 = tpu.memref_slice %arg6[%sub3A_405, %dma_wait3A_406] : memref<80x125xi32, #tpu.memory_space<vmem>> -> memref<1x125xi32, #tpu.memory_space<vmem>>
          %dma_wait3A_408 = tpu.memref_squeeze %dma_wait3A_407 : memref<1x125xi32, #tpu.memory_space<vmem>> -> memref<125xi32, #tpu.memory_space<vmem>>
          %dma_wait3A_409 = arith.constant 0 : i32
          %dma_wait3A_410 = arith.constant 0 : i32
          %dma_wait3A_411 = tpu.memref_slice %arg18[%dma_wait3A_409, %dma_wait3A_410] : memref<10112x16xf32, #tpu.memory_space<vmem_shared>> -> memref<10112x16xf32, #tpu.memory_space<vmem_shared>>
          tpu.wait_indirect_dma semaphore(%arg28 : memref<!tpu.dma_semaphore, #tpu.memory_space<semaphore_mem>>) src(%arg7 : memref<125x16xf32, #tpu.memory_space<vmem>>) dst(%dma_wait3A_411 : memref<10112x16xf32, #tpu.memory_space<vmem_shared>>)
        } else {
        }
        %dma_start3A_398 = arith.constant 0 : i32
        %dma_start3A_399 = tpu.memref_slice %arg5[%sub3A_238, %dma_start3A_398] : memref<80x125xi32, #tpu.memory_space<vmem>> -> memref<1x125xi32, #tpu.memory_space<vmem>>
        %dma_start3A_400 = tpu.memref_squeeze %dma_start3A_399 : memref<1x125xi32, #tpu.memory_space<vmem>> -> memref<125xi32, #tpu.memory_space<vmem>>
        %dma_start3A_401 = arith.constant 0 : i32
        %dma_start3A_402 = arith.constant 0 : i32
        %dma_start3A_403 = tpu.memref_slice %arg19[%dma_start3A_401, %dma_start3A_402] : memref<10112x16xf32, #tpu.memory_space<vmem_shared>> -> memref<10112x16xf32, #tpu.memory_space<vmem_shared>>
        tpu.enqueue_indirect_dma source(%dma_start3A_403 : memref<10112x16xf32, #tpu.memory_space<vmem_shared>>) target(%arg7 : memref<125x16xf32, #tpu.memory_space<vmem>>) offsets(%dma_start3A_400 : memref<125xi32, #tpu.memory_space<vmem>>) semaphore(%arg20 : memref<!tpu.dma_semaphore, #tpu.memory_space<semaphore_mem>>)
      } else {
      }
      %dma_start3A_250 = arith.constant 0 : i32
      %dma_start3A_251 = tpu.memref_slice %arg6[%add3A_234, %dma_start3A_250] : memref<80x125xi32, #tpu.memory_space<vmem>> -> memref<1x125xi32, #tpu.memory_space<vmem>>
      %dma_start3A_252 = tpu.memref_squeeze %dma_start3A_251 : memref<1x125xi32, #tpu.memory_space<vmem>> -> memref<125xi32, #tpu.memory_space<vmem>>
      %dma_start3A_253 = arith.constant 0 : i32
      %dma_start3A_254 = arith.constant 0 : i32
      %dma_start3A_255 = tpu.memref_slice %arg18[%dma_start3A_253, %dma_start3A_254] : memref<10112x16xf32, #tpu.memory_space<vmem_shared>> -> memref<10112x16xf32, #tpu.memory_space<vmem_shared>>
      tpu.enqueue_indirect_dma source(%arg8 : memref<125x16xf32, #tpu.memory_space<vmem>>) target(%dma_start3A_255 : memref<10112x16xf32, #tpu.memory_space<vmem_shared>>) offsets(%dma_start3A_252 : memref<125xi32, #tpu.memory_space<vmem>>) semaphore(%arg29 : memref<!tpu.dma_semaphore, #tpu.memory_space<semaphore_mem>>) {add = true}
      %add3A_256 = arith.constant 2 : i32
      %add3A_257 = arith.addi %add3A_213, %add3A_256 : i32
      %add3A_258 = arith.constant 8 : i32
      %add3A_259 = arith.addi %add3A_257, %add3A_258 : i32
      %sub3A_260 = arith.constant 1 : i32
      %sub3A_261 = arith.subi %add3A_259, %sub3A_260 : i32
      %dma_wait3A_262 = arith.constant 0 : i32
      %dma_wait3A_263 = tpu.memref_slice %arg5[%add3A_257, %dma_wait3A_262] : memref<80x125xi32, #tpu.memory_space<vmem>> -> memref<1x125xi32, #tpu.memory_space<vmem>>
      %dma_wait3A_264 = tpu.memref_squeeze %dma_wait3A_263 : memref<1x125xi32, #tpu.memory_space<vmem>> -> memref<125xi32, #tpu.memory_space<vmem>>
      %dma_wait3A_265 = arith.constant 0 : i32
      %dma_wait3A_266 = arith.constant 0 : i32
      %dma_wait3A_267 = tpu.memref_slice %arg19[%dma_wait3A_265, %dma_wait3A_266] : memref<10112x16xf32, #tpu.memory_space<vmem_shared>> -> memref<10112x16xf32, #tpu.memory_space<vmem_shared>>
      tpu.wait_indirect_dma semaphore(%arg22 : memref<!tpu.dma_semaphore, #tpu.memory_space<semaphore_mem>>) src(%dma_wait3A_267 : memref<10112x16xf32, #tpu.memory_space<vmem_shared>>) dst(%arg9 : memref<125x16xf32, #tpu.memory_space<vmem>>)
      %lt3A_268 = arith.constant 80 : i32
      %lt3A_269 = arith.cmpi slt, %sub3A_261, %lt3A_268 : i32
      %convert_element_type3A_270 = arith.extui %lt3A_269 : i1 to i32
      %cond3A_271 = arith.constant 0 : i32
      %cond3A_272 = arith.cmpi ne, %convert_element_type3A_270, %cond3A_271 : i32
      scf.if %cond3A_272 {
        %ge3A = arith.constant 1 : i32
        %ge3A_394 = arith.cmpi sge, %add3A_257, %ge3A : i32
        %convert_element_type3A_395 = arith.extui %ge3A_394 : i1 to i32
        %cond3A_396 = arith.constant 0 : i32
        %cond3A_397 = arith.cmpi ne, %convert_element_type3A_395, %cond3A_396 : i32
        scf.if %cond3A_397 {
          %sub3A_404 = arith.constant 1 : i32
          %sub3A_405 = arith.subi %add3A_257, %sub3A_404 : i32
          %dma_wait3A_406 = arith.constant 0 : i32
          %dma_wait3A_407 = tpu.memref_slice %arg6[%sub3A_405, %dma_wait3A_406] : memref<80x125xi32, #tpu.memory_space<vmem>> -> memref<1x125xi32, #tpu.memory_space<vmem>>
          %dma_wait3A_408 = tpu.memref_squeeze %dma_wait3A_407 : memref<1x125xi32, #tpu.memory_space<vmem>> -> memref<125xi32, #tpu.memory_space<vmem>>
          %dma_wait3A_409 = arith.constant 0 : i32
          %dma_wait3A_410 = arith.constant 0 : i32
          %dma_wait3A_411 = tpu.memref_slice %arg18[%dma_wait3A_409, %dma_wait3A_410] : memref<10112x16xf32, #tpu.memory_space<vmem_shared>> -> memref<10112x16xf32, #tpu.memory_space<vmem_shared>>
          tpu.wait_indirect_dma semaphore(%arg29 : memref<!tpu.dma_semaphore, #tpu.memory_space<semaphore_mem>>) src(%arg8 : memref<125x16xf32, #tpu.memory_space<vmem>>) dst(%dma_wait3A_411 : memref<10112x16xf32, #tpu.memory_space<vmem_shared>>)
        } else {
        }
        %dma_start3A_398 = arith.constant 0 : i32
        %dma_start3A_399 = tpu.memref_slice %arg5[%sub3A_261, %dma_start3A_398] : memref<80x125xi32, #tpu.memory_space<vmem>> -> memref<1x125xi32, #tpu.memory_space<vmem>>
        %dma_start3A_400 = tpu.memref_squeeze %dma_start3A_399 : memref<1x125xi32, #tpu.memory_space<vmem>> -> memref<125xi32, #tpu.memory_space<vmem>>
        %dma_start3A_401 = arith.constant 0 : i32
        %dma_start3A_402 = arith.constant 0 : i32
        %dma_start3A_403 = tpu.memref_slice %arg19[%dma_start3A_401, %dma_start3A_402] : memref<10112x16xf32, #tpu.memory_space<vmem_shared>> -> memref<10112x16xf32, #tpu.memory_space<vmem_shared>>
        tpu.enqueue_indirect_dma source(%dma_start3A_403 : memref<10112x16xf32, #tpu.memory_space<vmem_shared>>) target(%arg8 : memref<125x16xf32, #tpu.memory_space<vmem>>) offsets(%dma_start3A_400 : memref<125xi32, #tpu.memory_space<vmem>>) semaphore(%arg21 : memref<!tpu.dma_semaphore, #tpu.memory_space<semaphore_mem>>)
      } else {
      }
      %dma_start3A_273 = arith.constant 0 : i32
      %dma_start3A_274 = tpu.memref_slice %arg6[%add3A_257, %dma_start3A_273] : memref<80x125xi32, #tpu.memory_space<vmem>> -> memref<1x125xi32, #tpu.memory_space<vmem>>
      %dma_start3A_275 = tpu.memref_squeeze %dma_start3A_274 : memref<1x125xi32, #tpu.memory_space<vmem>> -> memref<125xi32, #tpu.memory_space<vmem>>
      %dma_start3A_276 = arith.constant 0 : i32
      %dma_start3A_277 = arith.constant 0 : i32
      %dma_start3A_278 = tpu.memref_slice %arg18[%dma_start3A_276, %dma_start3A_277] : memref<10112x16xf32, #tpu.memory_space<vmem_shared>> -> memref<10112x16xf32, #tpu.memory_space<vmem_shared>>
      tpu.enqueue_indirect_dma source(%arg9 : memref<125x16xf32, #tpu.memory_space<vmem>>) target(%dma_start3A_278 : memref<10112x16xf32, #tpu.memory_space<vmem_shared>>) offsets(%dma_start3A_275 : memref<125xi32, #tpu.memory_space<vmem>>) semaphore(%arg30 : memref<!tpu.dma_semaphore, #tpu.memory_space<semaphore_mem>>) {add = true}
      %add3A_279 = arith.constant 3 : i32
      %add3A_280 = arith.addi %add3A_213, %add3A_279 : i32
      %add3A_281 = arith.constant 8 : i32
      %add3A_282 = arith.addi %add3A_280, %add3A_281 : i32
      %sub3A_283 = arith.constant 1 : i32
      %sub3A_284 = arith.subi %add3A_282, %sub3A_283 : i32
      %dma_wait3A_285 = arith.constant 0 : i32
      %dma_wait3A_286 = tpu.memref_slice %arg5[%add3A_280, %dma_wait3A_285] : memref<80x125xi32, #tpu.memory_space<vmem>> -> memref<1x125xi32, #tpu.memory_space<vmem>>
      %dma_wait3A_287 = tpu.memref_squeeze %dma_wait3A_286 : memref<1x125xi32, #tpu.memory_space<vmem>> -> memref<125xi32, #tpu.memory_space<vmem>>
      %dma_wait3A_288 = arith.constant 0 : i32
      %dma_wait3A_289 = arith.constant 0 : i32
      %dma_wait3A_290 = tpu.memref_slice %arg19[%dma_wait3A_288, %dma_wait3A_289] : memref<10112x16xf32, #tpu.memory_space<vmem_shared>> -> memref<10112x16xf32, #tpu.memory_space<vmem_shared>>
      tpu.wait_indirect_dma semaphore(%arg23 : memref<!tpu.dma_semaphore, #tpu.memory_space<semaphore_mem>>) src(%dma_wait3A_290 : memref<10112x16xf32, #tpu.memory_space<vmem_shared>>) dst(%arg10 : memref<125x16xf32, #tpu.memory_space<vmem>>)
      %lt3A_291 = arith.constant 80 : i32
      %lt3A_292 = arith.cmpi slt, %sub3A_284, %lt3A_291 : i32
      %convert_element_type3A_293 = arith.extui %lt3A_292 : i1 to i32
      %cond3A_294 = arith.constant 0 : i32
      %cond3A_295 = arith.cmpi ne, %convert_element_type3A_293, %cond3A_294 : i32
      scf.if %cond3A_295 {
        %ge3A = arith.constant 1 : i32
        %ge3A_394 = arith.cmpi sge, %add3A_280, %ge3A : i32
        %convert_element_type3A_395 = arith.extui %ge3A_394 : i1 to i32
        %cond3A_396 = arith.constant 0 : i32
        %cond3A_397 = arith.cmpi ne, %convert_element_type3A_395, %cond3A_396 : i32
        scf.if %cond3A_397 {
          %sub3A_404 = arith.constant 1 : i32
          %sub3A_405 = arith.subi %add3A_280, %sub3A_404 : i32
          %dma_wait3A_406 = arith.constant 0 : i32
          %dma_wait3A_407 = tpu.memref_slice %arg6[%sub3A_405, %dma_wait3A_406] : memref<80x125xi32, #tpu.memory_space<vmem>> -> memref<1x125xi32, #tpu.memory_space<vmem>>
          %dma_wait3A_408 = tpu.memref_squeeze %dma_wait3A_407 : memref<1x125xi32, #tpu.memory_space<vmem>> -> memref<125xi32, #tpu.memory_space<vmem>>
          %dma_wait3A_409 = arith.constant 0 : i32
          %dma_wait3A_410 = arith.constant 0 : i32
          %dma_wait3A_411 = tpu.memref_slice %arg18[%dma_wait3A_409, %dma_wait3A_410] : memref<10112x16xf32, #tpu.memory_space<vmem_shared>> -> memref<10112x16xf32, #tpu.memory_space<vmem_shared>>
          tpu.wait_indirect_dma semaphore(%arg30 : memref<!tpu.dma_semaphore, #tpu.memory_space<semaphore_mem>>) src(%arg9 : memref<125x16xf32, #tpu.memory_space<vmem>>) dst(%dma_wait3A_411 : memref<10112x16xf32, #tpu.memory_space<vmem_shared>>)
        } else {
        }
        %dma_start3A_398 = arith.constant 0 : i32
        %dma_start3A_399 = tpu.memref_slice %arg5[%sub3A_284, %dma_start3A_398] : memref<80x125xi32, #tpu.memory_space<vmem>> -> memref<1x125xi32, #tpu.memory_space<vmem>>
        %dma_start3A_400 = tpu.memref_squeeze %dma_start3A_399 : memref<1x125xi32, #tpu.memory_space<vmem>> -> memref<125xi32, #tpu.memory_space<vmem>>
        %dma_start3A_401 = arith.constant 0 : i32
        %dma_start3A_402 = arith.constant 0 : i32
        %dma_start3A_403 = tpu.memref_slice %arg19[%dma_start3A_401, %dma_start3A_402] : memref<10112x16xf32, #tpu.memory_space<vmem_shared>> -> memref<10112x16xf32, #tpu.memory_space<vmem_shared>>
        tpu.enqueue_indirect_dma source(%dma_start3A_403 : memref<10112x16xf32, #tpu.memory_space<vmem_shared>>) target(%arg9 : memref<125x16xf32, #tpu.memory_space<vmem>>) offsets(%dma_start3A_400 : memref<125xi32, #tpu.memory_space<vmem>>) semaphore(%arg22 : memref<!tpu.dma_semaphore, #tpu.memory_space<semaphore_mem>>)
      } else {
      }
      %dma_start3A_296 = arith.constant 0 : i32
      %dma_start3A_297 = tpu.memref_slice %arg6[%add3A_280, %dma_start3A_296] : memref<80x125xi32, #tpu.memory_space<vmem>> -> memref<1x125xi32, #tpu.memory_space<vmem>>
      %dma_start3A_298 = tpu.memref_squeeze %dma_start3A_297 : memref<1x125xi32, #tpu.memory_space<vmem>> -> memref<125xi32, #tpu.memory_space<vmem>>
      %dma_start3A_299 = arith.constant 0 : i32
      %dma_start3A_300 = arith.constant 0 : i32
      %dma_start3A_301 = tpu.memref_slice %arg18[%dma_start3A_299, %dma_start3A_300] : memref<10112x16xf32, #tpu.memory_space<vmem_shared>> -> memref<10112x16xf32, #tpu.memory_space<vmem_shared>>
      tpu.enqueue_indirect_dma source(%arg10 : memref<125x16xf32, #tpu.memory_space<vmem>>) target(%dma_start3A_301 : memref<10112x16xf32, #tpu.memory_space<vmem_shared>>) offsets(%dma_start3A_298 : memref<125xi32, #tpu.memory_space<vmem>>) semaphore(%arg31 : memref<!tpu.dma_semaphore, #tpu.memory_space<semaphore_mem>>) {add = true}
      %add3A_302 = arith.constant 4 : i32
      %add3A_303 = arith.addi %add3A_213, %add3A_302 : i32
      %add3A_304 = arith.constant 8 : i32
      %add3A_305 = arith.addi %add3A_303, %add3A_304 : i32
      %sub3A_306 = arith.constant 1 : i32
      %sub3A_307 = arith.subi %add3A_305, %sub3A_306 : i32
      %dma_wait3A_308 = arith.constant 0 : i32
      %dma_wait3A_309 = tpu.memref_slice %arg5[%add3A_303, %dma_wait3A_308] : memref<80x125xi32, #tpu.memory_space<vmem>> -> memref<1x125xi32, #tpu.memory_space<vmem>>
      %dma_wait3A_310 = tpu.memref_squeeze %dma_wait3A_309 : memref<1x125xi32, #tpu.memory_space<vmem>> -> memref<125xi32, #tpu.memory_space<vmem>>
      %dma_wait3A_311 = arith.constant 0 : i32
      %dma_wait3A_312 = arith.constant 0 : i32
      %dma_wait3A_313 = tpu.memref_slice %arg19[%dma_wait3A_311, %dma_wait3A_312] : memref<10112x16xf32, #tpu.memory_space<vmem_shared>> -> memref<10112x16xf32, #tpu.memory_space<vmem_shared>>
      tpu.wait_indirect_dma semaphore(%arg24 : memref<!tpu.dma_semaphore, #tpu.memory_space<semaphore_mem>>) src(%dma_wait3A_313 : memref<10112x16xf32, #tpu.memory_space<vmem_shared>>) dst(%arg11 : memref<125x16xf32, #tpu.memory_space<vmem>>)
      %lt3A_314 = arith.constant 80 : i32
      %lt3A_315 = arith.cmpi slt, %sub3A_307, %lt3A_314 : i32
      %convert_element_type3A_316 = arith.extui %lt3A_315 : i1 to i32
      %cond3A_317 = arith.constant 0 : i32
      %cond3A_318 = arith.cmpi ne, %convert_element_type3A_316, %cond3A_317 : i32
      scf.if %cond3A_318 {
        %ge3A = arith.constant 1 : i32
        %ge3A_394 = arith.cmpi sge, %add3A_303, %ge3A : i32
        %convert_element_type3A_395 = arith.extui %ge3A_394 : i1 to i32
        %cond3A_396 = arith.constant 0 : i32
        %cond3A_397 = arith.cmpi ne, %convert_element_type3A_395, %cond3A_396 : i32
        scf.if %cond3A_397 {
          %sub3A_404 = arith.constant 1 : i32
          %sub3A_405 = arith.subi %add3A_303, %sub3A_404 : i32
          %dma_wait3A_406 = arith.constant 0 : i32
          %dma_wait3A_407 = tpu.memref_slice %arg6[%sub3A_405, %dma_wait3A_406] : memref<80x125xi32, #tpu.memory_space<vmem>> -> memref<1x125xi32, #tpu.memory_space<vmem>>
          %dma_wait3A_408 = tpu.memref_squeeze %dma_wait3A_407 : memref<1x125xi32, #tpu.memory_space<vmem>> -> memref<125xi32, #tpu.memory_space<vmem>>
          %dma_wait3A_409 = arith.constant 0 : i32
          %dma_wait3A_410 = arith.constant 0 : i32
          %dma_wait3A_411 = tpu.memref_slice %arg18[%dma_wait3A_409, %dma_wait3A_410] : memref<10112x16xf32, #tpu.memory_space<vmem_shared>> -> memref<10112x16xf32, #tpu.memory_space<vmem_shared>>
          tpu.wait_indirect_dma semaphore(%arg31 : memref<!tpu.dma_semaphore, #tpu.memory_space<semaphore_mem>>) src(%arg10 : memref<125x16xf32, #tpu.memory_space<vmem>>) dst(%dma_wait3A_411 : memref<10112x16xf32, #tpu.memory_space<vmem_shared>>)
        } else {
        }
        %dma_start3A_398 = arith.constant 0 : i32
        %dma_start3A_399 = tpu.memref_slice %arg5[%sub3A_307, %dma_start3A_398] : memref<80x125xi32, #tpu.memory_space<vmem>> -> memref<1x125xi32, #tpu.memory_space<vmem>>
        %dma_start3A_400 = tpu.memref_squeeze %dma_start3A_399 : memref<1x125xi32, #tpu.memory_space<vmem>> -> memref<125xi32, #tpu.memory_space<vmem>>
        %dma_start3A_401 = arith.constant 0 : i32
        %dma_start3A_402 = arith.constant 0 : i32
        %dma_start3A_403 = tpu.memref_slice %arg19[%dma_start3A_401, %dma_start3A_402] : memref<10112x16xf32, #tpu.memory_space<vmem_shared>> -> memref<10112x16xf32, #tpu.memory_space<vmem_shared>>
        tpu.enqueue_indirect_dma source(%dma_start3A_403 : memref<10112x16xf32, #tpu.memory_space<vmem_shared>>) target(%arg10 : memref<125x16xf32, #tpu.memory_space<vmem>>) offsets(%dma_start3A_400 : memref<125xi32, #tpu.memory_space<vmem>>) semaphore(%arg23 : memref<!tpu.dma_semaphore, #tpu.memory_space<semaphore_mem>>)
      } else {
      }
      %dma_start3A_319 = arith.constant 0 : i32
      %dma_start3A_320 = tpu.memref_slice %arg6[%add3A_303, %dma_start3A_319] : memref<80x125xi32, #tpu.memory_space<vmem>> -> memref<1x125xi32, #tpu.memory_space<vmem>>
      %dma_start3A_321 = tpu.memref_squeeze %dma_start3A_320 : memref<1x125xi32, #tpu.memory_space<vmem>> -> memref<125xi32, #tpu.memory_space<vmem>>
      %dma_start3A_322 = arith.constant 0 : i32
      %dma_start3A_323 = arith.constant 0 : i32
      %dma_start3A_324 = tpu.memref_slice %arg18[%dma_start3A_322, %dma_start3A_323] : memref<10112x16xf32, #tpu.memory_space<vmem_shared>> -> memref<10112x16xf32, #tpu.memory_space<vmem_shared>>
      tpu.enqueue_indirect_dma source(%arg11 : memref<125x16xf32, #tpu.memory_space<vmem>>) target(%dma_start3A_324 : memref<10112x16xf32, #tpu.memory_space<vmem_shared>>) offsets(%dma_start3A_321 : memref<125xi32, #tpu.memory_space<vmem>>) semaphore(%arg32 : memref<!tpu.dma_semaphore, #tpu.memory_space<semaphore_mem>>) {add = true}
      %add3A_325 = arith.constant 5 : i32
      %add3A_326 = arith.addi %add3A_213, %add3A_325 : i32
      %add3A_327 = arith.constant 8 : i32
      %add3A_328 = arith.addi %add3A_326, %add3A_327 : i32
      %sub3A_329 = arith.constant 1 : i32
      %sub3A_330 = arith.subi %add3A_328, %sub3A_329 : i32
      %dma_wait3A_331 = arith.constant 0 : i32
      %dma_wait3A_332 = tpu.memref_slice %arg5[%add3A_326, %dma_wait3A_331] : memref<80x125xi32, #tpu.memory_space<vmem>> -> memref<1x125xi32, #tpu.memory_space<vmem>>
      %dma_wait3A_333 = tpu.memref_squeeze %dma_wait3A_332 : memref<1x125xi32, #tpu.memory_space<vmem>> -> memref<125xi32, #tpu.memory_space<vmem>>
      %dma_wait3A_334 = arith.constant 0 : i32
      %dma_wait3A_335 = arith.constant 0 : i32
      %dma_wait3A_336 = tpu.memref_slice %arg19[%dma_wait3A_334, %dma_wait3A_335] : memref<10112x16xf32, #tpu.memory_space<vmem_shared>> -> memref<10112x16xf32, #tpu.memory_space<vmem_shared>>
      tpu.wait_indirect_dma semaphore(%arg25 : memref<!tpu.dma_semaphore, #tpu.memory_space<semaphore_mem>>) src(%dma_wait3A_336 : memref<10112x16xf32, #tpu.memory_space<vmem_shared>>) dst(%arg12 : memref<125x16xf32, #tpu.memory_space<vmem>>)
      %lt3A_337 = arith.constant 80 : i32
      %lt3A_338 = arith.cmpi slt, %sub3A_330, %lt3A_337 : i32
      %convert_element_type3A_339 = arith.extui %lt3A_338 : i1 to i32
      %cond3A_340 = arith.constant 0 : i32
      %cond3A_341 = arith.cmpi ne, %convert_element_type3A_339, %cond3A_340 : i32
      scf.if %cond3A_341 {
        %ge3A = arith.constant 1 : i32
        %ge3A_394 = arith.cmpi sge, %add3A_326, %ge3A : i32
        %convert_element_type3A_395 = arith.extui %ge3A_394 : i1 to i32
        %cond3A_396 = arith.constant 0 : i32
        %cond3A_397 = arith.cmpi ne, %convert_element_type3A_395, %cond3A_396 : i32
        scf.if %cond3A_397 {
          %sub3A_404 = arith.constant 1 : i32
          %sub3A_405 = arith.subi %add3A_326, %sub3A_404 : i32
          %dma_wait3A_406 = arith.constant 0 : i32
          %dma_wait3A_407 = tpu.memref_slice %arg6[%sub3A_405, %dma_wait3A_406] : memref<80x125xi32, #tpu.memory_space<vmem>> -> memref<1x125xi32, #tpu.memory_space<vmem>>
          %dma_wait3A_408 = tpu.memref_squeeze %dma_wait3A_407 : memref<1x125xi32, #tpu.memory_space<vmem>> -> memref<125xi32, #tpu.memory_space<vmem>>
          %dma_wait3A_409 = arith.constant 0 : i32
          %dma_wait3A_410 = arith.constant 0 : i32
          %dma_wait3A_411 = tpu.memref_slice %arg18[%dma_wait3A_409, %dma_wait3A_410] : memref<10112x16xf32, #tpu.memory_space<vmem_shared>> -> memref<10112x16xf32, #tpu.memory_space<vmem_shared>>
          tpu.wait_indirect_dma semaphore(%arg32 : memref<!tpu.dma_semaphore, #tpu.memory_space<semaphore_mem>>) src(%arg11 : memref<125x16xf32, #tpu.memory_space<vmem>>) dst(%dma_wait3A_411 : memref<10112x16xf32, #tpu.memory_space<vmem_shared>>)
        } else {
        }
        %dma_start3A_398 = arith.constant 0 : i32
        %dma_start3A_399 = tpu.memref_slice %arg5[%sub3A_330, %dma_start3A_398] : memref<80x125xi32, #tpu.memory_space<vmem>> -> memref<1x125xi32, #tpu.memory_space<vmem>>
        %dma_start3A_400 = tpu.memref_squeeze %dma_start3A_399 : memref<1x125xi32, #tpu.memory_space<vmem>> -> memref<125xi32, #tpu.memory_space<vmem>>
        %dma_start3A_401 = arith.constant 0 : i32
        %dma_start3A_402 = arith.constant 0 : i32
        %dma_start3A_403 = tpu.memref_slice %arg19[%dma_start3A_401, %dma_start3A_402] : memref<10112x16xf32, #tpu.memory_space<vmem_shared>> -> memref<10112x16xf32, #tpu.memory_space<vmem_shared>>
        tpu.enqueue_indirect_dma source(%dma_start3A_403 : memref<10112x16xf32, #tpu.memory_space<vmem_shared>>) target(%arg11 : memref<125x16xf32, #tpu.memory_space<vmem>>) offsets(%dma_start3A_400 : memref<125xi32, #tpu.memory_space<vmem>>) semaphore(%arg24 : memref<!tpu.dma_semaphore, #tpu.memory_space<semaphore_mem>>)
      } else {
      }
      %dma_start3A_342 = arith.constant 0 : i32
      %dma_start3A_343 = tpu.memref_slice %arg6[%add3A_326, %dma_start3A_342] : memref<80x125xi32, #tpu.memory_space<vmem>> -> memref<1x125xi32, #tpu.memory_space<vmem>>
      %dma_start3A_344 = tpu.memref_squeeze %dma_start3A_343 : memref<1x125xi32, #tpu.memory_space<vmem>> -> memref<125xi32, #tpu.memory_space<vmem>>
      %dma_start3A_345 = arith.constant 0 : i32
      %dma_start3A_346 = arith.constant 0 : i32
      %dma_start3A_347 = tpu.memref_slice %arg18[%dma_start3A_345, %dma_start3A_346] : memref<10112x16xf32, #tpu.memory_space<vmem_shared>> -> memref<10112x16xf32, #tpu.memory_space<vmem_shared>>
      tpu.enqueue_indirect_dma source(%arg12 : memref<125x16xf32, #tpu.memory_space<vmem>>) target(%dma_start3A_347 : memref<10112x16xf32, #tpu.memory_space<vmem_shared>>) offsets(%dma_start3A_344 : memref<125xi32, #tpu.memory_space<vmem>>) semaphore(%arg33 : memref<!tpu.dma_semaphore, #tpu.memory_space<semaphore_mem>>) {add = true}
      %add3A_348 = arith.constant 6 : i32
      %add3A_349 = arith.addi %add3A_213, %add3A_348 : i32
      %add3A_350 = arith.constant 8 : i32
      %add3A_351 = arith.addi %add3A_349, %add3A_350 : i32
      %sub3A_352 = arith.constant 1 : i32
      %sub3A_353 = arith.subi %add3A_351, %sub3A_352 : i32
      %dma_wait3A_354 = arith.constant 0 : i32
      %dma_wait3A_355 = tpu.memref_slice %arg5[%add3A_349, %dma_wait3A_354] : memref<80x125xi32, #tpu.memory_space<vmem>> -> memref<1x125xi32, #tpu.memory_space<vmem>>
      %dma_wait3A_356 = tpu.memref_squeeze %dma_wait3A_355 : memref<1x125xi32, #tpu.memory_space<vmem>> -> memref<125xi32, #tpu.memory_space<vmem>>
      %dma_wait3A_357 = arith.constant 0 : i32
      %dma_wait3A_358 = arith.constant 0 : i32
      %dma_wait3A_359 = tpu.memref_slice %arg19[%dma_wait3A_357, %dma_wait3A_358] : memref<10112x16xf32, #tpu.memory_space<vmem_shared>> -> memref<10112x16xf32, #tpu.memory_space<vmem_shared>>
      tpu.wait_indirect_dma semaphore(%arg26 : memref<!tpu.dma_semaphore, #tpu.memory_space<semaphore_mem>>) src(%dma_wait3A_359 : memref<10112x16xf32, #tpu.memory_space<vmem_shared>>) dst(%arg13 : memref<125x16xf32, #tpu.memory_space<vmem>>)
      %lt3A_360 = arith.constant 80 : i32
      %lt3A_361 = arith.cmpi slt, %sub3A_353, %lt3A_360 : i32
      %convert_element_type3A_362 = arith.extui %lt3A_361 : i1 to i32
      %cond3A_363 = arith.constant 0 : i32
      %cond3A_364 = arith.cmpi ne, %convert_element_type3A_362, %cond3A_363 : i32
      scf.if %cond3A_364 {
        %ge3A = arith.constant 1 : i32
        %ge3A_394 = arith.cmpi sge, %add3A_349, %ge3A : i32
        %convert_element_type3A_395 = arith.extui %ge3A_394 : i1 to i32
        %cond3A_396 = arith.constant 0 : i32
        %cond3A_397 = arith.cmpi ne, %convert_element_type3A_395, %cond3A_396 : i32
        scf.if %cond3A_397 {
          %sub3A_404 = arith.constant 1 : i32
          %sub3A_405 = arith.subi %add3A_349, %sub3A_404 : i32
          %dma_wait3A_406 = arith.constant 0 : i32
          %dma_wait3A_407 = tpu.memref_slice %arg6[%sub3A_405, %dma_wait3A_406] : memref<80x125xi32, #tpu.memory_space<vmem>> -> memref<1x125xi32, #tpu.memory_space<vmem>>
          %dma_wait3A_408 = tpu.memref_squeeze %dma_wait3A_407 : memref<1x125xi32, #tpu.memory_space<vmem>> -> memref<125xi32, #tpu.memory_space<vmem>>
          %dma_wait3A_409 = arith.constant 0 : i32
          %dma_wait3A_410 = arith.constant 0 : i32
          %dma_wait3A_411 = tpu.memref_slice %arg18[%dma_wait3A_409, %dma_wait3A_410] : memref<10112x16xf32, #tpu.memory_space<vmem_shared>> -> memref<10112x16xf32, #tpu.memory_space<vmem_shared>>
          tpu.wait_indirect_dma semaphore(%arg33 : memref<!tpu.dma_semaphore, #tpu.memory_space<semaphore_mem>>) src(%arg12 : memref<125x16xf32, #tpu.memory_space<vmem>>) dst(%dma_wait3A_411 : memref<10112x16xf32, #tpu.memory_space<vmem_shared>>)
        } else {
        }
        %dma_start3A_398 = arith.constant 0 : i32
        %dma_start3A_399 = tpu.memref_slice %arg5[%sub3A_353, %dma_start3A_398] : memref<80x125xi32, #tpu.memory_space<vmem>> -> memref<1x125xi32, #tpu.memory_space<vmem>>
        %dma_start3A_400 = tpu.memref_squeeze %dma_start3A_399 : memref<1x125xi32, #tpu.memory_space<vmem>> -> memref<125xi32, #tpu.memory_space<vmem>>
        %dma_start3A_401 = arith.constant 0 : i32
        %dma_start3A_402 = arith.constant 0 : i32
        %dma_start3A_403 = tpu.memref_slice %arg19[%dma_start3A_401, %dma_start3A_402] : memref<10112x16xf32, #tpu.memory_space<vmem_shared>> -> memref<10112x16xf32, #tpu.memory_space<vmem_shared>>
        tpu.enqueue_indirect_dma source(%dma_start3A_403 : memref<10112x16xf32, #tpu.memory_space<vmem_shared>>) target(%arg12 : memref<125x16xf32, #tpu.memory_space<vmem>>) offsets(%dma_start3A_400 : memref<125xi32, #tpu.memory_space<vmem>>) semaphore(%arg25 : memref<!tpu.dma_semaphore, #tpu.memory_space<semaphore_mem>>)
      } else {
      }
      %dma_start3A_365 = arith.constant 0 : i32
      %dma_start3A_366 = tpu.memref_slice %arg6[%add3A_349, %dma_start3A_365] : memref<80x125xi32, #tpu.memory_space<vmem>> -> memref<1x125xi32, #tpu.memory_space<vmem>>
      %dma_start3A_367 = tpu.memref_squeeze %dma_start3A_366 : memref<1x125xi32, #tpu.memory_space<vmem>> -> memref<125xi32, #tpu.memory_space<vmem>>
      %dma_start3A_368 = arith.constant 0 : i32
      %dma_start3A_369 = arith.constant 0 : i32
      %dma_start3A_370 = tpu.memref_slice %arg18[%dma_start3A_368, %dma_start3A_369] : memref<10112x16xf32, #tpu.memory_space<vmem_shared>> -> memref<10112x16xf32, #tpu.memory_space<vmem_shared>>
      tpu.enqueue_indirect_dma source(%arg13 : memref<125x16xf32, #tpu.memory_space<vmem>>) target(%dma_start3A_370 : memref<10112x16xf32, #tpu.memory_space<vmem_shared>>) offsets(%dma_start3A_367 : memref<125xi32, #tpu.memory_space<vmem>>) semaphore(%arg34 : memref<!tpu.dma_semaphore, #tpu.memory_space<semaphore_mem>>) {add = true}
      %add3A_371 = arith.constant 7 : i32
      %add3A_372 = arith.addi %add3A_213, %add3A_371 : i32
      %add3A_373 = arith.constant 8 : i32
      %add3A_374 = arith.addi %add3A_372, %add3A_373 : i32
      %sub3A_375 = arith.constant 1 : i32
      %sub3A_376 = arith.subi %add3A_374, %sub3A_375 : i32
      %dma_wait3A_377 = arith.constant 0 : i32
      %dma_wait3A_378 = tpu.memref_slice %arg5[%add3A_372, %dma_wait3A_377] : memref<80x125xi32, #tpu.memory_space<vmem>> -> memref<1x125xi32, #tpu.memory_space<vmem>>
      %dma_wait3A_379 = tpu.memref_squeeze %dma_wait3A_378 : memref<1x125xi32, #tpu.memory_space<vmem>> -> memref<125xi32, #tpu.memory_space<vmem>>
      %dma_wait3A_380 = arith.constant 0 : i32
      %dma_wait3A_381 = arith.constant 0 : i32
      %dma_wait3A_382 = tpu.memref_slice %arg19[%dma_wait3A_380, %dma_wait3A_381] : memref<10112x16xf32, #tpu.memory_space<vmem_shared>> -> memref<10112x16xf32, #tpu.memory_space<vmem_shared>>
      tpu.wait_indirect_dma semaphore(%arg27 : memref<!tpu.dma_semaphore, #tpu.memory_space<semaphore_mem>>) src(%dma_wait3A_382 : memref<10112x16xf32, #tpu.memory_space<vmem_shared>>) dst(%arg14 : memref<125x16xf32, #tpu.memory_space<vmem>>)
      %lt3A_383 = arith.constant 80 : i32
      %lt3A_384 = arith.cmpi slt, %sub3A_376, %lt3A_383 : i32
      %convert_element_type3A_385 = arith.extui %lt3A_384 : i1 to i32
      %cond3A_386 = arith.constant 0 : i32
      %cond3A_387 = arith.cmpi ne, %convert_element_type3A_385, %cond3A_386 : i32
      scf.if %cond3A_387 {
        %ge3A = arith.constant 1 : i32
        %ge3A_394 = arith.cmpi sge, %add3A_372, %ge3A : i32
        %convert_element_type3A_395 = arith.extui %ge3A_394 : i1 to i32
        %cond3A_396 = arith.constant 0 : i32
        %cond3A_397 = arith.cmpi ne, %convert_element_type3A_395, %cond3A_396 : i32
        scf.if %cond3A_397 {
          %sub3A_404 = arith.constant 1 : i32
          %sub3A_405 = arith.subi %add3A_372, %sub3A_404 : i32
          %dma_wait3A_406 = arith.constant 0 : i32
          %dma_wait3A_407 = tpu.memref_slice %arg6[%sub3A_405, %dma_wait3A_406] : memref<80x125xi32, #tpu.memory_space<vmem>> -> memref<1x125xi32, #tpu.memory_space<vmem>>
          %dma_wait3A_408 = tpu.memref_squeeze %dma_wait3A_407 : memref<1x125xi32, #tpu.memory_space<vmem>> -> memref<125xi32, #tpu.memory_space<vmem>>
          %dma_wait3A_409 = arith.constant 0 : i32
          %dma_wait3A_410 = arith.constant 0 : i32
          %dma_wait3A_411 = tpu.memref_slice %arg18[%dma_wait3A_409, %dma_wait3A_410] : memref<10112x16xf32, #tpu.memory_space<vmem_shared>> -> memref<10112x16xf32, #tpu.memory_space<vmem_shared>>
          tpu.wait_indirect_dma semaphore(%arg34 : memref<!tpu.dma_semaphore, #tpu.memory_space<semaphore_mem>>) src(%arg13 : memref<125x16xf32, #tpu.memory_space<vmem>>) dst(%dma_wait3A_411 : memref<10112x16xf32, #tpu.memory_space<vmem_shared>>)
        } else {
        }
        %dma_start3A_398 = arith.constant 0 : i32
        %dma_start3A_399 = tpu.memref_slice %arg5[%sub3A_376, %dma_start3A_398] : memref<80x125xi32, #tpu.memory_space<vmem>> -> memref<1x125xi32, #tpu.memory_space<vmem>>
        %dma_start3A_400 = tpu.memref_squeeze %dma_start3A_399 : memref<1x125xi32, #tpu.memory_space<vmem>> -> memref<125xi32, #tpu.memory_space<vmem>>
        %dma_start3A_401 = arith.constant 0 : i32
        %dma_start3A_402 = arith.constant 0 : i32
        %dma_start3A_403 = tpu.memref_slice %arg19[%dma_start3A_401, %dma_start3A_402] : memref<10112x16xf32, #tpu.memory_space<vmem_shared>> -> memref<10112x16xf32, #tpu.memory_space<vmem_shared>>
        tpu.enqueue_indirect_dma source(%dma_start3A_403 : memref<10112x16xf32, #tpu.memory_space<vmem_shared>>) target(%arg13 : memref<125x16xf32, #tpu.memory_space<vmem>>) offsets(%dma_start3A_400 : memref<125xi32, #tpu.memory_space<vmem>>) semaphore(%arg26 : memref<!tpu.dma_semaphore, #tpu.memory_space<semaphore_mem>>)
      } else {
      }
      %dma_start3A_388 = arith.constant 0 : i32
      %dma_start3A_389 = tpu.memref_slice %arg6[%add3A_372, %dma_start3A_388] : memref<80x125xi32, #tpu.memory_space<vmem>> -> memref<1x125xi32, #tpu.memory_space<vmem>>
      %dma_start3A_390 = tpu.memref_squeeze %dma_start3A_389 : memref<1x125xi32, #tpu.memory_space<vmem>> -> memref<125xi32, #tpu.memory_space<vmem>>
      %dma_start3A_391 = arith.constant 0 : i32
      %dma_start3A_392 = arith.constant 0 : i32
      %dma_start3A_393 = tpu.memref_slice %arg18[%dma_start3A_391, %dma_start3A_392] : memref<10112x16xf32, #tpu.memory_space<vmem_shared>> -> memref<10112x16xf32, #tpu.memory_space<vmem_shared>>
      tpu.enqueue_indirect_dma source(%arg14 : memref<125x16xf32, #tpu.memory_space<vmem>>) target(%dma_start3A_393 : memref<10112x16xf32, #tpu.memory_space<vmem_shared>>) offsets(%dma_start3A_390 : memref<125xi32, #tpu.memory_space<vmem>>) semaphore(%arg35 : memref<!tpu.dma_semaphore, #tpu.memory_space<semaphore_mem>>) {add = true}
    }
    %scan3A_147 = arith.constant 10 : i32
    %dma_wait3A_148 = arith.constant 72 : i32
    %dma_wait3A_149 = arith.constant 0 : i32
    %dma_wait3A_150 = tpu.memref_slice %arg6[%dma_wait3A_148, %dma_wait3A_149] : memref<80x125xi32, #tpu.memory_space<vmem>> -> memref<1x125xi32, #tpu.memory_space<vmem>>
    %dma_wait3A_151 = tpu.memref_squeeze %dma_wait3A_150 : memref<1x125xi32, #tpu.memory_space<vmem>> -> memref<125xi32, #tpu.memory_space<vmem>>
    %dma_wait3A_152 = arith.constant 0 : i32
    %dma_wait3A_153 = arith.constant 0 : i32
    %dma_wait3A_154 = tpu.memref_slice %arg18[%dma_wait3A_152, %dma_wait3A_153] : memref<10112x16xf32, #tpu.memory_space<vmem_shared>> -> memref<10112x16xf32, #tpu.memory_space<vmem_shared>>
    tpu.wait_indirect_dma semaphore(%arg28 : memref<!tpu.dma_semaphore, #tpu.memory_space<semaphore_mem>>) src(%arg7 : memref<125x16xf32, #tpu.memory_space<vmem>>) dst(%dma_wait3A_154 : memref<10112x16xf32, #tpu.memory_space<vmem_shared>>)
    %dma_wait3A_155 = arith.constant 73 : i32
    %dma_wait3A_156 = arith.constant 0 : i32
    %dma_wait3A_157 = tpu.memref_slice %arg6[%dma_wait3A_155, %dma_wait3A_156] : memref<80x125xi32, #tpu.memory_space<vmem>> -> memref<1x125xi32, #tpu.memory_space<vmem>>
    %dma_wait3A_158 = tpu.memref_squeeze %dma_wait3A_157 : memref<1x125xi32, #tpu.memory_space<vmem>> -> memref<125xi32, #tpu.memory_space<vmem>>
    %dma_wait3A_159 = arith.constant 0 : i32
    %dma_wait3A_160 = arith.constant 0 : i32
    %dma_wait3A_161 = tpu.memref_slice %arg18[%dma_wait3A_159, %dma_wait3A_160] : memref<10112x16xf32, #tpu.memory_space<vmem_shared>> -> memref<10112x16xf32, #tpu.memory_space<vmem_shared>>
    tpu.wait_indirect_dma semaphore(%arg29 : memref<!tpu.dma_semaphore, #tpu.memory_space<semaphore_mem>>) src(%arg8 : memref<125x16xf32, #tpu.memory_space<vmem>>) dst(%dma_wait3A_161 : memref<10112x16xf32, #tpu.memory_space<vmem_shared>>)
    %dma_wait3A_162 = arith.constant 74 : i32
    %dma_wait3A_163 = arith.constant 0 : i32
    %dma_wait3A_164 = tpu.memref_slice %arg6[%dma_wait3A_162, %dma_wait3A_163] : memref<80x125xi32, #tpu.memory_space<vmem>> -> memref<1x125xi32, #tpu.memory_space<vmem>>
    %dma_wait3A_165 = tpu.memref_squeeze %dma_wait3A_164 : memref<1x125xi32, #tpu.memory_space<vmem>> -> memref<125xi32, #tpu.memory_space<vmem>>
    %dma_wait3A_166 = arith.constant 0 : i32
    %dma_wait3A_167 = arith.constant 0 : i32
    %dma_wait3A_168 = tpu.memref_slice %arg18[%dma_wait3A_166, %dma_wait3A_167] : memref<10112x16xf32, #tpu.memory_space<vmem_shared>> -> memref<10112x16xf32, #tpu.memory_space<vmem_shared>>
    tpu.wait_indirect_dma semaphore(%arg30 : memref<!tpu.dma_semaphore, #tpu.memory_space<semaphore_mem>>) src(%arg9 : memref<125x16xf32, #tpu.memory_space<vmem>>) dst(%dma_wait3A_168 : memref<10112x16xf32, #tpu.memory_space<vmem_shared>>)
    %dma_wait3A_169 = arith.constant 75 : i32
    %dma_wait3A_170 = arith.constant 0 : i32
    %dma_wait3A_171 = tpu.memref_slice %arg6[%dma_wait3A_169, %dma_wait3A_170] : memref<80x125xi32, #tpu.memory_space<vmem>> -> memref<1x125xi32, #tpu.memory_space<vmem>>
    %dma_wait3A_172 = tpu.memref_squeeze %dma_wait3A_171 : memref<1x125xi32, #tpu.memory_space<vmem>> -> memref<125xi32, #tpu.memory_space<vmem>>
    %dma_wait3A_173 = arith.constant 0 : i32
    %dma_wait3A_174 = arith.constant 0 : i32
    %dma_wait3A_175 = tpu.memref_slice %arg18[%dma_wait3A_173, %dma_wait3A_174] : memref<10112x16xf32, #tpu.memory_space<vmem_shared>> -> memref<10112x16xf32, #tpu.memory_space<vmem_shared>>
    tpu.wait_indirect_dma semaphore(%arg31 : memref<!tpu.dma_semaphore, #tpu.memory_space<semaphore_mem>>) src(%arg10 : memref<125x16xf32, #tpu.memory_space<vmem>>) dst(%dma_wait3A_175 : memref<10112x16xf32, #tpu.memory_space<vmem_shared>>)
    %dma_wait3A_176 = arith.constant 76 : i32
    %dma_wait3A_177 = arith.constant 0 : i32
    %dma_wait3A_178 = tpu.memref_slice %arg6[%dma_wait3A_176, %dma_wait3A_177] : memref<80x125xi32, #tpu.memory_space<vmem>> -> memref<1x125xi32, #tpu.memory_space<vmem>>
    %dma_wait3A_179 = tpu.memref_squeeze %dma_wait3A_178 : memref<1x125xi32, #tpu.memory_space<vmem>> -> memref<125xi32, #tpu.memory_space<vmem>>
    %dma_wait3A_180 = arith.constant 0 : i32
    %dma_wait3A_181 = arith.constant 0 : i32
    %dma_wait3A_182 = tpu.memref_slice %arg18[%dma_wait3A_180, %dma_wait3A_181] : memref<10112x16xf32, #tpu.memory_space<vmem_shared>> -> memref<10112x16xf32, #tpu.memory_space<vmem_shared>>
    tpu.wait_indirect_dma semaphore(%arg32 : memref<!tpu.dma_semaphore, #tpu.memory_space<semaphore_mem>>) src(%arg11 : memref<125x16xf32, #tpu.memory_space<vmem>>) dst(%dma_wait3A_182 : memref<10112x16xf32, #tpu.memory_space<vmem_shared>>)
    %dma_wait3A_183 = arith.constant 77 : i32
    %dma_wait3A_184 = arith.constant 0 : i32
    %dma_wait3A_185 = tpu.memref_slice %arg6[%dma_wait3A_183, %dma_wait3A_184] : memref<80x125xi32, #tpu.memory_space<vmem>> -> memref<1x125xi32, #tpu.memory_space<vmem>>
    %dma_wait3A_186 = tpu.memref_squeeze %dma_wait3A_185 : memref<1x125xi32, #tpu.memory_space<vmem>> -> memref<125xi32, #tpu.memory_space<vmem>>
    %dma_wait3A_187 = arith.constant 0 : i32
    %dma_wait3A_188 = arith.constant 0 : i32
    %dma_wait3A_189 = tpu.memref_slice %arg18[%dma_wait3A_187, %dma_wait3A_188] : memref<10112x16xf32, #tpu.memory_space<vmem_shared>> -> memref<10112x16xf32, #tpu.memory_space<vmem_shared>>
    tpu.wait_indirect_dma semaphore(%arg33 : memref<!tpu.dma_semaphore, #tpu.memory_space<semaphore_mem>>) src(%arg12 : memref<125x16xf32, #tpu.memory_space<vmem>>) dst(%dma_wait3A_189 : memref<10112x16xf32, #tpu.memory_space<vmem_shared>>)
    %dma_wait3A_190 = arith.constant 78 : i32
    %dma_wait3A_191 = arith.constant 0 : i32
    %dma_wait3A_192 = tpu.memref_slice %arg6[%dma_wait3A_190, %dma_wait3A_191] : memref<80x125xi32, #tpu.memory_space<vmem>> -> memref<1x125xi32, #tpu.memory_space<vmem>>
    %dma_wait3A_193 = tpu.memref_squeeze %dma_wait3A_192 : memref<1x125xi32, #tpu.memory_space<vmem>> -> memref<125xi32, #tpu.memory_space<vmem>>
    %dma_wait3A_194 = arith.constant 0 : i32
    %dma_wait3A_195 = arith.constant 0 : i32
    %dma_wait3A_196 = tpu.memref_slice %arg18[%dma_wait3A_194, %dma_wait3A_195] : memref<10112x16xf32, #tpu.memory_space<vmem_shared>> -> memref<10112x16xf32, #tpu.memory_space<vmem_shared>>
    tpu.wait_indirect_dma semaphore(%arg34 : memref<!tpu.dma_semaphore, #tpu.memory_space<semaphore_mem>>) src(%arg13 : memref<125x16xf32, #tpu.memory_space<vmem>>) dst(%dma_wait3A_196 : memref<10112x16xf32, #tpu.memory_space<vmem_shared>>)
    %dma_wait3A_197 = arith.constant 79 : i32
    %dma_wait3A_198 = arith.constant 0 : i32
    %dma_wait3A_199 = tpu.memref_slice %arg6[%dma_wait3A_197, %dma_wait3A_198] : memref<80x125xi32, #tpu.memory_space<vmem>> -> memref<1x125xi32, #tpu.memory_space<vmem>>
    %dma_wait3A_200 = tpu.memref_squeeze %dma_wait3A_199 : memref<1x125xi32, #tpu.memory_space<vmem>> -> memref<125xi32, #tpu.memory_space<vmem>>
    %dma_wait3A_201 = arith.constant 0 : i32
    %dma_wait3A_202 = arith.constant 0 : i32
    %dma_wait3A_203 = tpu.memref_slice %arg18[%dma_wait3A_201, %dma_wait3A_202] : memref<10112x16xf32, #tpu.memory_space<vmem_shared>> -> memref<10112x16xf32, #tpu.memory_space<vmem_shared>>
    tpu.wait_indirect_dma semaphore(%arg35 : memref<!tpu.dma_semaphore, #tpu.memory_space<semaphore_mem>>) src(%arg14 : memref<125x16xf32, #tpu.memory_space<vmem>>) dst(%dma_wait3A_203 : memref<10112x16xf32, #tpu.memory_space<vmem_shared>>)
    %barrier3A_204 = arith.constant 0 : index
    tpu.barrier barrier_id(%barrier3A_204)
    %mul3A_205 = arith.constant 632 : i32
    %mul3A_206 = arith.muli %arg1, %mul3A_205 : i32
    "tpu.region"() ({
      %run_scoped3A = tpu.sem_alloc : memref<!tpu.dma_semaphore, #tpu.memory_space<semaphore_mem>>
      %dma_start3A_209 = arith.constant 0 : i32
      %dma_start3A_210 = tpu.memref_slice %arg18[%mul3A_206, %dma_start3A_209] : memref<10112x16xf32, #tpu.memory_space<vmem_shared>> -> memref<632x16xf32, #tpu.memory_space<vmem_shared>>
      %dma_start3A_211 = arith.constant 0 : i32
      %dma_start3A_212 = tpu.memref_slice %arg18[%mul3A_206, %dma_start3A_211] : memref<10112x16xf32, #tpu.memory_space<vmem_shared>> -> memref<632x16xf32, #tpu.memory_space<vmem_shared>>
      tpu.enqueue_dma source(%dma_start3A_212 : memref<632x16xf32, #tpu.memory_space<vmem_shared>>) target(%arg15 : memref<632x16xf32, #tpu.memory_space<vmem>>) target_semaphore(%run_scoped3A : memref<!tpu.dma_semaphore, #tpu.memory_space<semaphore_mem>>)
      %dma_wait3A_213 = arith.constant 0 : i32
      %dma_wait3A_214 = tpu.memref_slice %arg18[%mul3A_206, %dma_wait3A_213] : memref<10112x16xf32, #tpu.memory_space<vmem_shared>> -> memref<632x16xf32, #tpu.memory_space<vmem_shared>>
      %dma_wait3A_215 = arith.constant 0 : i32
      %dma_wait3A_216 = tpu.memref_slice %arg18[%mul3A_206, %dma_wait3A_215] : memref<10112x16xf32, #tpu.memory_space<vmem_shared>> -> memref<632x16xf32, #tpu.memory_space<vmem_shared>>
      tpu.wait_dma2 semaphore(%run_scoped3A : memref<!tpu.dma_semaphore, #tpu.memory_space<semaphore_mem>>) src(%dma_wait3A_216 : memref<632x16xf32, #tpu.memory_space<vmem_shared>>) dst(%arg15 : memref<632x16xf32, #tpu.memory_space<vmem>>)
      tpu.yield
    }) : () -> ()
    %mul3A_207 = arith.constant 632 : i32
    %mul3A_208 = arith.muli %arg1, %mul3A_207 : i32
    "tpu.region"() ({
      %run_scoped3A = tpu.sem_alloc : memref<!tpu.dma_semaphore, #tpu.memory_space<semaphore_mem>>
      %dma_start3A_209 = arith.constant 0 : i32
      %dma_start3A_210 = tpu.memref_slice %arg4[%arg0, %mul3A_208, %dma_start3A_209] : memref<2x10112x16xf32, #tpu.memory_space<hbm>> -> memref<1x632x16xf32, #tpu.memory_space<hbm>>
      %dma_start3A_211 = tpu.memref_squeeze %dma_start3A_210 : memref<1x632x16xf32, #tpu.memory_space<hbm>> -> memref<632x16xf32, #tpu.memory_space<hbm>>
      %dma_start3A_212 = arith.constant 0 : i32
      %dma_start3A_213 = tpu.memref_slice %arg4[%arg0, %mul3A_208, %dma_start3A_212] : memref<2x10112x16xf32, #tpu.memory_space<hbm>> -> memref<1x632x16xf32, #tpu.memory_space<hbm>>
      %dma_start3A_214 = tpu.memref_squeeze %dma_start3A_213 : memref<1x632x16xf32, #tpu.memory_space<hbm>> -> memref<632x16xf32, #tpu.memory_space<hbm>>
      tpu.enqueue_dma source(%arg15 : memref<632x16xf32, #tpu.memory_space<vmem>>) target(%dma_start3A_214 : memref<632x16xf32, #tpu.memory_space<hbm>>) target_semaphore(%run_scoped3A : memref<!tpu.dma_semaphore, #tpu.memory_space<semaphore_mem>>)
      %dma_wait3A_215 = arith.constant 0 : i32
      %dma_wait3A_216 = tpu.memref_slice %arg4[%arg0, %mul3A_208, %dma_wait3A_215] : memref<2x10112x16xf32, #tpu.memory_space<hbm>> -> memref<1x632x16xf32, #tpu.memory_space<hbm>>
      %dma_wait3A_217 = tpu.memref_squeeze %dma_wait3A_216 : memref<1x632x16xf32, #tpu.memory_space<hbm>> -> memref<632x16xf32, #tpu.memory_space<hbm>>
      %dma_wait3A_218 = arith.constant 0 : i32
      %dma_wait3A_219 = tpu.memref_slice %arg4[%arg0, %mul3A_208, %dma_wait3A_218] : memref<2x10112x16xf32, #tpu.memory_space<hbm>> -> memref<1x632x16xf32, #tpu.memory_space<hbm>>
      %dma_wait3A_220 = tpu.memref_squeeze %dma_wait3A_219 : memref<1x632x16xf32, #tpu.memory_space<hbm>> -> memref<632x16xf32, #tpu.memory_space<hbm>>
      tpu.wait_dma2 semaphore(%run_scoped3A : memref<!tpu.dma_semaphore, #tpu.memory_space<semaphore_mem>>) src(%arg15 : memref<632x16xf32, #tpu.memory_space<vmem>>) dst(%dma_wait3A_220 : memref<632x16xf32, #tpu.memory_space<hbm>>)
      tpu.yield
    }) : () -> ()
    return
  }
}

module attributes {stable_mosaic.version = 14 : i64} {
  func.func @body(%arg0: memref<10000x128xf32, #tpu.memory_space<vmem>>, %arg1: memref<128x16xf32, #tpu.memory_space<vmem>>, %arg2: memref<10000x16xf32, #tpu.memory_space<vmem>>) attributes {dimension_semantics = [], scalar_prefetch = 0 : i64, scratch_operands = 0 : i64, tpu.core_type = #tpu.core_type<tc>} {
    %get3A = arith.constant 0 : index
    %get3A_0 = arith.constant 0 : index
    %get3A_1 = vector.load %arg0[%get3A, %get3A_0] : memref<10000x128xf32, #tpu.memory_space<vmem>>, vector<10000x128xf32>
    %get3A_2 = arith.constant 0 : index
    %get3A_3 = arith.constant 0 : index
    %get3A_4 = vector.load %arg1[%get3A_2, %get3A_3] : memref<128x16xf32, #tpu.memory_space<vmem>>, vector<128x16xf32>
    %dot_general3A = arith.constant dense<0.000000e+00> : vector<10000x16xf32>
    %dot_general3A_5 = tpu.matmul %get3A_1, %get3A_4, %dot_general3A {dimension_numbers = #tpu.dot_dimension_numbers<[1], [0], [0], [1], [0, 0, 1, 1], [], []>, transpose_lhs_hint = false} : vector<10000x128xf32>, vector<128x16xf32>, vector<10000x16xf32> -> vector<10000x16xf32>
    %swap3A = arith.constant 0 : index
    %swap3A_6 = arith.constant 0 : index
    %swap3A_7 = vector.load %arg2[%swap3A, %swap3A_6] : memref<10000x16xf32, #tpu.memory_space<vmem>>, vector<10000x16xf32>
    tpu.vector_store %arg2[%swap3A, %swap3A_6], %dot_general3A_5 {strides = array<i32>} : memref<10000x16xf32, #tpu.memory_space<vmem>>, vector<10000x16xf32>,
    return
  }
}

module attributes {stable_mosaic.version = 14 : i64} {
  func.func @body(%arg0: memref<2x10112x16xf32, #tpu.memory_space<vmem>>, %arg1: memref<16x40xf32, #tpu.memory_space<vmem>>, %arg2: memref<10000x40xf32, #tpu.memory_space<vmem>>) attributes {dimension_semantics = [], scalar_prefetch = 0 : i64, scratch_operands = 0 : i64, tpu.core_type = #tpu.core_type<tc>} {
    %get3A = arith.constant 0 : index
    %get3A_0 = arith.constant 0 : index
    %get3A_1 = arith.constant 0 : index
    %get3A_2 = vector.load %arg0[%get3A, %get3A_0, %get3A_1] : memref<2x10112x16xf32, #tpu.memory_space<vmem>>, vector<1x10000x16xf32>
    %get3A_3 = vector.shape_cast %get3A_2 : vector<1x10000x16xf32> to vector<10000x16xf32>
    %get3A_4 = arith.constant 1 : index
    %get3A_5 = arith.constant 0 : index
    %get3A_6 = arith.constant 0 : index
    %get3A_7 = vector.load %arg0[%get3A_4, %get3A_5, %get3A_6] : memref<2x10112x16xf32, #tpu.memory_space<vmem>>, vector<1x10000x16xf32>
    %get3A_8 = vector.shape_cast %get3A_7 : vector<1x10000x16xf32> to vector<10000x16xf32>
    %add3A = arith.addf %get3A_3, %get3A_8 : vector<10000x16xf32>
    %get3A_9 = arith.constant 0 : index
    %get3A_10 = arith.constant 0 : index
    %get3A_11 = vector.load %arg1[%get3A_9, %get3A_10] : memref<16x40xf32, #tpu.memory_space<vmem>>, vector<16x40xf32>
    %dot_general3A = arith.constant dense<0.000000e+00> : vector<10000x40xf32>
    %dot_general3A_12 = tpu.matmul %add3A, %get3A_11, %dot_general3A {dimension_numbers = #tpu.dot_dimension_numbers<[1], [0], [0], [1], [0, 0, 1, 1], [], []>, transpose_lhs_hint = false} : vector<10000x16xf32>, vector<16x40xf32>, vector<10000x40xf32> -> vector<10000x40xf32>
    %reduce_max3A = arith.constant dense<0xFF800000> : vector<10000xf32>
    %reduce_max3A_13 = vector.multi_reduction <maximumf>, %dot_general3A_12, %reduce_max3A [1] : vector<10000x40xf32> to vector<10000xf32>
    %broadcast_in_dim3A = vector.shape_cast %reduce_max3A_13 : vector<10000xf32> to vector<10000x1xf32>
    %sub3A = vector.broadcast %broadcast_in_dim3A : vector<10000x1xf32> to vector<10000x40xf32>
    %sub3A_14 = arith.subf %dot_general3A_12, %sub3A : vector<10000x40xf32>
    %exp3A = math.exp %sub3A_14 : vector<10000x40xf32>
    %reduce_sum3A = arith.constant dense<0.000000e+00> : vector<10000xf32>
    %reduce_sum3A_15 = vector.multi_reduction <add>, %exp3A, %reduce_sum3A [1] : vector<10000x40xf32> to vector<10000xf32>
    %broadcast_in_dim3A_16 = vector.shape_cast %reduce_sum3A_15 : vector<10000xf32> to vector<10000x1xf32>
    %log3A = math.log %broadcast_in_dim3A_16 : vector<10000x1xf32>
    %add3A_17 = arith.addf %log3A, %broadcast_in_dim3A : vector<10000x1xf32>
    %sub3A_18 = vector.broadcast %add3A_17 : vector<10000x1xf32> to vector<10000x40xf32>
    %sub3A_19 = arith.subf %dot_general3A_12, %sub3A_18 : vector<10000x40xf32>
    %swap3A = arith.constant 0 : index
    %swap3A_20 = arith.constant 0 : index
    %swap3A_21 = vector.load %arg2[%swap3A, %swap3A_20] : memref<10000x40xf32, #tpu.memory_space<vmem>>, vector<10000x40xf32>
    tpu.vector_store %arg2[%swap3A, %swap3A_20], %sub3A_19 {strides = array<i32>} : memref<10000x40xf32, #tpu.memory_space<vmem>>, vector<10000x40xf32>,
    return
  }
}

</mosaic_0001>

<sc_bundles>
// kernel: kernel.6.cloned.1.call-start
scs
__scs_entry_jumppad:
0x0: {  	(pc) =	sbr.rel $0x88, $3  }
0x1: {  	(tag) =	ssettag $0x0;
	lr =	simm.s32 $0x1  }
0x2: {  	[smem:$0x3F9D] =	sst lr;
	_ =	strace $0xD0000000  }
0x3: {  	_ = 	snop  }
0x4: {  	_ = 	snop  }
0x5: {  	_ = 	snop  }
0x6: {  	_ = 	snop  }
0x7: {  	_ = 	snop  }
__scs_overlays_trampoline_lowered:
0x8: {  	[smem:$0x3FAC] =	sst s0  }
0x9: {  	[smem:$0x3FAD] =	sst s1  }
0xa: {  	[smem:$0x3FAE] =	sst s2  }
0xb: {  	[smem:$0x3FAF] =	sst s3  }
0xc: {  	[smem:$0x3FB0] =	sst s4  }
0xd: {  	[smem:$0x3FB1] =	sst s5  }
0xe: {  	[smem:$0x3FB2] =	sst s6  }
0xf: {  	[smem:$0x3FB3] =	sst s7  }
0x10: {  	[smem:$0x3FB4] =	sst s8  }
0x11: {  	[smem:$0x3FB5] =	sst s9;
	s0 =	simm.s32 @!p0 $0x0  }
0x12: {  	s1 =	sld [smem:$0x3F9B];
	s0 =	simm.s32 @p0 $0x1  }
0x13: {  	[smem:$0x3FB6] =	sst s0;
	s0 =	simm.s32 @!p1 $0x0  }
0x14: {  	s2 =	sld [smem:$0x3F9A];
	s0 =	simm.s32 @p1 $0x1  }
0x15: {  	[smem:$0x3FB7] =	sst s0;
	s0 =	simm.s32 @!p2 $0x0  }
0x16: {  	s3 =	sld [smem:$0x3FDB];
	s0 =	simm.s32 @p2 $0x1  }
0x17: {  	s4 =	simm.s32 $0x1BF5;
	[smem:$0x3FB9] =	sst s0  }
0x18: {  	s0 =	sld [smem:$0x3F9C];
	_ =	swait.ge [sflag:s4], $0x0  }
0x19: {  	s7 =	sld [smem:$0x3F9D]  }
0x1a: {  	s8 =	sadd.s32 $0xFFFFE003, lr  }
0x1b: {  	s9 =	sadd.s32 $0xFFFFFEF7, lr;
	s5 =	simm.s32 $0xFFFFFFFF;
	p2 =	slt.u32 s8, $0xFFFFF086  }
0x1c: {  	p1 =	slt.u32 s9, $0xF7A;
	s5 =	simm.s32 @!p2 $0x0  }
0x1d: {  	s5 =	simm.s32 @p1 $0x1;
	p0 =	seq.s32 s7, s2  }
0x1e: {  	s7 =	smul.u32 @!p0 $0xF7A, s2;
	p2 =	seq.s32 @!p0 s5, $0x0  }
0x1f: {  	s9 =	smul.u32 $0xF7A, s1;
	s8 =	simm.s32 @!p0 $0x1BF5;
	p2 =	por !p2, p0  }
0x20: {  	[sflag:s8] =	ssyncset.s32 @!p0 $0xFFFFF086;
	s6 =	sadd.s32 @!p0 s3, s7;
	s7 =	simm.s32 @!p0 $0x108  }
0x21: {  	s3 =	sadd.s32 s3, s9;
	s6 =	sadd.s32 @!p0 $0x88, s6;
	s7 =	simm.s32 @p2 $0x1082  }
0x22: {  	[simem:s7], [sflag:s8] =	dma.local @!p0 [hbm:s6], $0xF7A  }
0x23: {  	s9 =	sor.u32 $0xD0000000, s2;
	s6 =	simm.s32 $0x108;
	_ =	swait.ge @!p0 [sflag:s8], $0x0  }
0x24: {  	s3 =	sadd.s32 $0x88, s3;
	s6 =	simm.s32 @!p1 $0x1082;
	[sflag:s4] =	ssyncset.s32 $0xFFFFF086  }
0x25: {  	[simem:s6], [sflag:s4] =	dma.local [hbm:s3], $0xF7A  }
0x26: {  	[smem:$0x3F9D] =	sst s1;
	(tag) =	ssettag s2;
	_ =	strace s9  }
0x27: {  	s1 =	sld [smem:$0x3FAD]  }
0x28: {  	s2 =	sld [smem:$0x3FAE]  }
0x29: {  	s4 =	sld [smem:$0x3FB0]  }
0x2a: {  	p0 =	seq.s32 s5, $0x0;
	s5 =	sld [smem:$0x3FB1]  }
0x2b: {  	s6 =	sld [smem:$0x3FB2]  }
0x2c: {  	s7 =	sld [smem:$0x3FB3]  }
0x2d: {  	s3 =	simm.s32 $0x108;
	s8 =	sld [smem:$0x3FB4]  }
0x2e: {  	s3 =	simm.s32 @!p0 $0x1082;
	s9 =	sld [smem:$0x3FB5]  }
0x2f: {  	lr =	sadd.s32 s0, s3;
	s0 =	sld [smem:$0x3FAC]  }
0x30: {  	s3 =	sld [smem:$0x3FAF]  }
0x31: {  	[smem:$0x3FB8] =	sst s10  }
0x32: {  	s10 =	sld [smem:$0x3FB6];
	_ =	sdelay $0x3  }
0x33: {  	p0 =	seq.s32 s10, $0x1;
	s10 =	sld [smem:$0x3FB8];
	_ =	sdelay $0x3  }
0x34: {  	[smem:$0x3FB8] =	sst s10  }
0x35: {  	s10 =	sld [smem:$0x3FB7];
	_ =	sdelay $0x3  }
0x36: {  	p1 =	seq.s32 s10, $0x1;
	s10 =	sld [smem:$0x3FB8];
	_ =	sdelay $0x3  }
0x37: {  	[smem:$0x3FB8] =	sst s10  }
0x38: {  	s10 =	sld [smem:$0x3FB9]  }
0x39: {  	_ = 	snop;
	(pc) =	sbr.ind lr, $3  }
0x3a: {  	_ = 	snop  }
0x3b: {  	_ = 	snop  }
0x3c: {  	p2 =	seq.s32 s10, $0x1;
	s10 =	sld [smem:$0x3FB8]  }
0x3d: {  	_ =	shalt  }
0x3e: {  	_ =	shalt  }
0x3f: {  	_ =	shalt  }
0x40: {  	_ =	shalt  }
0x41: {  	_ =	shalt  }
0x42: {  	_ =	shalt  }
0x43: {  	_ =	shalt  }
0x44: {  	_ =	shalt  }
0x45: {  	_ =	shalt  }
0x46: {  	_ =	shalt  }
0x47: {  	_ =	shalt  }
0x48: {  	_ =	shalt  }
0x49: {  	_ =	shalt  }
0x4a: {  	_ =	shalt  }
0x4b: {  	_ =	shalt  }
0x4c: {  	_ =	shalt  }
0x4d: {  	_ =	shalt  }
0x4e: {  	_ =	shalt  }
0x4f: {  	_ =	shalt  }
0x50: {  	_ =	shalt  }
0x51: {  	_ =	shalt  }
0x52: {  	_ =	shalt  }
0x53: {  	_ =	shalt  }
0x54: {  	_ =	shalt  }
0x55: {  	_ =	shalt  }
0x56: {  	_ =	shalt  }
0x57: {  	_ =	shalt  }
0x58: {  	_ =	shalt  }
0x59: {  	_ =	shalt  }
0x5a: {  	_ =	shalt  }
0x5b: {  	_ =	shalt  }
0x5c: {  	_ =	shalt  }
0x5d: {  	_ =	shalt  }
0x5e: {  	_ =	shalt  }
0x5f: {  	_ =	shalt  }
0x60: {  	_ =	shalt  }
0x61: {  	_ =	shalt  }
0x62: {  	_ =	shalt  }
0x63: {  	_ =	shalt  }
0x64: {  	_ =	shalt  }
0x65: {  	_ =	shalt  }
0x66: {  	_ =	shalt  }
0x67: {  	_ =	shalt  }
0x68: {  	_ =	shalt  }
0x69: {  	_ =	shalt  }
0x6a: {  	_ =	shalt  }
0x6b: {  	_ =	shalt  }
0x6c: {  	_ =	shalt  }
0x6d: {  	_ =	shalt  }
0x6e: {  	_ =	shalt  }
0x6f: {  	_ =	shalt  }
0x70: {  	_ =	shalt  }
0x71: {  	_ =	shalt  }
0x72: {  	_ =	shalt  }
0x73: {  	_ =	shalt  }
0x74: {  	_ =	shalt  }
0x75: {  	_ =	shalt  }
0x76: {  	_ =	shalt  }
0x77: {  	_ =	shalt  }
0x78: {  	_ =	shalt  }
0x79: {  	_ =	shalt  }
0x7a: {  	_ =	shalt  }
0x7b: {  	_ =	shalt  }
0x7c: {  	_ =	shalt  }
0x7d: {  	_ =	shalt  }
0x7e: {  	_ =	shalt  }
0x7f: {  	_ =	shalt  }
0x80: {  	_ =	shalt  }
0x81: {  	_ =	shalt  }
0x82: {  	_ =	shalt  }
0x83: {  	_ =	shalt  }
0x84: {  	_ =	shalt  }
0x85: {  	_ =	shalt  }
0x86: {  	_ =	shalt  }
0x87: {  	_ =	shalt  }
.Lfunc_end0:
.L_simem_size_0:
called_computation_lowered:
.L_overlay_start_0:
0x88: {  	s2 =	sld [smem:$0x3FD9]  }
0x89: {  	s3 =	sld [smem:$0x3FFE];
	_ =	sdelay $0x1  }
0x8a: {  	s1 =	srdreg.scid  }
0x8b: {  	s0 =	sand.u32 $0x1, s1  }
0x8c: {  	s17 =	sshll.u32 s0, $0xA;
	s2 =	sadd.s32 s3, s2  }
0x8d: {  	s2 =	sadd.s32 s2, s17  }
0x8e: {  	[smem:$0x3FC4] =	sst s2  }
0x8f: {  	_ = 	snop  }
0x90: {  	s2 =	sld [smem:$0x3FD0];
	(tm) =	ssettm $0x1  }
0x91: {  	s18 =	sld [smem:$0x3FFB];
	_ =	sdelay $0x3  }
0x92: {  	_ =	strace s18  }
0x93: {  	s3 =	sld [smem:$0x3FFC];
	_ =	sdelay $0x3  }
0x94: {  	_ =	strace s3  }
0x95: {  	s3 =	sld [smem:$0x3FFD];
	_ =	sdelay $0x3  }
0x96: {  	_ =	strace s3  }
0x97: {  	_ =	strace $0x8FFFFFFF  }
0x98: {  	s19 =	sld [smem:$0x3FDB];
	_ =	sdelay $0x1  }
0x99: {  	s4 =	simm.s32 $_scs_section_size  }
0x9a: {  	s5 =	simm.s32 $_size__tile_overlayer_lowered;
	s6 =	simm.s32 $_tile_overlayer_lowered  }
0x9b: {  	s22 =	simm.s32 $0x1BFF;
	s21 =	sshll.u32 s6, $0x1;
	s3 =	sadd.s32 s4, s19  }
0x9c: {  	s7 =	simm.s32 $0x0;
	s20 =	sshll.u32 s5, $0x1;
	s5 =	sadd.s32 s21, s3  }
0x9d: {  	[timem:s7], [sflag:s22] =	dma.local [hbm:s5], s20  }
0x9e: {  	_ =	swait.ge [sflag:s22], s20  }
0x9f: {  	s4 =	ssub.s32 $0x0, s20;
	[sflag:s22] =	ssyncset.done $0x0  }
0xa0: {  	[sflag:s22] =	ssyncadd.s32 s4;
	_ =	sdelay $0x1  }
0xa1: {  	s23 =	simm.s32 $0x1B8B  }
0xa2: {  	_ =	swait.ge [sflag:s23], $0x1  }
0xa3: {  	[sflag:s23] =	ssyncset.done $0x0  }
0xa4: {  	s25 =	simm.s32 $0x1B8E;
	s24 =	sld [smem:$0x3FFE];
	[sflag:s23] =	ssyncadd.s32 $0xFFFFFFFF  }
0xa5: {  	s26 =	simm.s32 $execute0_lowered;
	[smem:$0x3FD2] =	sst s25  }
0xa6: {  	s5 =	sshll.u32 s26, $0x1;
	_ =	strace $0x80000046;
	[dreg:$0x1] =	wrdreg $0xFFFFFFFF  }
0xa7: {  	s28 =	simm.s32 $_size_execute0_lowered;
	s3 =	sadd.s32 s3, s5;
	[dreg:$0x0] =	wrdreg $0x0  }
0xa8: {  	s5 =	sshll.u32 s28, $0x1;
	[dreg:$0x2] =	wrdreg s3  }
0xa9: {  	[dreg:$0x3] =	wrdreg s5  }
0xaa: {  	[dreg:$0x4] =	wrdreg $0xC0  }
0xab: {  	_ =	task [dreg:s7], $0x5FFFF  }
0xac: {  	[dreg:$0x1] =	wrdreg $0xFFFFFFFF  }
0xad: {  	[dreg:$0x0] =	wrdreg $0x60  }
0xae: {  	[dreg:$0x2] =	wrdreg s2  }
0xaf: {  	[dreg:$0x3] =	wrdreg s24  }
0xb0: {  	[dreg:$0x4] =	wrdreg $0xB6000  }
0xb1: {  	[dreg:$0x5] =	wrdreg $0xDD800  }
0xb2: {  	[dreg:$0x6] =	wrdreg $0x9  }
0xb3: {  	_ =	task.clear_ibuf [dreg:s7], $0x7FFFF;
	_ =	strace $0x90000046  }
0xb4: {  	s29 =	simm.s32 $0x9;
	_ =	strace $0x80000048  }
0xb5: {  	_ =	swait.ge [sflag:s29], $0x1  }
0xb6: {  	[sflag:s29] =	ssyncadd.s32 $0xFFFFFFFF  }
0xb7: {  	_ =	strace $0x90000048  }
0xb8: {  	_ =	sfence  }
0xb9: {  	s30 =	sld [smem:$0x0];
	_ =	sdelay $0x2  }
0xba: {  	s31 =	sshll.u32 s1, $0xD;
	s1 =	sshrl.u32 s1, $0x2  }
0xbb: {  	s3 =	sand.u32 $0x4000, s31;
	s1 =	sadd.s32 s1, s30  }
0xbc: {  	s0 =	sor.u32 s3, s0;
	s1 =	sshll.u32 s1, $0x11  }
0xbd: {  	s0 =	sor.u32 s1, s0  }
0xbe: {  	s0 =	sadd.s32 $0x8F2B, s0  }
0xbf: {  	[sflag:s0] =	ssyncadd.remote.s32 $0x1  }
0xc0: {  	_ =	sfence.sel $0xFFFF  }
0xc1: {  	[dreg:$0x0] =	wrdreg $0xFFFFFFFF;
	(pc) =	sbr.abs _section_cstart, $3  }
0xc2: {  	[dreg:$0x1] =	wrdreg $0xFFFFFFFF  }
0xc3: {  	_ =	task.clear_ibuf [dreg:s7], $0x2FFFF;
	_ =	strace $0x9FFFFFFF  }
0xc4: {  	(tm) =	ssettm $0x7FFFFFFF  }
0xc5: {  	_ =	shalt  }
tec
execute0_lowered:
.L_overlay_start_1:
0x0: {  	(tag) =	ssettag $0x1  }
0x1: {  	s0 =	srdreg.scid;
	s1 =	rddreg [dreg:$0x0]  }
0x2: {  	s9 =	stileid.u32;
	s4 =	rddreg [dreg:$0x1]  }
0x3: {  	s10 =	simm.s32 $0x0;
	s11 =	simm.s32 $0x8E80;
	s16 =	simm.s32 $0x1  }
0x4: {  	s17 =	simm.s32 $0x2;
	s18 =	simm.s32 $0x9;
	s19 =	simm.s32 $0x7D  }
0x5: {  	s29 =	simm.s32 $0x6F40;
	s12 =	simm.s32 $0x86B0;
	s28 =	simm.s32 $0xC  }
0x6: {  	s30 =	simm.s32 $0xD;
	s31 =	simm.s32 $0xE;
	s6 =	smul.u32 $0x2780, s9  }
0x7: {  	s0 =	sand.u32 $0x1, s0;
	[smem:$0x7FF] =	sst s10;
	s8 =	smul.u32 $0x2710, s9  }
0x8: {  	s23 =	sshll.u32 s9, $0x6;
	s2 =	sshll.u32 s0, $0x4;
	s7 =	smul.u32 $0x27800, s0  }
0x9: {  	s0 =	ssub.s32 $0x2, s0;
	s24 =	sor.u32 $0x1C11, s23;
	s23 =	simm.s32 $0x8  }
0xa: {  	s3 =	sor.u32 s9, s2;
	s2 =	rddreg [dreg:$0x2];
	s20 =	sshrl.u32 s0, $0x1  }
0xb: {  	s22 =	sshrl.u32 s8, $0x3;
	s5 =	smul.u32 $0x2800, s3;
	s3 =	rddreg [dreg:$0x3]  }
0xc: {  	_ =	strace $0x80000047;
	s7 =	sadd.s32 s6, s7;
	s0 =	ssub.s32 s0, s20  }
0xd: {  	s1 =	sadd.s32 s1, s22;
	[dreg:$0x8] =	wrdreg s24;
	s20 =	simm.s32 $0x5000  }
0xe: {  	s24 =	simm.s32 $0x5FA0;
	s22 =	simm.s32 $0x6;
	s7 =	sshrl.u32 s7, $0x3  }
0xf: {  	s8 =	sadd.s32 s8, s3;
	[dreg:$0x7] =	wrdreg s1;
	s0 =	smax.u32 s0, $0x1  }
0x10: {  	s1 =	simm.s32 $0xF;
	s5 =	sshrl.u32 s5, $0x3;
	[dreg:$0xa] =	wrdreg s0  }
0x11: {  	s26 =	sshrl.u32 s8, $0x3;
	s0 =	simm.s32 $0x7EE0;
	s8 =	simm.s32 $0x0  }
.Ltmp0:
0x12: {  	s5 =	sadd.s32 s5, s4;
	s4 =	sadd.s32 s7, s4;
	(pc) =	sbr.rel .LBB2_1-.Ltmp0, $4  }
0x13: {  	s7 =	sadd.s32 s6, s2;
	[dreg:$0xb] =	wrdreg s26;
	s21 =	sadd.s32 $0xC00, s5  }
0x14: {  	s26 =	simm.s32 $0xB;
	s5 =	sadd.s32 $0xAC00, s5;
	[dreg:$0x5] =	wrdreg s21  }
0x15: {  	s6 =	simm.s32 $0x12;
	s25 =	sadd.s32 $0x14C00, s4;
	[dreg:$0x6] =	wrdreg s5  }
0x16: {  	v0 =	vimm.f32 $0.0e+00;
	[dreg:$0x9] =	wrdreg s25;
	s21 =	simm.s32 $0x4;
	s5 =	simm.s32 $0x10  }
.LBB2_6:
0x17: {  	[spmem:s2] =	stream.indirect.scatter.add.f32 [tilespmem:s12], [sflag:$0x10], $0x10, s4, s19, $0xb8;
	[tilespmem:$0x10500] =	vst v63  }
0x18: {  	_ =	swait.ge [sflag:s18], $0x7D0  }
0x19: {  	[sflag:s18] =	ssyncset.done $0x0  }
0x1a: {  	s14 =	simm.s32 $0xA;
	[sflag:s18] =	ssyncadd.s32 $0xFFFFF830  }
0x1b: {  	_ =	swait.ge [sflag:s14], $0x7D0  }
0x1c: {  	[sflag:s14] =	ssyncset.done $0x0  }
0x1d: {  	[sflag:s14] =	ssyncadd.s32 $0xFFFFF830  }
0x1e: {  	_ =	swait.ge [sflag:s26], $0x7D0  }
0x1f: {  	[sflag:s26] =	ssyncset.done $0x0  }
0x20: {  	[sflag:s26] =	ssyncadd.s32 $0xFFFFF830  }
0x21: {  	_ =	swait.ge [sflag:s28], $0x7D0  }
0x22: {  	[sflag:s28] =	ssyncset.done $0x0  }
0x23: {  	[sflag:s28] =	ssyncadd.s32 $0xFFFFF830  }
0x24: {  	_ =	swait.ge [sflag:s30], $0x7D0  }
0x25: {  	[sflag:s30] =	ssyncset.done $0x0  }
0x26: {  	[sflag:s30] =	ssyncadd.s32 $0xFFFFF830  }
0x27: {  	_ =	swait.ge [sflag:s31], $0x7D0  }
0x28: {  	[sflag:s31] =	ssyncset.done $0x0  }
0x29: {  	[sflag:s31] =	ssyncadd.s32 $0xFFFFF830  }
0x2a: {  	_ =	swait.ge [sflag:s1], $0x7D0  }
0x2b: {  	[sflag:s1] =	ssyncset.done $0x0  }
0x2c: {  	[sflag:s1] =	ssyncadd.s32 $0xFFFFF830  }
0x2d: {  	_ =	swait.ge [sflag:s5], $0x7D0  }
0x2e: {  	[sflag:s5] =	ssyncset.done $0x0  }
0x2f: {  	[sflag:s5] =	ssyncadd.s32 $0xFFFFF830  }
0x30: {  	s11 =	simm.s32 $0x8E80;
	[bflag:$0x0] =	sbarrier.arrive $0xFFFF  }
0x31: {  	[tilespmem:s11], [sflag:$0x12] =	stream.linear.gather [spmem:s7], $0x2780, $0x38;
	[tilespmem:$0x10500] =	vst v63  }
0x32: {  	_ =	swait.ge [sflag:s6], $0x2780  }
0x33: {  	[sflag:s6] =	ssyncset.done $0x0  }
0x34: {  	s10 =	simm.s32 $0x0;
	s15 =	rddreg [dreg:$0x9];
	[sflag:s6] =	ssyncadd.s32 $0xFFFFD880  }
0x35: {  	[hbm4b:s15+s10] =	stream.linear.scatter [tilespmem:s11], [sflag:$0x12], $0x2780, $0x38;
	[tilespmem:$0x10500] =	vst v63  }
0x36: {  	_ =	swait.ge [sflag:s6], $0x2780  }
0x37: {  	s8 =	sadd.s32 $0x1, s8;
	s25 =	rddreg [dreg:$0xa]  }
0x38: {  	p0 =	sne.s32 s8, s25  }
.Ltmp1:
0x39: {  	_ = 	snop;
	(pc) =	sbr.rel @!p0 .LBB2_7-.Ltmp1, $3  }
0x3a: {  	_ =	sdelay $0x1  }
0x3b: {  	[sflag:s6] =	ssyncset.done $0x0  }
0x3c: {  	[sflag:s6] =	ssyncadd.s32 $0xFFFFD880  }
.LBB2_1:
0x3d: {  	s4 =	rddreg [dreg:$0x5]  }
0x3e: {  	[tilespmem:s10], [sflag:$0x1] =	stream.linear.gather [hbm4b:s4+s10], $0x2800, $0x38;
	[tilespmem:$0x10500] =	vst v63  }
0x3f: {  	s25 =	rddreg [dreg:$0x6];
	s9 =	simm.s32 $0x2800  }
0x40: {  	[tilespmem:s9], [sflag:$0x2] =	stream.linear.gather [hbm4b:s25+s10], $0x2800, $0x38;
	[tilespmem:$0x10500] =	vst v63  }
0x41: {  	s4 =	simm.s32 $0x40;
	s9 =	simm.s32 $0x0  }
.LBB2_2:
0x42: {  	p0 =	sne.s32 s4, $0x9DC0;
	[tilespmem:s9+$0x8E80] =	vst v0;
	s9 =	smov.u32 s4;
	s4 =	sadd.s32 $0x40, s4  }
.Ltmp2:
0x43: {  	(pc) =	sbr.rel @p0 .LBB2_2-.Ltmp2, $2  }
0x44: {  	_ =	sdelay $0x2  }
0x45: {  	s9 =	sshra.s32 s9, $0x2  }
0x46: {  	s4 =	rddreg [dreg:$0x7]  }
0x47: {  	[tilespmem:s9+$0x8E80] =	vst v0;
	s10 =	rddreg [dreg:$0xb]  }
0x48: {  	[spmem:s7] =	stream.linear.scatter [tilespmem:s11], [sflag:$0x9], $0x2780, $0x38;
	[tilespmem:$0x10500] =	vst v63  }
0x49: {  	s13 =	simm.s32 $0x11;
	s11 =	rddreg [dreg:$0x8]  }
0x4a: {  	[spmem:s10], [sflag:s11] =	dma.local [hbm:s4], $0x4E2  }
0x4b: {  	_ =	swait.ge [sflag:s13], $0x4E2  }
0x4c: {  	[sflag:s13] =	ssyncset.done $0x0  }
0x4d: {  	[sflag:s13] =	ssyncadd.s32 $0xFFFFFB1E  }
0x4e: {  	_ =	swait.ge [sflag:s16], $0x2800  }
0x4f: {  	[sflag:s16] =	ssyncset.done $0x0  }
0x50: {  	[sflag:s16] =	ssyncadd.s32 $0xFFFFD800  }
0x51: {  	_ =	swait.ge [sflag:s17], $0x2800  }
0x52: {  	[sflag:s17] =	ssyncset.done $0x0  }
0x53: {  	[sflag:s17] =	ssyncadd.s32 $0xFFFFD800  }
0x54: {  	_ =	swait.ge [sflag:s18], $0x2780  }
0x55: {  	[sflag:s18] =	ssyncset.done $0x0  }
0x56: {  	[sflag:s18] =	ssyncadd.s32 $0xFFFFD880  }
0x57: {  	s9 =	simm.s32 $0x0;
	[bflag:$0x0] =	sbarrier.arrive $0xFFFF  }
0x58: {  	[tilespmem:s20], [sflag:$0x1] =	stream.indirect.gather [spmem:s3], $0x10, s9, s19, $0xb8;
	[tilespmem:$0x10500] =	vst v63  }
0x59: {  	s14 =	simm.s32 $0x80;
	s15 =	simm.s32 $0x57D0  }
0x5a: {  	[tilespmem:s15], [sflag:$0x2] =	stream.indirect.gather [spmem:s3], $0x10, s14, s19, $0xb8;
	[tilespmem:$0x10500] =	vst v63  }
0x5b: {  	s25 =	simm.s32 $0x100  }
0x5c: {  	[tilespmem:s24], [sflag:$0x3] =	stream.indirect.gather [spmem:s3], $0x10, s25, s19, $0xb8;
	[tilespmem:$0x10500] =	vst v63  }
0x5d: {  	s10 =	simm.s32 $0x180;
	s11 =	simm.s32 $0x6770  }
0x5e: {  	[tilespmem:s11], [sflag:$0x4] =	stream.indirect.gather [spmem:s3], $0x10, s10, s19, $0xb8;
	[tilespmem:$0x10500] =	vst v63  }
0x5f: {  	s13 =	simm.s32 $0x200  }
0x60: {  	[tilespmem:s29], [sflag:$0x5] =	stream.indirect.gather [spmem:s3], $0x10, s13, s19, $0xb8;
	[tilespmem:$0x10500] =	vst v63  }
0x61: {  	s14 =	simm.s32 $0x280;
	s15 =	simm.s32 $0x7710  }
0x62: {  	[tilespmem:s15], [sflag:$0x6] =	stream.indirect.gather [spmem:s3], $0x10, s14, s19, $0xb8;
	[tilespmem:$0x10500] =	vst v63  }
0x63: {  	s25 =	simm.s32 $0x300  }
0x64: {  	[tilespmem:s0], [sflag:$0x7] =	stream.indirect.gather [spmem:s3], $0x10, s25, s19, $0xb8;
	[tilespmem:$0x10500] =	vst v63  }
.LBB2_4:
0x65: {  	_ =	swait.ge [sflag:s16], $0x7D0  }
0x66: {  	p0 =	seq.s32 s9, $0x0;
	[sflag:s16] =	ssyncset.done $0x0  }
0x67: {  	s4 =	simm.s32 @!p0 $0x10;
	[sflag:s16] =	ssyncadd.s32 $0xFFFFF830  }
0x68: {  	_ =	swait.ge @!p0 [sflag:s4], $0x7D0  }
0x69: {  	s10 =	sshra.s32 s9, $0x2;
	[sflag:s4] =	ssyncset.done @!p0 $0x0  }
0x6a: {  	s14 =	sadd.s32 $0x380, s10;
	[sflag:s4] =	ssyncadd.s32 @!p0 $0xFFFFF830  }
0x6b: {  	[tilespmem:s12], [sflag:$0x8] =	stream.indirect.gather [spmem:s3], $0x10, s14, s19, $0xb8;
	[tilespmem:$0x10500] =	vst v63  }
0x6c: {  	s15 =	sadd.s32 $0x2800, s10  }
0x6d: {  	[spmem:s2] =	stream.indirect.scatter.add.f32 [tilespmem:s20], [sflag:$0x9], $0x10, s15, s19, $0xb8;
	[tilespmem:$0x10500] =	vst v63  }
0x6e: {  	p0 =	seq.s32 s9, $0x9000;
	_ =	swait.ge [sflag:s17], $0x7D0  }
0x6f: {  	s4 =	sshra.s32 @p0 s9, $0x2;
	s13 =	simm.s32 @p0 $0x7D;
	[sflag:s17] =	ssyncset.done $0x0  }
0x70: {  	s14 =	simm.s32 @p0 $0x57D0;
	s11 =	sadd.s32 @p0 $0x2880, s4;
	[sflag:s17] =	ssyncadd.s32 $0xFFFFF830  }
0x71: {  	[spmem:s2] =	stream.indirect.scatter.add.f32 @p0 [tilespmem:s14], [sflag:$0xA], $0x10, s11, s13, $0xb8;
	[tilespmem:$0x10500] =	vst v63  }
0x72: {  	s11 =	simm.s32 @p0 $0x3  }
0x73: {  	_ =	swait.ge @p0 [sflag:s11], $0x7D0  }
0x74: {  	[sflag:s11] =	ssyncset.done @p0 $0x0  }
0x75: {  	[sflag:s11] =	ssyncadd.s32 @p0 $0xFFFFF830;
	s11 =	simm.s32 @!p0 $0x9  }
0x76: {  	_ =	swait.ge @!p0 [sflag:s11], $0x7D0  }
0x77: {  	[sflag:s11] =	ssyncset.done @!p0 $0x0  }
0x78: {  	[sflag:s11] =	ssyncadd.s32 @!p0 $0xFFFFF830;
	s11 =	sshra.s32 @!p0 s9, $0x2  }
0x79: {  	s25 =	simm.s32 @!p0 $0x5000;
	s14 =	simm.s32 @!p0 $0x7D;
	s15 =	sadd.s32 @!p0 $0x400, s11  }
0x7a: {  	[tilespmem:s25], [sflag:$0x1] =	stream.indirect.gather @!p0 [spmem:s3], $0x10, s15, s14, $0xb8;
	[tilespmem:$0x10500] =	vst v63  }
0x7b: {  	s15 =	sadd.s32 @!p0 $0x2880, s11;
	s25 =	simm.s32 @!p0 $0x57D0  }
0x7c: {  	[spmem:s2] =	stream.indirect.scatter.add.f32 @!p0 [tilespmem:s25], [sflag:$0xA], $0x10, s15, s14, $0xb8;
	[tilespmem:$0x10500] =	vst v63  }
0x7d: {  	s15 =	simm.s32 @!p0 $0x3  }
0x7e: {  	_ =	swait.ge @!p0 [sflag:s15], $0x7D0  }
0x7f: {  	[sflag:s15] =	ssyncset.done @!p0 $0x0  }
0x80: {  	[sflag:s15] =	ssyncadd.s32 @!p0 $0xFFFFF830;
	s15 =	simm.s32 @!p0 $0xA  }
0x81: {  	_ =	swait.ge @!p0 [sflag:s15], $0x7D0  }
0x82: {  	[sflag:s15] =	ssyncset.done @!p0 $0x0  }
0x83: {  	[sflag:s15] =	ssyncadd.s32 @!p0 $0xFFFFF830;
	s15 =	sadd.s32 @!p0 $0x480, s11  }
0x84: {  	[tilespmem:s25], [sflag:$0x2] =	stream.indirect.gather @!p0 [spmem:s3], $0x10, s15, s14, $0xb8;
	[tilespmem:$0x10500] =	vst v63  }
0x85: {  	s25 =	sadd.s32 $0x2900, s10  }
0x86: {  	[spmem:s2] =	stream.indirect.scatter.add.f32 [tilespmem:s24], [sflag:$0xB], $0x10, s25, s19, $0xb8;
	[tilespmem:$0x10500] =	vst v63  }
0x87: {  	_ =	swait.ge [sflag:s21], $0x7D0  }
0x88: {  	[sflag:s21] =	ssyncset.done $0x0  }
0x89: {  	s15 =	sadd.s32 @p0 $0x2980, s4;
	s25 =	simm.s32 @p0 $0x6770;
	[sflag:s21] =	ssyncadd.s32 $0xFFFFF830  }
0x8a: {  	[spmem:s2] =	stream.indirect.scatter.add.f32 @p0 [tilespmem:s25], [sflag:$0xC], $0x10, s15, s13, $0xb8;
	[tilespmem:$0x10500] =	vst v63  }
0x8b: {  	s15 =	simm.s32 @p0 $0x5  }
0x8c: {  	_ =	swait.ge @p0 [sflag:s15], $0x7D0  }
0x8d: {  	[sflag:s15] =	ssyncset.done @p0 $0x0  }
0x8e: {  	[sflag:s15] =	ssyncadd.s32 @p0 $0xFFFFF830;
	s15 =	simm.s32 @!p0 $0xB  }
0x8f: {  	_ =	swait.ge @!p0 [sflag:s15], $0x7D0  }
0x90: {  	[sflag:s15] =	ssyncset.done @!p0 $0x0  }
0x91: {  	s25 =	simm.s32 @!p0 $0x5FA0;
	[sflag:s15] =	ssyncadd.s32 @!p0 $0xFFFFF830;
	s15 =	sadd.s32 @!p0 $0x500, s11  }
0x92: {  	[tilespmem:s25], [sflag:$0x3] =	stream.indirect.gather @!p0 [spmem:s3], $0x10, s15, s14, $0xb8;
	[tilespmem:$0x10500] =	vst v63  }
0x93: {  	s15 =	sadd.s32 @!p0 $0x2980, s11;
	s25 =	simm.s32 @!p0 $0x6770  }
0x94: {  	[spmem:s2] =	stream.indirect.scatter.add.f32 @!p0 [tilespmem:s25], [sflag:$0xC], $0x10, s15, s14, $0xb8;
	[tilespmem:$0x10500] =	vst v63  }
0x95: {  	s15 =	simm.s32 @!p0 $0x5  }
0x96: {  	_ =	swait.ge @!p0 [sflag:s15], $0x7D0  }
0x97: {  	[sflag:s15] =	ssyncset.done @!p0 $0x0  }
0x98: {  	[sflag:s15] =	ssyncadd.s32 @!p0 $0xFFFFF830;
	s15 =	simm.s32 @!p0 $0xC  }
0x99: {  	_ =	swait.ge @!p0 [sflag:s15], $0x7D0  }
0x9a: {  	[sflag:s15] =	ssyncset.done @!p0 $0x0  }
0x9b: {  	[sflag:s15] =	ssyncadd.s32 @!p0 $0xFFFFF830;
	s15 =	sadd.s32 @!p0 $0x580, s11  }
0x9c: {  	[tilespmem:s25], [sflag:$0x4] =	stream.indirect.gather @!p0 [spmem:s3], $0x10, s15, s14, $0xb8;
	[tilespmem:$0x10500] =	vst v63  }
0x9d: {  	s25 =	sadd.s32 $0x2A00, s10  }
0x9e: {  	[spmem:s2] =	stream.indirect.scatter.add.f32 [tilespmem:s29], [sflag:$0xD], $0x10, s25, s19, $0xb8;
	[tilespmem:$0x10500] =	vst v63  }
0x9f: {  	_ =	swait.ge [sflag:s22], $0x7D0  }
0xa0: {  	[sflag:s22] =	ssyncset.done $0x0  }
0xa1: {  	s4 =	sadd.s32 @p0 $0x2A80, s4;
	s15 =	simm.s32 @p0 $0x7710;
	[sflag:s22] =	ssyncadd.s32 $0xFFFFF830  }
0xa2: {  	[spmem:s2] =	stream.indirect.scatter.add.f32 @p0 [tilespmem:s15], [sflag:$0xE], $0x10, s4, s13, $0xb8;
	[tilespmem:$0x10500] =	vst v63  }
0xa3: {  	s4 =	simm.s32 @p0 $0x7  }
0xa4: {  	_ =	swait.ge @p0 [sflag:s4], $0x7D0  }
0xa5: {  	[sflag:s4] =	ssyncset.done @p0 $0x0  }
0xa6: {  	[sflag:s4] =	ssyncadd.s32 @p0 $0xFFFFF830;
	s4 =	simm.s32 @!p0 $0xD  }
0xa7: {  	_ =	swait.ge @!p0 [sflag:s4], $0x7D0  }
0xa8: {  	[sflag:s4] =	ssyncset.done @!p0 $0x0  }
0xa9: {  	s13 =	simm.s32 @!p0 $0x6F40;
	[sflag:s4] =	ssyncadd.s32 @!p0 $0xFFFFF830;
	s4 =	sadd.s32 @!p0 $0x600, s11  }
0xaa: {  	[tilespmem:s13], [sflag:$0x5] =	stream.indirect.gather @!p0 [spmem:s3], $0x10, s4, s14, $0xb8;
	[tilespmem:$0x10500] =	vst v63  }
0xab: {  	s4 =	sadd.s32 @!p0 $0x2A80, s11;
	s13 =	simm.s32 @!p0 $0x7710  }
0xac: {  	[spmem:s2] =	stream.indirect.scatter.add.f32 @!p0 [tilespmem:s13], [sflag:$0xE], $0x10, s4, s14, $0xb8;
	[tilespmem:$0x10500] =	vst v63  }
0xad: {  	s4 =	simm.s32 @!p0 $0x7  }
0xae: {  	_ =	swait.ge @!p0 [sflag:s4], $0x7D0  }
0xaf: {  	[sflag:s4] =	ssyncset.done @!p0 $0x0  }
0xb0: {  	[sflag:s4] =	ssyncadd.s32 @!p0 $0xFFFFF830;
	s4 =	simm.s32 @!p0 $0xE  }
0xb1: {  	_ =	swait.ge @!p0 [sflag:s4], $0x7D0  }
0xb2: {  	[sflag:s4] =	ssyncset.done @!p0 $0x0  }
0xb3: {  	[sflag:s4] =	ssyncadd.s32 @!p0 $0xFFFFF830;
	s4 =	sadd.s32 @!p0 $0x680, s11  }
0xb4: {  	[tilespmem:s13], [sflag:$0x6] =	stream.indirect.gather @!p0 [spmem:s3], $0x10, s4, s14, $0xb8;
	[tilespmem:$0x10500] =	vst v63  }
.Ltmp3:
0xb5: {  	s25 =	sadd.s32 $0x2B00, s10;
	(pc) =	sbr.rel @p0 .LBB2_6-.Ltmp3, $4  }
0xb6: {  	[spmem:s2] =	stream.indirect.scatter.add.f32 [tilespmem:s0], [sflag:$0xF], $0x10, s25, s19, $0xb8;
	[tilespmem:$0x10500] =	vst v63  }
0xb7: {  	_ =	swait.ge [sflag:s23], $0x7D0  }
0xb8: {  	[sflag:s23] =	ssyncset.done $0x0  }
0xb9: {  	s4 =	sadd.s32 $0x2B80, s10;
	[sflag:s23] =	ssyncadd.s32 $0xFFFFF830  }
0xba: {  	_ =	swait.ge [sflag:s1], $0x7D0  }
.Ltmp4:
0xbb: {  	[sflag:s1] =	ssyncset.done $0x0;
	(pc) =	sbr.rel .LBB2_4-.Ltmp4, $4  }
0xbc: {  	s10 =	sadd.s32 $0x700, s10;
	[sflag:s1] =	ssyncadd.s32 $0xFFFFF830  }
0xbd: {  	[tilespmem:s0], [sflag:$0x7] =	stream.indirect.gather [spmem:s3], $0x10, s10, s19, $0xb8;
	[tilespmem:$0x10500] =	vst v63  }
0xbe: {  	s9 =	sadd.s32 $0x1000, s9  }
0xbf: {  	[spmem:s2] =	stream.indirect.scatter.add.f32 [tilespmem:s12], [sflag:$0x10], $0x10, s4, s19, $0xb8;
	[tilespmem:$0x10500] =	vst v63  }
.LBB2_7:
0xc0: {  	_ =	sfence.sel $0x180000  }
0xc1: {  	[bflag:$0x0] =	sbarrier.arrive $0xFFFF  }
0xc2: {  	_ =	strace $0x90000047  }
0xc3: {  	s0 =	stileid.u32;
	[bflag:$0x2] =	sbarrier.arrive $0xFFFF  }
0xc4: {  	p0 =	sne.s32 s0, $0x0;
	s0 =	rddreg [dreg:$0x4]  }
0xc5: {  	s0 =	sadd.s32 @!p0 $0x100000, s0  }
0xc6: {  	[sflag:s0] =	ssyncadd.tile.s32 @!p0 $0x1;
	_ =	shalt  }
.Lfunc_end2:
_tile_overlayer_lowered:
.L_overlay_start_2:
0xc7: {  	(tag) =	ssettag $0x2  }
0xc8: {  	s0 =	rddreg [dreg:$0x0];
	s2 =	stileid.u32  }
0xc9: {  	s1 =	rddreg [dreg:$0x1];
	p0 =	sne.s32 s2, $0x0  }
0xca: {  	s3 =	rddreg [dreg:$0x2];
	[bflag:$0x3] =	sbarrier.arrive $0xFFFF;
	s2 =	simm.s32 @!p0 $0x1C12  }
0xcb: {  	[timem:s3], [sflag:s2] =	dma.local @!p0 [hbm:s0], s1  }
0xcc: {  	s0 =	simm.s32 @!p0 $0x12  }
0xcd: {  	_ =	swait.ge @!p0 [sflag:s0], s1  }
0xce: {  	s1 =	ssub.s32 @!p0 $0x0, s1;
	[sflag:s0] =	ssyncset.done @!p0 $0x0  }
0xcf: {  	[sflag:s0] =	ssyncadd.s32 @!p0 s1  }
0xd0: {  	[bflag:$0x3] =	sbarrier.arrive $0xFFFF  }
0xd1: {  	_ =	shalt  }

// kernel: kernel.9.cloned.1.call-start
scs
__scs_entry_jumppad:
0x0: {  	(pc) =	sbr.rel $0x88, $3  }
0x1: {  	(tag) =	ssettag $0x0;
	lr =	simm.s32 $0x1  }
0x2: {  	[smem:$0x3F9D] =	sst lr;
	_ =	strace $0xD0000000  }
0x3: {  	_ = 	snop  }
0x4: {  	_ = 	snop  }
0x5: {  	_ = 	snop  }
0x6: {  	_ = 	snop  }
0x7: {  	_ = 	snop  }
__scs_overlays_trampoline_lowered:
0x8: {  	[smem:$0x3FAC] =	sst s0  }
0x9: {  	[smem:$0x3FAD] =	sst s1  }
0xa: {  	[smem:$0x3FAE] =	sst s2  }
0xb: {  	[smem:$0x3FAF] =	sst s3  }
0xc: {  	[smem:$0x3FB0] =	sst s4  }
0xd: {  	[smem:$0x3FB1] =	sst s5  }
0xe: {  	[smem:$0x3FB2] =	sst s6  }
0xf: {  	[smem:$0x3FB3] =	sst s7  }
0x10: {  	[smem:$0x3FB4] =	sst s8  }
0x11: {  	[smem:$0x3FB5] =	sst s9;
	s0 =	simm.s32 @!p0 $0x0  }
0x12: {  	s1 =	sld [smem:$0x3F9B];
	s0 =	simm.s32 @p0 $0x1  }
0x13: {  	[smem:$0x3FB6] =	sst s0;
	s0 =	simm.s32 @!p1 $0x0  }
0x14: {  	s2 =	sld [smem:$0x3F9A];
	s0 =	simm.s32 @p1 $0x1  }
0x15: {  	[smem:$0x3FB7] =	sst s0;
	s0 =	simm.s32 @!p2 $0x0  }
0x16: {  	s3 =	sld [smem:$0x3FDB];
	s0 =	simm.s32 @p2 $0x1  }
0x17: {  	s4 =	simm.s32 $0x1BF5;
	[smem:$0x3FB9] =	sst s0  }
0x18: {  	s0 =	sld [smem:$0x3F9C];
	_ =	swait.ge [sflag:s4], $0x0  }
0x19: {  	s7 =	sld [smem:$0x3F9D]  }
0x1a: {  	s8 =	sadd.s32 $0xFFFFE003, lr  }
0x1b: {  	s9 =	sadd.s32 $0xFFFFFEF7, lr;
	s5 =	simm.s32 $0xFFFFFFFF;
	p2 =	slt.u32 s8, $0xFFFFF086  }
0x1c: {  	p1 =	slt.u32 s9, $0xF7A;
	s5 =	simm.s32 @!p2 $0x0  }
0x1d: {  	s5 =	simm.s32 @p1 $0x1;
	p0 =	seq.s32 s7, s2  }
0x1e: {  	s7 =	smul.u32 @!p0 $0xF7A, s2;
	p2 =	seq.s32 @!p0 s5, $0x0  }
0x1f: {  	s9 =	smul.u32 $0xF7A, s1;
	s8 =	simm.s32 @!p0 $0x1BF5;
	p2 =	por !p2, p0  }
0x20: {  	[sflag:s8] =	ssyncset.s32 @!p0 $0xFFFFF086;
	s6 =	sadd.s32 @!p0 s3, s7;
	s7 =	simm.s32 @!p0 $0x108  }
0x21: {  	s3 =	sadd.s32 s3, s9;
	s6 =	sadd.s32 @!p0 $0x88, s6;
	s7 =	simm.s32 @p2 $0x1082  }
0x22: {  	[simem:s7], [sflag:s8] =	dma.local @!p0 [hbm:s6], $0xF7A  }
0x23: {  	s9 =	sor.u32 $0xD0000000, s2;
	s6 =	simm.s32 $0x108;
	_ =	swait.ge @!p0 [sflag:s8], $0x0  }
0x24: {  	s3 =	sadd.s32 $0x88, s3;
	s6 =	simm.s32 @!p1 $0x1082;
	[sflag:s4] =	ssyncset.s32 $0xFFFFF086  }
0x25: {  	[simem:s6], [sflag:s4] =	dma.local [hbm:s3], $0xF7A  }
0x26: {  	[smem:$0x3F9D] =	sst s1;
	(tag) =	ssettag s2;
	_ =	strace s9  }
0x27: {  	s1 =	sld [smem:$0x3FAD]  }
0x28: {  	s2 =	sld [smem:$0x3FAE]  }
0x29: {  	s4 =	sld [smem:$0x3FB0]  }
0x2a: {  	p0 =	seq.s32 s5, $0x0;
	s5 =	sld [smem:$0x3FB1]  }
0x2b: {  	s6 =	sld [smem:$0x3FB2]  }
0x2c: {  	s7 =	sld [smem:$0x3FB3]  }
0x2d: {  	s3 =	simm.s32 $0x108;
	s8 =	sld [smem:$0x3FB4]  }
0x2e: {  	s3 =	simm.s32 @!p0 $0x1082;
	s9 =	sld [smem:$0x3FB5]  }
0x2f: {  	lr =	sadd.s32 s0, s3;
	s0 =	sld [smem:$0x3FAC]  }
0x30: {  	s3 =	sld [smem:$0x3FAF]  }
0x31: {  	[smem:$0x3FB8] =	sst s10  }
0x32: {  	s10 =	sld [smem:$0x3FB6];
	_ =	sdelay $0x3  }
0x33: {  	p0 =	seq.s32 s10, $0x1;
	s10 =	sld [smem:$0x3FB8];
	_ =	sdelay $0x3  }
0x34: {  	[smem:$0x3FB8] =	sst s10  }
0x35: {  	s10 =	sld [smem:$0x3FB7];
	_ =	sdelay $0x3  }
0x36: {  	p1 =	seq.s32 s10, $0x1;
	s10 =	sld [smem:$0x3FB8];
	_ =	sdelay $0x3  }
0x37: {  	[smem:$0x3FB8] =	sst s10  }
0x38: {  	s10 =	sld [smem:$0x3FB9]  }
0x39: {  	_ = 	snop;
	(pc) =	sbr.ind lr, $3  }
0x3a: {  	_ = 	snop  }
0x3b: {  	_ = 	snop  }
0x3c: {  	p2 =	seq.s32 s10, $0x1;
	s10 =	sld [smem:$0x3FB8]  }
0x3d: {  	_ =	shalt  }
0x3e: {  	_ =	shalt  }
0x3f: {  	_ =	shalt  }
0x40: {  	_ =	shalt  }
0x41: {  	_ =	shalt  }
0x42: {  	_ =	shalt  }
0x43: {  	_ =	shalt  }
0x44: {  	_ =	shalt  }
0x45: {  	_ =	shalt  }
0x46: {  	_ =	shalt  }
0x47: {  	_ =	shalt  }
0x48: {  	_ =	shalt  }
0x49: {  	_ =	shalt  }
0x4a: {  	_ =	shalt  }
0x4b: {  	_ =	shalt  }
0x4c: {  	_ =	shalt  }
0x4d: {  	_ =	shalt  }
0x4e: {  	_ =	shalt  }
0x4f: {  	_ =	shalt  }
0x50: {  	_ =	shalt  }
0x51: {  	_ =	shalt  }
0x52: {  	_ =	shalt  }
0x53: {  	_ =	shalt  }
0x54: {  	_ =	shalt  }
0x55: {  	_ =	shalt  }
0x56: {  	_ =	shalt  }
0x57: {  	_ =	shalt  }
0x58: {  	_ =	shalt  }
0x59: {  	_ =	shalt  }
0x5a: {  	_ =	shalt  }
0x5b: {  	_ =	shalt  }
0x5c: {  	_ =	shalt  }
0x5d: {  	_ =	shalt  }
0x5e: {  	_ =	shalt  }
0x5f: {  	_ =	shalt  }
0x60: {  	_ =	shalt  }
0x61: {  	_ =	shalt  }
0x62: {  	_ =	shalt  }
0x63: {  	_ =	shalt  }
0x64: {  	_ =	shalt  }
0x65: {  	_ =	shalt  }
0x66: {  	_ =	shalt  }
0x67: {  	_ =	shalt  }
0x68: {  	_ =	shalt  }
0x69: {  	_ =	shalt  }
0x6a: {  	_ =	shalt  }
0x6b: {  	_ =	shalt  }
0x6c: {  	_ =	shalt  }
0x6d: {  	_ =	shalt  }
0x6e: {  	_ =	shalt  }
0x6f: {  	_ =	shalt  }
0x70: {  	_ =	shalt  }
0x71: {  	_ =	shalt  }
0x72: {  	_ =	shalt  }
0x73: {  	_ =	shalt  }
0x74: {  	_ =	shalt  }
0x75: {  	_ =	shalt  }
0x76: {  	_ =	shalt  }
0x77: {  	_ =	shalt  }
0x78: {  	_ =	shalt  }
0x79: {  	_ =	shalt  }
0x7a: {  	_ =	shalt  }
0x7b: {  	_ =	shalt  }
0x7c: {  	_ =	shalt  }
0x7d: {  	_ =	shalt  }
0x7e: {  	_ =	shalt  }
0x7f: {  	_ =	shalt  }
0x80: {  	_ =	shalt  }
0x81: {  	_ =	shalt  }
0x82: {  	_ =	shalt  }
0x83: {  	_ =	shalt  }
0x84: {  	_ =	shalt  }
0x85: {  	_ =	shalt  }
0x86: {  	_ =	shalt  }
0x87: {  	_ =	shalt  }
.Lfunc_end0:
.L_simem_size_0:
called_computation.1_lowered:
.L_overlay_start_0:
0x88: {  	s2 =	sld [smem:$0x3FD9]  }
0x89: {  	s3 =	sld [smem:$0x3FFE];
	_ =	sdelay $0x1  }
0x8a: {  	s1 =	srdreg.scid  }
0x8b: {  	s0 =	sand.u32 $0x1, s1  }
0x8c: {  	s17 =	sshll.u32 s0, $0xA;
	s2 =	sadd.s32 s3, s2  }
0x8d: {  	s2 =	sadd.s32 s2, s17  }
0x8e: {  	[smem:$0x3FC4] =	sst s2  }
0x8f: {  	_ = 	snop  }
0x90: {  	s2 =	sld [smem:$0x3FD0];
	(tm) =	ssettm $0x1  }
0x91: {  	s18 =	sld [smem:$0x3FFB];
	_ =	sdelay $0x3  }
0x92: {  	_ =	strace s18  }
0x93: {  	s3 =	sld [smem:$0x3FFC];
	_ =	sdelay $0x3  }
0x94: {  	_ =	strace s3  }
0x95: {  	s3 =	sld [smem:$0x3FFD];
	_ =	sdelay $0x3  }
0x96: {  	_ =	strace s3  }
0x97: {  	_ =	strace $0x8FFFFFFF  }
0x98: {  	s19 =	sld [smem:$0x3FDB];
	_ =	sdelay $0x1  }
0x99: {  	s4 =	simm.s32 $_scs_section_size  }
0x9a: {  	s5 =	simm.s32 $_size__tile_overlayer_lowered;
	s6 =	simm.s32 $_tile_overlayer_lowered  }
0x9b: {  	s22 =	simm.s32 $0x1BFF;
	s21 =	sshll.u32 s6, $0x1;
	s3 =	sadd.s32 s4, s19  }
0x9c: {  	s7 =	simm.s32 $0x0;
	s20 =	sshll.u32 s5, $0x1;
	s5 =	sadd.s32 s21, s3  }
0x9d: {  	[timem:s7], [sflag:s22] =	dma.local [hbm:s5], s20  }
0x9e: {  	_ =	swait.ge [sflag:s22], s20  }
0x9f: {  	s4 =	ssub.s32 $0x0, s20;
	[sflag:s22] =	ssyncset.done $0x0  }
0xa0: {  	[sflag:s22] =	ssyncadd.s32 s4;
	_ =	sdelay $0x1  }
0xa1: {  	s23 =	simm.s32 $0x1B8B  }
0xa2: {  	_ =	swait.ge [sflag:s23], $0x1  }
0xa3: {  	[sflag:s23] =	ssyncset.done $0x0  }
0xa4: {  	s25 =	simm.s32 $0x1B8E;
	s24 =	sld [smem:$0x3FFE];
	[sflag:s23] =	ssyncadd.s32 $0xFFFFFFFF  }
0xa5: {  	s26 =	simm.s32 $execute0_lowered;
	[smem:$0x3FD2] =	sst s25  }
0xa6: {  	s5 =	sshll.u32 s26, $0x1;
	_ =	strace $0x80000049;
	[dreg:$0x1] =	wrdreg $0xFFFFFFFF  }
0xa7: {  	s28 =	simm.s32 $_size_execute0_lowered;
	s3 =	sadd.s32 s3, s5;
	[dreg:$0x0] =	wrdreg $0x0  }
0xa8: {  	s5 =	sshll.u32 s28, $0x1;
	[dreg:$0x2] =	wrdreg s3  }
0xa9: {  	[dreg:$0x3] =	wrdreg s5  }
0xaa: {  	[dreg:$0x4] =	wrdreg $0xC0  }
0xab: {  	_ =	task [dreg:s7], $0x5FFFF  }
0xac: {  	[dreg:$0x1] =	wrdreg $0xFFFFFFFF  }
0xad: {  	[dreg:$0x0] =	wrdreg $0x60  }
0xae: {  	[dreg:$0x2] =	wrdreg s24  }
0xaf: {  	[dreg:$0x3] =	wrdreg s2  }
0xb0: {  	[dreg:$0x4] =	wrdreg $0x105000  }
0xb1: {  	[dreg:$0x5] =	wrdreg $0x12C800  }
0xb2: {  	[dreg:$0x6] =	wrdreg $0x9  }
0xb3: {  	_ =	task.clear_ibuf [dreg:s7], $0x7FFFF;
	_ =	strace $0x90000049  }
0xb4: {  	s29 =	simm.s32 $0x9;
	_ =	strace $0x8000004B  }
0xb5: {  	_ =	swait.ge [sflag:s29], $0x1  }
0xb6: {  	[sflag:s29] =	ssyncadd.s32 $0xFFFFFFFF  }
0xb7: {  	_ =	strace $0x9000004B  }
0xb8: {  	_ =	sfence  }
0xb9: {  	s30 =	sld [smem:$0x0];
	_ =	sdelay $0x2  }
0xba: {  	s31 =	sshll.u32 s1, $0xD;
	s1 =	sshrl.u32 s1, $0x2  }
0xbb: {  	s3 =	sand.u32 $0x4000, s31;
	s1 =	sadd.s32 s1, s30  }
0xbc: {  	s0 =	sor.u32 s3, s0;
	s1 =	sshll.u32 s1, $0x11  }
0xbd: {  	s0 =	sor.u32 s1, s0  }
0xbe: {  	s0 =	sadd.s32 $0x8F2B, s0  }
0xbf: {  	[sflag:s0] =	ssyncadd.remote.s32 $0x1  }
0xc0: {  	_ =	sfence.sel $0xFFFF  }
0xc1: {  	[dreg:$0x0] =	wrdreg $0xFFFFFFFF;
	(pc) =	sbr.abs _section_cstart, $3  }
0xc2: {  	[dreg:$0x1] =	wrdreg $0xFFFFFFFF  }
0xc3: {  	_ =	task.clear_ibuf [dreg:s7], $0x2FFFF;
	_ =	strace $0x9FFFFFFF  }
0xc4: {  	(tm) =	ssettm $0x7FFFFFFF  }
0xc5: {  	_ =	shalt  }
tec
execute0_lowered:
.L_overlay_start_1:
0x0: {  	(tag) =	ssettag $0x1  }
0x1: {  	s0 =	rddreg [dreg:$0x0]  }
0x2: {  	s2 =	rddreg [dreg:$0x1]  }
0x3: {  	s1 =	rddreg [dreg:$0x2]  }
0x4: {  	s4 =	srdreg.scid;
	s3 =	rddreg [dreg:$0x3]  }
0x5: {  	s7 =	stileid.u32;
	s11 =	simm.s32 $0x0;
	s12 =	simm.s32 $0x8E80  }
0x6: {  	s14 =	simm.s32 $0xB600;
	s18 =	simm.s32 $0x4;
	s29 =	simm.s32 $0x5FA0  }
0x7: {  	s28 =	simm.s32 $0x86B0;
	s30 =	simm.s32 $0x6;
	s31 =	simm.s32 $0x8  }
0x8: {  	s13 =	simm.s32 $0xB;
	s16 =	simm.s32 $0xC;
	s4 =	sand.u32 $0x1, s4  }
0x9: {  	s6 =	smul.u32 $0x2780, s7;
	[smem:$0x7FF] =	sst s11;
	s5 =	sshll.u32 s4, $0x4  }
0xa: {  	_ =	strace $0x8000004A;
	s8 =	ssub.s32 $0x2, s4;
	s4 =	smul.u32 $0x27800, s4  }
0xb: {  	s5 =	sor.u32 s7, s5;
	s19 =	sshrl.u32 s6, $0x3;
	s9 =	sshrl.u32 s8, $0x1  }
0xc: {  	s7 =	sadd.s32 s6, s1;
	s25 =	sadd.s32 s6, s3;
	s5 =	smul.u32 $0x2800, s5  }
0xd: {  	s10 =	sadd.s32 s19, s0;
	s20 =	ssub.s32 s8, s9;
	s22 =	sadd.s32 s6, s4  }
0xe: {  	[dreg:$0x9] =	wrdreg s25;
	s19 =	simm.s32 $0x11;
	s25 =	simm.s32 $0xD  }
0xf: {  	s6 =	simm.s32 $0xF;
	s8 =	simm.s32 $0x10;
	s23 =	sadd.s32 $0x14C00, s10  }
0x10: {  	s9 =	simm.s32 $0x0;
	s24 =	sadd.s32 $0x19B00, s10;
	[dreg:$0x7] =	wrdreg s23  }
0x11: {  	s26 =	smax.u32 s20, $0x1;
	s20 =	simm.s32 $0x1;
	[dreg:$0x8] =	wrdreg s24  }
0x12: {  	s5 =	sshrl.u32 s5, $0x3;
	[dreg:$0xb] =	wrdreg s26;
	s23 =	simm.s32 $0x7D  }
.Ltmp0:
0x13: {  	s24 =	simm.s32 $0x5000;
	s0 =	sadd.s32 s5, s0;
	(pc) =	sbr.rel .LBB2_1-.Ltmp0, $4  }
0x14: {  	s26 =	simm.s32 $0x7EE0;
	s21 =	sadd.s32 $0xC00, s0;
	s0 =	sadd.s32 $0xAC00, s0  }
0x15: {  	s5 =	simm.s32 $0xE;
	[dreg:$0x6] =	wrdreg s0;
	s0 =	sshrl.u32 s22, $0x3  }
0x16: {  	[dreg:$0x5] =	wrdreg s21;
	s21 =	simm.s32 $0x2;
	s0 =	sadd.s32 s2, s0  }
0x17: {  	v0 =	vimm.f32 $0.0e+00;
	s22 =	simm.s32 $0x9;
	s2 =	simm.s32 $0x6F40;
	[dreg:$0xa] =	wrdreg s0  }
.LBB2_8:
0x18: {  	[spmem:s1] =	stream.indirect.scatter.add.f32 [tilespmem:s28], [sflag:$0x10], $0x10, s4, s23, $0xb8;
	[tilespmem:$0x15400] =	vst v63  }
0x19: {  	_ =	swait.ge [sflag:s22], $0x7D0  }
0x1a: {  	[sflag:s22] =	ssyncset.done $0x0  }
0x1b: {  	s0 =	simm.s32 $0xA;
	[sflag:s22] =	ssyncadd.s32 $0xFFFFF830  }
0x1c: {  	_ =	swait.ge [sflag:s0], $0x7D0  }
0x1d: {  	[sflag:s0] =	ssyncset.done $0x0  }
0x1e: {  	[sflag:s0] =	ssyncadd.s32 $0xFFFFF830  }
0x1f: {  	_ =	swait.ge [sflag:s13], $0x7D0  }
0x20: {  	[sflag:s13] =	ssyncset.done $0x0  }
0x21: {  	[sflag:s13] =	ssyncadd.s32 $0xFFFFF830  }
0x22: {  	_ =	swait.ge [sflag:s16], $0x7D0  }
0x23: {  	[sflag:s16] =	ssyncset.done $0x0  }
0x24: {  	[sflag:s16] =	ssyncadd.s32 $0xFFFFF830  }
0x25: {  	_ =	swait.ge [sflag:s25], $0x7D0  }
0x26: {  	[sflag:s25] =	ssyncset.done $0x0  }
0x27: {  	[sflag:s25] =	ssyncadd.s32 $0xFFFFF830  }
0x28: {  	_ =	swait.ge [sflag:s5], $0x7D0  }
0x29: {  	[sflag:s5] =	ssyncset.done $0x0  }
0x2a: {  	[sflag:s5] =	ssyncadd.s32 $0xFFFFF830  }
0x2b: {  	_ =	swait.ge [sflag:s6], $0x7D0  }
0x2c: {  	[sflag:s6] =	ssyncset.done $0x0  }
0x2d: {  	[sflag:s6] =	ssyncadd.s32 $0xFFFFF830  }
0x2e: {  	_ =	swait.ge [sflag:s8], $0x7D0  }
0x2f: {  	[sflag:s8] =	ssyncset.done $0x0  }
0x30: {  	[sflag:s8] =	ssyncadd.s32 $0xFFFFF830  }
0x31: {  	s12 =	simm.s32 $0x8E80;
	[bflag:$0x0] =	sbarrier.arrive $0xFFFF  }
0x32: {  	[tilespmem:s12], [sflag:$0x11] =	stream.linear.gather [spmem:s7], $0x2780, $0x38;
	[tilespmem:$0x15400] =	vst v63  }
0x33: {  	_ =	swait.ge [sflag:s19], $0x2780  }
0x34: {  	[sflag:s19] =	ssyncset.done $0x0  }
0x35: {  	s11 =	simm.s32 $0x0;
	s15 =	rddreg [dreg:$0xa];
	[sflag:s19] =	ssyncadd.s32 $0xFFFFD880  }
0x36: {  	[hbm4b:s15+s11] =	stream.linear.scatter [tilespmem:s12], [sflag:$0x11], $0x2780, $0x38;
	[tilespmem:$0x15400] =	vst v63  }
0x37: {  	_ =	swait.ge [sflag:s19], $0x2780  }
0x38: {  	s9 =	sadd.s32 $0x1, s9;
	s17 =	rddreg [dreg:$0xb]  }
0x39: {  	p0 =	sne.s32 s9, s17  }
.Ltmp1:
0x3a: {  	_ = 	snop;
	(pc) =	sbr.rel @!p0 .LBB2_9-.Ltmp1, $3  }
0x3b: {  	_ =	sdelay $0x1  }
0x3c: {  	[sflag:s19] =	ssyncset.done $0x0  }
0x3d: {  	s14 =	simm.s32 $0xB600;
	[sflag:s19] =	ssyncadd.s32 $0xFFFFD880  }
.LBB2_1:
0x3e: {  	s0 =	rddreg [dreg:$0x5]  }
0x3f: {  	[tilespmem:s11], [sflag:$0x1] =	stream.linear.gather [hbm4b:s0+s11], $0x2800, $0x38;
	[tilespmem:$0x15400] =	vst v63  }
0x40: {  	s17 =	rddreg [dreg:$0x6];
	s4 =	simm.s32 $0x2800  }
0x41: {  	[tilespmem:s4], [sflag:$0x2] =	stream.linear.gather [hbm4b:s17+s11], $0x2800, $0x38;
	[tilespmem:$0x15400] =	vst v63  }
0x42: {  	s10 =	simm.s32 $0x0;
	s4 =	simm.s32 $0x40  }
.LBB2_2:
0x43: {  	p0 =	sne.s32 s4, $0x9DC0;
	[tilespmem:s10+$0x8E80] =	vst v0;
	s10 =	smov.u32 s4;
	s4 =	sadd.s32 $0x40, s4  }
.Ltmp2:
0x44: {  	(pc) =	sbr.rel @p0 .LBB2_2-.Ltmp2, $2  }
0x45: {  	_ =	sdelay $0x2  }
0x46: {  	s10 =	sshra.s32 s10, $0x2  }
0x47: {  	[tilespmem:s10+$0x8E80] =	vst v0  }
0x48: {  	[spmem:s7] =	stream.linear.scatter [tilespmem:s12], [sflag:$0x9], $0x2780, $0x38;
	[tilespmem:$0x15400] =	vst v63  }
0x49: {  	s4 =	simm.s32 $0x0;
	s0 =	rddreg [dreg:$0x7]  }
0x4a: {  	[tilespmem:s14], [sflag:$0x3] =	stream.linear.gather [hbm4b:s0+s4], $0x2780, $0x38;
	[tilespmem:$0x15400] =	vst v63  }
0x4b: {  	s15 =	simm.s32 $0xDD80;
	s17 =	simm.s32 $0x3;
	s12 =	rddreg [dreg:$0x8]  }
0x4c: {  	[tilespmem:s15], [sflag:$0x4] =	stream.linear.gather [hbm4b:s12+s4], $0x2780, $0x38;
	[tilespmem:$0x15400] =	vst v63  }
0x4d: {  	_ =	swait.ge [sflag:s17], $0x2780  }
0x4e: {  	[sflag:s17] =	ssyncset.done $0x0  }
0x4f: {  	[sflag:s17] =	ssyncadd.s32 $0xFFFFD880  }
0x50: {  	_ =	swait.ge [sflag:s18], $0x2780  }
0x51: {  	[sflag:s18] =	ssyncset.done $0x0  }
0x52: {  	s4 =	simm.s32 $0x0;
	[sflag:s18] =	ssyncadd.s32 $0xFFFFD880  }
0x53: {  	s10 =	simm.s32 $0x40;
	v1 =	vld [tilespmem:s4+$0xDD80]  }
.LBB2_4:
0x54: {  	p0 =	sne.s32 s10, $0x9DC0;
	v2 =	vld [tilespmem:s4+$0xB600];
	_ =	sdelay $0x3  }
.Ltmp3:
0x55: {  	(pc) =	sbr.rel @p0 .LBB2_4-.Ltmp3, $3  }
0x56: {  	v1 =	vadd.f32 v1, v2;
	_ =	sdelay $0x1  }
0x57: {  	s11 =	sshra.s32 s10, $0x2;
	v2 =	vmax.f32 v1, $0.0e+00  }
0x58: {  	s10 =	sadd.s32 $0x40, s10;
	v1 =	vld [tilespmem:s11+$0xDD80];
	[tilespmem:s4+$0xB600] =	vst v2;
	s4 =	smov.u32 s11  }
0x59: {  	v2 =	vld [tilespmem:s4+$0xB600];
	_ =	sdelay $0x4  }
0x5a: {  	v1 =	vadd.f32 v1, v2;
	_ =	sdelay $0x1  }
0x5b: {  	v1 =	vmax.f32 v1, $0.0e+00  }
0x5c: {  	s0 =	rddreg [dreg:$0x9];
	[tilespmem:s4+$0xB600] =	vst v1  }
0x5d: {  	[spmem:s0] =	stream.linear.scatter [tilespmem:s14], [sflag:$0x11], $0x2780, $0x38;
	[tilespmem:$0x15400] =	vst v63  }
0x5e: {  	_ =	swait.ge [sflag:s19], $0x2780  }
0x5f: {  	[sflag:s19] =	ssyncset.done $0x0  }
0x60: {  	[sflag:s19] =	ssyncadd.s32 $0xFFFFD880  }
0x61: {  	_ =	swait.ge [sflag:s20], $0x2800  }
0x62: {  	[sflag:s20] =	ssyncset.done $0x0  }
0x63: {  	[sflag:s20] =	ssyncadd.s32 $0xFFFFD800  }
0x64: {  	_ =	swait.ge [sflag:s21], $0x2800  }
0x65: {  	[sflag:s21] =	ssyncset.done $0x0  }
0x66: {  	[sflag:s21] =	ssyncadd.s32 $0xFFFFD800  }
0x67: {  	_ =	swait.ge [sflag:s22], $0x2780  }
0x68: {  	[sflag:s22] =	ssyncset.done $0x0  }
0x69: {  	[sflag:s22] =	ssyncadd.s32 $0xFFFFD880  }
0x6a: {  	s10 =	simm.s32 $0x0;
	[bflag:$0x0] =	sbarrier.arrive $0xFFFF  }
0x6b: {  	[tilespmem:s24], [sflag:$0x1] =	stream.indirect.gather [spmem:s3], $0x10, s10, s23, $0xb8;
	[tilespmem:$0x15400] =	vst v63  }
0x6c: {  	s15 =	simm.s32 $0x57D0;
	s14 =	simm.s32 $0x80  }
0x6d: {  	[tilespmem:s15], [sflag:$0x2] =	stream.indirect.gather [spmem:s3], $0x10, s14, s23, $0xb8;
	[tilespmem:$0x15400] =	vst v63  }
0x6e: {  	s17 =	simm.s32 $0x100  }
0x6f: {  	[tilespmem:s29], [sflag:$0x3] =	stream.indirect.gather [spmem:s3], $0x10, s17, s23, $0xb8;
	[tilespmem:$0x15400] =	vst v63  }
0x70: {  	s11 =	simm.s32 $0x6770;
	s4 =	simm.s32 $0x180  }
0x71: {  	[tilespmem:s11], [sflag:$0x4] =	stream.indirect.gather [spmem:s3], $0x10, s4, s23, $0xb8;
	[tilespmem:$0x15400] =	vst v63  }
0x72: {  	s12 =	simm.s32 $0x200  }
0x73: {  	[tilespmem:s2], [sflag:$0x5] =	stream.indirect.gather [spmem:s3], $0x10, s12, s23, $0xb8;
	[tilespmem:$0x15400] =	vst v63  }
0x74: {  	s14 =	simm.s32 $0x280;
	s15 =	simm.s32 $0x7710  }
0x75: {  	[tilespmem:s15], [sflag:$0x6] =	stream.indirect.gather [spmem:s3], $0x10, s14, s23, $0xb8;
	[tilespmem:$0x15400] =	vst v63  }
0x76: {  	s17 =	simm.s32 $0x300  }
0x77: {  	[tilespmem:s26], [sflag:$0x7] =	stream.indirect.gather [spmem:s3], $0x10, s17, s23, $0xb8;
	[tilespmem:$0x15400] =	vst v63  }
.LBB2_6:
0x78: {  	_ =	swait.ge [sflag:s20], $0x7D0  }
0x79: {  	p0 =	seq.s32 s10, $0x0;
	[sflag:s20] =	ssyncset.done $0x0  }
0x7a: {  	s4 =	simm.s32 @!p0 $0x10;
	[sflag:s20] =	ssyncadd.s32 $0xFFFFF830  }
0x7b: {  	_ =	swait.ge @!p0 [sflag:s4], $0x7D0  }
0x7c: {  	s15 =	sshra.s32 s10, $0x2;
	[sflag:s4] =	ssyncset.done @!p0 $0x0  }
0x7d: {  	s12 =	sadd.s32 $0x380, s15;
	[sflag:s4] =	ssyncadd.s32 @!p0 $0xFFFFF830  }
0x7e: {  	[tilespmem:s28], [sflag:$0x8] =	stream.indirect.gather [spmem:s3], $0x10, s12, s23, $0xb8;
	[tilespmem:$0x15400] =	vst v63  }
0x7f: {  	s14 =	sadd.s32 $0x2800, s15  }
0x80: {  	[spmem:s1] =	stream.indirect.scatter.add.f32 [tilespmem:s24], [sflag:$0x9], $0x10, s14, s23, $0xb8;
	[tilespmem:$0x15400] =	vst v63  }
0x81: {  	p0 =	seq.s32 s10, $0x9000;
	_ =	swait.ge [sflag:s21], $0x7D0  }
0x82: {  	s4 =	sshra.s32 @p0 s10, $0x2;
	s12 =	simm.s32 @p0 $0x57D0;
	[sflag:s21] =	ssyncset.done $0x0  }
0x83: {  	s11 =	sadd.s32 @p0 $0x2880, s4;
	s14 =	simm.s32 @p0 $0x7D;
	[sflag:s21] =	ssyncadd.s32 $0xFFFFF830  }
0x84: {  	[spmem:s1] =	stream.indirect.scatter.add.f32 @p0 [tilespmem:s12], [sflag:$0xA], $0x10, s11, s14, $0xb8;
	[tilespmem:$0x15400] =	vst v63  }
0x85: {  	s11 =	simm.s32 @p0 $0x3  }
0x86: {  	_ =	swait.ge @p0 [sflag:s11], $0x7D0  }
0x87: {  	[sflag:s11] =	ssyncset.done @p0 $0x0  }
0x88: {  	[sflag:s11] =	ssyncadd.s32 @p0 $0xFFFFF830;
	s11 =	simm.s32 @!p0 $0x9  }
0x89: {  	_ =	swait.ge @!p0 [sflag:s11], $0x7D0  }
0x8a: {  	[sflag:s11] =	ssyncset.done @!p0 $0x0  }
0x8b: {  	[sflag:s11] =	ssyncadd.s32 @!p0 $0xFFFFF830;
	s11 =	sshra.s32 @!p0 s10, $0x2  }
0x8c: {  	s0 =	simm.s32 @!p0 $0x5000;
	s12 =	simm.s32 @!p0 $0x7D;
	s17 =	sadd.s32 @!p0 $0x400, s11  }
0x8d: {  	[tilespmem:s0], [sflag:$0x1] =	stream.indirect.gather @!p0 [spmem:s3], $0x10, s17, s12, $0xb8;
	[tilespmem:$0x15400] =	vst v63  }
0x8e: {  	s0 =	sadd.s32 @!p0 $0x2880, s11;
	s17 =	simm.s32 @!p0 $0x57D0  }
0x8f: {  	[spmem:s1] =	stream.indirect.scatter.add.f32 @!p0 [tilespmem:s17], [sflag:$0xA], $0x10, s0, s12, $0xb8;
	[tilespmem:$0x15400] =	vst v63  }
0x90: {  	s0 =	simm.s32 @!p0 $0x3  }
0x91: {  	_ =	swait.ge @!p0 [sflag:s0], $0x7D0  }
0x92: {  	[sflag:s0] =	ssyncset.done @!p0 $0x0  }
0x93: {  	[sflag:s0] =	ssyncadd.s32 @!p0 $0xFFFFF830;
	s0 =	simm.s32 @!p0 $0xA  }
0x94: {  	_ =	swait.ge @!p0 [sflag:s0], $0x7D0  }
0x95: {  	[sflag:s0] =	ssyncset.done @!p0 $0x0  }
0x96: {  	[sflag:s0] =	ssyncadd.s32 @!p0 $0xFFFFF830;
	s0 =	sadd.s32 @!p0 $0x480, s11  }
0x97: {  	[tilespmem:s17], [sflag:$0x2] =	stream.indirect.gather @!p0 [spmem:s3], $0x10, s0, s12, $0xb8;
	[tilespmem:$0x15400] =	vst v63  }
0x98: {  	s17 =	sadd.s32 $0x2900, s15  }
0x99: {  	[spmem:s1] =	stream.indirect.scatter.add.f32 [tilespmem:s29], [sflag:$0xB], $0x10, s17, s23, $0xb8;
	[tilespmem:$0x15400] =	vst v63  }
0x9a: {  	_ =	swait.ge [sflag:s18], $0x7D0  }
0x9b: {  	[sflag:s18] =	ssyncset.done $0x0  }
0x9c: {  	s0 =	sadd.s32 @p0 $0x2980, s4;
	s17 =	simm.s32 @p0 $0x6770;
	[sflag:s18] =	ssyncadd.s32 $0xFFFFF830  }
0x9d: {  	[spmem:s1] =	stream.indirect.scatter.add.f32 @p0 [tilespmem:s17], [sflag:$0xC], $0x10, s0, s14, $0xb8;
	[tilespmem:$0x15400] =	vst v63  }
0x9e: {  	s0 =	simm.s32 @p0 $0x5  }
0x9f: {  	_ =	swait.ge @p0 [sflag:s0], $0x7D0  }
0xa0: {  	[sflag:s0] =	ssyncset.done @p0 $0x0  }
0xa1: {  	[sflag:s0] =	ssyncadd.s32 @p0 $0xFFFFF830;
	s0 =	simm.s32 @!p0 $0xB  }
0xa2: {  	_ =	swait.ge @!p0 [sflag:s0], $0x7D0  }
0xa3: {  	[sflag:s0] =	ssyncset.done @!p0 $0x0  }
0xa4: {  	s17 =	simm.s32 @!p0 $0x5FA0;
	[sflag:s0] =	ssyncadd.s32 @!p0 $0xFFFFF830;
	s0 =	sadd.s32 @!p0 $0x500, s11  }
0xa5: {  	[tilespmem:s17], [sflag:$0x3] =	stream.indirect.gather @!p0 [spmem:s3], $0x10, s0, s12, $0xb8;
	[tilespmem:$0x15400] =	vst v63  }
0xa6: {  	s0 =	sadd.s32 @!p0 $0x2980, s11;
	s17 =	simm.s32 @!p0 $0x6770  }
0xa7: {  	[spmem:s1] =	stream.indirect.scatter.add.f32 @!p0 [tilespmem:s17], [sflag:$0xC], $0x10, s0, s12, $0xb8;
	[tilespmem:$0x15400] =	vst v63  }
0xa8: {  	s0 =	simm.s32 @!p0 $0x5  }
0xa9: {  	_ =	swait.ge @!p0 [sflag:s0], $0x7D0  }
0xaa: {  	[sflag:s0] =	ssyncset.done @!p0 $0x0  }
0xab: {  	[sflag:s0] =	ssyncadd.s32 @!p0 $0xFFFFF830;
	s0 =	simm.s32 @!p0 $0xC  }
0xac: {  	_ =	swait.ge @!p0 [sflag:s0], $0x7D0  }
0xad: {  	[sflag:s0] =	ssyncset.done @!p0 $0x0  }
0xae: {  	[sflag:s0] =	ssyncadd.s32 @!p0 $0xFFFFF830;
	s0 =	sadd.s32 @!p0 $0x580, s11  }
0xaf: {  	[tilespmem:s17], [sflag:$0x4] =	stream.indirect.gather @!p0 [spmem:s3], $0x10, s0, s12, $0xb8;
	[tilespmem:$0x15400] =	vst v63  }
0xb0: {  	s17 =	sadd.s32 $0x2A00, s15  }
0xb1: {  	[spmem:s1] =	stream.indirect.scatter.add.f32 [tilespmem:s2], [sflag:$0xD], $0x10, s17, s23, $0xb8;
	[tilespmem:$0x15400] =	vst v63  }
0xb2: {  	_ =	swait.ge [sflag:s30], $0x7D0  }
0xb3: {  	[sflag:s30] =	ssyncset.done $0x0  }
0xb4: {  	s0 =	sadd.s32 @p0 $0x2A80, s4;
	s4 =	simm.s32 @p0 $0x7710;
	[sflag:s30] =	ssyncadd.s32 $0xFFFFF830  }
0xb5: {  	[spmem:s1] =	stream.indirect.scatter.add.f32 @p0 [tilespmem:s4], [sflag:$0xE], $0x10, s0, s14, $0xb8;
	[tilespmem:$0x15400] =	vst v63  }
0xb6: {  	s0 =	simm.s32 @p0 $0x7  }
0xb7: {  	_ =	swait.ge @p0 [sflag:s0], $0x7D0  }
0xb8: {  	[sflag:s0] =	ssyncset.done @p0 $0x0  }
0xb9: {  	[sflag:s0] =	ssyncadd.s32 @p0 $0xFFFFF830;
	s0 =	simm.s32 @!p0 $0xD  }
0xba: {  	_ =	swait.ge @!p0 [sflag:s0], $0x7D0  }
0xbb: {  	[sflag:s0] =	ssyncset.done @!p0 $0x0  }
0xbc: {  	s4 =	simm.s32 @!p0 $0x6F40;
	[sflag:s0] =	ssyncadd.s32 @!p0 $0xFFFFF830;
	s0 =	sadd.s32 @!p0 $0x600, s11  }
0xbd: {  	[tilespmem:s4], [sflag:$0x5] =	stream.indirect.gather @!p0 [spmem:s3], $0x10, s0, s12, $0xb8;
	[tilespmem:$0x15400] =	vst v63  }
0xbe: {  	s0 =	sadd.s32 @!p0 $0x2A80, s11;
	s4 =	simm.s32 @!p0 $0x7710  }
0xbf: {  	[spmem:s1] =	stream.indirect.scatter.add.f32 @!p0 [tilespmem:s4], [sflag:$0xE], $0x10, s0, s12, $0xb8;
	[tilespmem:$0x15400] =	vst v63  }
0xc0: {  	s0 =	simm.s32 @!p0 $0x7  }
0xc1: {  	_ =	swait.ge @!p0 [sflag:s0], $0x7D0  }
0xc2: {  	[sflag:s0] =	ssyncset.done @!p0 $0x0  }
0xc3: {  	[sflag:s0] =	ssyncadd.s32 @!p0 $0xFFFFF830;
	s0 =	simm.s32 @!p0 $0xE  }
0xc4: {  	_ =	swait.ge @!p0 [sflag:s0], $0x7D0  }
0xc5: {  	[sflag:s0] =	ssyncset.done @!p0 $0x0  }
0xc6: {  	[sflag:s0] =	ssyncadd.s32 @!p0 $0xFFFFF830;
	s0 =	sadd.s32 @!p0 $0x680, s11  }
0xc7: {  	[tilespmem:s4], [sflag:$0x6] =	stream.indirect.gather @!p0 [spmem:s3], $0x10, s0, s12, $0xb8;
	[tilespmem:$0x15400] =	vst v63  }
.Ltmp4:
0xc8: {  	s17 =	sadd.s32 $0x2B00, s15;
	(pc) =	sbr.rel @p0 .LBB2_8-.Ltmp4, $4  }
0xc9: {  	[spmem:s1] =	stream.indirect.scatter.add.f32 [tilespmem:s26], [sflag:$0xF], $0x10, s17, s23, $0xb8;
	[tilespmem:$0x15400] =	vst v63  }
0xca: {  	_ =	swait.ge [sflag:s31], $0x7D0  }
0xcb: {  	[sflag:s31] =	ssyncset.done $0x0  }
0xcc: {  	s4 =	sadd.s32 $0x2B80, s15;
	[sflag:s31] =	ssyncadd.s32 $0xFFFFF830  }
0xcd: {  	_ =	swait.ge [sflag:s6], $0x7D0  }
.Ltmp5:
0xce: {  	[sflag:s6] =	ssyncset.done $0x0;
	(pc) =	sbr.rel .LBB2_6-.Ltmp5, $4  }
0xcf: {  	s0 =	sadd.s32 $0x700, s15;
	[sflag:s6] =	ssyncadd.s32 $0xFFFFF830  }
0xd0: {  	[tilespmem:s26], [sflag:$0x7] =	stream.indirect.gather [spmem:s3], $0x10, s0, s23, $0xb8;
	[tilespmem:$0x15400] =	vst v63  }
0xd1: {  	s10 =	sadd.s32 $0x1000, s10  }
0xd2: {  	[spmem:s1] =	stream.indirect.scatter.add.f32 [tilespmem:s28], [sflag:$0x10], $0x10, s4, s23, $0xb8;
	[tilespmem:$0x15400] =	vst v63  }
.LBB2_9:
0xd3: {  	_ =	sfence.sel $0x180000  }
0xd4: {  	[bflag:$0x0] =	sbarrier.arrive $0xFFFF  }
0xd5: {  	_ =	strace $0x9000004A  }
0xd6: {  	s0 =	stileid.u32;
	[bflag:$0x2] =	sbarrier.arrive $0xFFFF  }
0xd7: {  	p0 =	sne.s32 s0, $0x0;
	s0 =	rddreg [dreg:$0x4]  }
0xd8: {  	s0 =	sadd.s32 @!p0 $0x100000, s0  }
0xd9: {  	[sflag:s0] =	ssyncadd.tile.s32 @!p0 $0x1;
	_ =	shalt  }
.Lfunc_end2:
_tile_overlayer_lowered:
.L_overlay_start_2:
0xda: {  	(tag) =	ssettag $0x2  }
0xdb: {  	s0 =	rddreg [dreg:$0x0];
	s2 =	stileid.u32  }
0xdc: {  	s1 =	rddreg [dreg:$0x1];
	p0 =	sne.s32 s2, $0x0  }
0xdd: {  	s3 =	rddreg [dreg:$0x2];
	[bflag:$0x3] =	sbarrier.arrive $0xFFFF;
	s2 =	simm.s32 @!p0 $0x1C11  }
0xde: {  	[timem:s3], [sflag:s2] =	dma.local @!p0 [hbm:s0], s1  }
0xdf: {  	s0 =	simm.s32 @!p0 $0x11  }
0xe0: {  	_ =	swait.ge @!p0 [sflag:s0], s1  }
0xe1: {  	s1 =	ssub.s32 @!p0 $0x0, s1;
	[sflag:s0] =	ssyncset.done @!p0 $0x0  }
0xe2: {  	[sflag:s0] =	ssyncadd.s32 @!p0 s1  }
0xe3: {  	[bflag:$0x3] =	sbarrier.arrive $0xFFFF  }
0xe4: {  	_ =	shalt  }

</sc_bundles>
